<compile_context>
chip_gen: v7x
topology: tpu7x:2x2x1
jax: 0.10.2.dev20260603
libtpu: 0.0.44.dev20260713+nightly
codegen_flags: <defaults>
</compile_context>

<pallas_src>
import functools

import jax
import jax.numpy as jnp
from jax import lax
from jax.experimental import pallas as pl
from jax.experimental.pallas import tpu as pltpu
from jax.experimental.pallas import tpu_sc as plsc

N = 10000
E = 320000
D = 128
NT = 16
RPT = N // NT
RSTAGE = 25

CHUNK = 125
NG = 4
GC = 40
NROW = N

DCHUNK = 125
DNCHUNK = (E // NT) // DCHUNK
MDEG = 10240
DLANE = 16

_mesh = plsc.VectorSubcoreMesh(core_axis_name="c", subcore_axis_name="s")
_sc_params = pltpu.CompilerParams(use_tc_tiling_on_sc=False)


def _deg_body(dstL_hbm, dstN_hbm, ones_hbm, zeros_hbm, out_hbm,
              deg_sh, idx_v, ones_v, stage_v):
    c = lax.axis_index("c")
    s = lax.axis_index("s")
    pltpu.sync_copy(ones_hbm, ones_v)
    pltpu.sync_copy(zeros_hbm, stage_v)
    pltpu.sync_copy(stage_v, deg_sh.at[pl.ds(s * 640, 640), :])

    @pl.when(c == 0)
    def _():
        pltpu.sync_copy(dstL_hbm.at[s], idx_v)

    @pl.when(c == 1)
    def _():
        pltpu.sync_copy(dstN_hbm.at[s], idx_v)

    plsc.subcore_barrier()

    def body(j, carry):
        pltpu.sync_copy(ones_v, deg_sh.at[idx_v.at[j]], add=True)
        return carry

    lax.fori_loop(0, DNCHUNK, body, 0)
    plsc.subcore_barrier()
    pltpu.sync_copy(deg_sh.at[pl.ds(s * 640, 640), :], stage_v)
    pltpu.sync_copy(stage_v, out_hbm.at[c, pl.ds(s * 640, 640), :])


_deg_kernel = pl.kernel(
    _deg_body,
    out_type=jax.ShapeDtypeStruct((2, MDEG, DLANE), jnp.float32),
    mesh=_mesh,
    scratch_types=[
        pltpu.VMEM_SHARED((MDEG, DLANE), jnp.float32),
        pltpu.VMEM((DNCHUNK, DCHUNK), jnp.int32),
        pltpu.VMEM((DCHUNK, DLANE), jnp.float32),
        pltpu.VMEM((640, DLANE), jnp.float32),
    ],
    compiler_params=_sc_params,
)


def _conv_body(yL_hbm, yN_hbm, sL_hbm, dL_hbm, sN_hbm, dN_hbm, out_hbm,
               acc_sh, sidx_v, didx_v, rows_v, stage_v):
    c = lax.axis_index("c")
    s = lax.axis_index("s")
    base = s * RPT

    def init(y_hbm):
        def b(t, carry):
            sl = pl.ds(base + t * RSTAGE, RSTAGE)
            pltpu.sync_copy(y_hbm.at[sl, :], stage_v)
            pltpu.sync_copy(stage_v, acc_sh.at[sl, :])
            return carry
        lax.fori_loop(0, RPT // RSTAGE, b, 0)

    @pl.when(c == 0)
    def _():
        init(yL_hbm)

    @pl.when(c == 1)
    def _():
        init(yN_hbm)

    plsc.subcore_barrier()

    def edges(y_hbm, s4, d4):
        def gbody(g, carry):
            pltpu.sync_copy(s4.at[s, g], sidx_v)
            pltpu.sync_copy(d4.at[s, g], didx_v)

            def cbody(j, carry2):
                pltpu.sync_copy(y_hbm.at[sidx_v.at[j]], rows_v)
                pltpu.sync_copy(rows_v, acc_sh.at[didx_v.at[j]], add=True)
                return carry2

            lax.fori_loop(0, GC, cbody, 0)
            return carry

        lax.fori_loop(0, NG, gbody, 0)

    @pl.when(c == 0)
    def _():
        edges(yL_hbm, sL_hbm, dL_hbm)

    @pl.when(c == 1)
    def _():
        edges(yN_hbm, sN_hbm, dN_hbm)

    plsc.subcore_barrier()

    def wb(t, carry):
        sl = pl.ds(base + t * RSTAGE, RSTAGE)
        pltpu.sync_copy(acc_sh.at[sl, :], stage_v)
        pltpu.sync_copy(stage_v, out_hbm.at[c, sl, :])
        return carry

    lax.fori_loop(0, RPT // RSTAGE, wb, 0)


_conv_kernel = pl.kernel(
    _conv_body,
    out_type=jax.ShapeDtypeStruct((2, N, D), jnp.float32),
    mesh=_mesh,
    scratch_types=[
        pltpu.VMEM_SHARED((NROW, D), jnp.float32),
        pltpu.VMEM((GC, CHUNK), jnp.int32),
        pltpu.VMEM((GC, CHUNK), jnp.int32),
        pltpu.VMEM((CHUNK, D), jnp.float32),
        pltpu.VMEM((RSTAGE, D), jnp.float32),
    ],
    compiler_params=_sc_params,
)


GRID = 10
RB = N // GRID

_row = pl.BlockSpec((RB, D), lambda i: (i, 0))
_col = pl.BlockSpec((RB, 1), lambda i: (i, 0))
_full = pl.BlockSpec((D, D), lambda i: (0, 0))
_vec = pl.BlockSpec((1, D), lambda i: (0, 0))


def _mm_body(x_ref, w0_ref, w1_ref, dl_ref, dn_ref, yl_ref, yn_ref):
    dinv_l = lax.rsqrt(dl_ref[...] + 1.0)
    dinv_n = lax.rsqrt(dn_ref[...] + 1.0)
    xb = x_ref[...]
    yl_ref[...] = jnp.dot(xb, w0_ref[...], preferred_element_type=jnp.float32) * dinv_l
    yn_ref[...] = jnp.dot(xb, w1_ref[...], preferred_element_type=jnp.float32) * dinv_n


_mm = pl.pallas_call(
    _mm_body,
    grid=(GRID,),
    in_specs=[_row, _full, _full, _col, _col],
    out_specs=[_row, _row],
    out_shape=[jax.ShapeDtypeStruct((N, D), jnp.float32)] * 2,
)


def _combine_stats_body(al_ref, an_ref, dl_ref, dn_ref, b_ref,
                        h_ref, st_ref):
    i = pl.program_id(0)
    dinv_l = lax.rsqrt(dl_ref[...] + 1.0)
    dinv_n = lax.rsqrt(dn_ref[...] + 1.0)
    h = al_ref[...] * dinv_l + 0.5 * (an_ref[...] * dinv_n) + b_ref[...]
    h_ref[...] = h
    st = jnp.concatenate(
        [jnp.sum(h, axis=0, keepdims=True),
         jnp.sum(h * h, axis=0, keepdims=True)], axis=0)

    @pl.when(i == 0)
    def _():
        st_ref[...] = st

    @pl.when(i > 0)
    def _():
        st_ref[...] += st


_combine_stats = pl.pallas_call(
    _combine_stats_body,
    grid=(GRID,),
    in_specs=[_row, _row, _col, _col, _vec],
    out_specs=[_row, pl.BlockSpec((2, D), lambda i: (0, 0))],
    out_shape=[jax.ShapeDtypeStruct((N, D), jnp.float32),
               jax.ShapeDtypeStruct((2, D), jnp.float32)],
)


def _bn_mm_body(h_ref, st_ref, g_ref, be_ref, w0_ref, w1_ref, dl_ref, dn_ref,
                yl_ref, yn_ref):
    mean = st_ref[0:1, :] * (1.0 / N)
    var = st_ref[1:2, :] * (1.0 / N) - mean * mean
    inv = lax.rsqrt(var + 1e-5)
    h = jnp.maximum((h_ref[...] - mean) * inv * g_ref[...] + be_ref[...], 0.0)
    dinv_l = lax.rsqrt(dl_ref[...] + 1.0)
    dinv_n = lax.rsqrt(dn_ref[...] + 1.0)
    yl_ref[...] = jnp.dot(h, w0_ref[...], preferred_element_type=jnp.float32) * dinv_l
    yn_ref[...] = jnp.dot(h, w1_ref[...], preferred_element_type=jnp.float32) * dinv_n


_bn_mm = pl.pallas_call(
    _bn_mm_body,
    grid=(GRID,),
    in_specs=[_row, pl.BlockSpec((2, D), lambda i: (0, 0)), _vec, _vec,
              _full, _full, _col, _col],
    out_specs=[_row, _row],
    out_shape=[jax.ShapeDtypeStruct((N, D), jnp.float32)] * 2,
)


def _final_body(al_ref, an_ref, dl_ref, dn_ref, b_ref, o_ref):
    dinv_l = lax.rsqrt(dl_ref[...] + 1.0)
    dinv_n = lax.rsqrt(dn_ref[...] + 1.0)
    o_ref[...] = al_ref[...] * dinv_l + 0.5 * (an_ref[...] * dinv_n) + b_ref[...]


_final = pl.pallas_call(
    _final_body,
    grid=(GRID,),
    in_specs=[_row, _row, _col, _col, _vec],
    out_specs=_row,
    out_shape=jax.ShapeDtypeStruct((N, D), jnp.float32),
)


def kernel(x, adj_low, adj_high, adj_nd_low, adj_nd_high,
           W0, b0, Whi0, bhi0, W1, b1, Whi1, bhi1, gamma, beta):
    adj_low = adj_low.astype(jnp.int32)
    adj_nd = adj_nd_low.astype(jnp.int32)

    def pad4(src, dst):
        s4 = src.reshape(NT, NG, GC, CHUNK)
        d4 = dst.reshape(NT, NG, GC, CHUNK)
        return s4, d4

    sL4, dL4 = pad4(adj_low[0], adj_low[1])
    sN4, dN4 = pad4(adj_nd[0], adj_nd[1])
    dL3 = adj_low[1].reshape(NT, DNCHUNK, DCHUNK)
    dN3 = adj_nd[1].reshape(NT, DNCHUNK, DCHUNK)

    ones = jnp.ones((DCHUNK, DLANE), jnp.float32)
    zeros = jnp.zeros((640, DLANE), jnp.float32)
    deg = _deg_kernel(dL3, dN3, ones, zeros)
    deg_l = deg[0, :N, 0:1]
    deg_n = deg[1, :N, 0:1]

    bias0 = (b0 + 0.5 * bhi0).reshape(1, D)
    bias1 = (b1 + 0.5 * bhi1).reshape(1, D)

    y0_l, y0_n = _mm(x, W0, Whi0, deg_l, deg_n)
    acc0 = _conv_kernel(y0_l, y0_n, sL4, dL4, sN4, dN4)
    h_pre, stats = _combine_stats(acc0[0], acc0[1], deg_l, deg_n, bias0)
    y1_l, y1_n = _bn_mm(h_pre, stats, gamma.reshape(1, D), beta.reshape(1, D),
                        W1, Whi1, deg_l, deg_n)
    acc1 = _conv_kernel(y1_l, y1_n, sL4, dL4, sN4, dN4)
    return _final(acc1[0], acc1[1], deg_l, deg_n, bias1)

# --- scband reference (transcript-rebuilt; emitter-appended) ---
"""Pipeline reference for scband-gcn-88450556494350 (READ-ONLY COPY).

The authoritative reference and input builder live on the scoring server;
editing this copy changes nothing except your own understanding.
"""

import jax, jax.numpy as jnp
import numpy as np

N, E, D, H, O = 10000, 320000, 128, 128, 128
ND_LAMBDA = 0.5


def gcn_conv(x, edge_index, W, b):
    n = x.shape[0]
    xw = x @ W
    loop = jnp.arange(n, dtype=edge_index.dtype)
    src = jnp.concatenate([edge_index[0], loop])
    dst = jnp.concatenate([edge_index[1], loop])
    deg = jax.ops.segment_sum(jnp.ones(src.shape[0], dtype=xw.dtype), dst, num_segments=n)
    dinv = jnp.where(deg > 0, deg ** -0.5, 0.0)
    norm = dinv[src] * dinv[dst]
    msg = xw[src] * norm[:, None]
    out = jax.ops.segment_sum(msg, dst, num_segments=n)
    return out + b


def setup_inputs(seed: int = 0) -> dict:
    key = jax.random.key(seed)
    ks = jax.random.split(key, 16)
    x = jax.random.normal(ks[0], (N, D), dtype=jnp.float32)
    adj_low = jax.random.randint(ks[1], (2, E), 0, N, dtype=jnp.int64)
    adj_high = jax.random.randint(ks[2], (2, E), 0, N, dtype=jnp.int64)
    adj_nd_low = jax.random.randint(ks[3], (2, E), 0, N, dtype=jnp.int64)
    adj_nd_high = jax.random.randint(ks[4], (2, E), 0, N, dtype=jnp.int64)
    s0 = (2.0 / (D + H)) ** 0.5
    s1 = (2.0 / (H + O)) ** 0.5
    W0 = jax.random.normal(ks[5], (D, H), dtype=jnp.float32) * s0
    Whi0 = jax.random.normal(ks[6], (D, H), dtype=jnp.float32) * s0
    b0 = jnp.zeros((H,), dtype=jnp.float32)
    bhi0 = jnp.zeros((H,), dtype=jnp.float32)
    W1 = jax.random.normal(ks[7], (H, O), dtype=jnp.float32) * s1
    Whi1 = jax.random.normal(ks[8], (H, O), dtype=jnp.float32) * s1
    b1 = jnp.zeros((O,), dtype=jnp.float32)
    bhi1 = jnp.zeros((O,), dtype=jnp.float32)
    gamma = jnp.ones((H,), dtype=jnp.float32)
    beta = jnp.zeros((H,), dtype=jnp.float32)
    return {"x": x, "adj_low": adj_low, "adj_high": adj_high, "adj_nd_low": adj_nd_low,
            "adj_nd_high": adj_nd_high, "W0": W0, "b0": b0, "Whi0": Whi0, "bhi0": bhi0,
            "W1": W1, "b1": b1, "Whi1": Whi1, "bhi1": bhi1, "gamma": gamma, "beta": beta}


def reference(x, adj_low, adj_high, adj_nd_low, adj_nd_high,
              W0, b0, Whi0, bhi0, W1, b1, Whi1, bhi1, gamma, beta):
    # layer 0: low-pass conv + nd_lambda * high-freq conv on nd graph
    h = gcn_conv(x, adj_low, W0, b0) + ND_LAMBDA * gcn_conv(x, adj_nd_low, Whi0, bhi0)
    # BatchNorm1d (batch statistics, affine)
    mean = jnp.mean(h, axis=0)
    var = jnp.var(h, axis=0)
    h = (h - mean) / jnp.sqrt(var + 1e-5) * gamma + beta
    h = jax.nn.relu(h)
    # dropout is identity in eval / deterministic reference
    out = gcn_conv(h, adj_low, W1, b1) + ND_LAMBDA * gcn_conv(h, adj_nd_low, Whi1, bhi1)
    return out

if __name__ == "__main__":
    import jax
    _d = setup_inputs()
    print(jax.jit(kernel)(*tuple(_d.values())))

</pallas_src>

<mosaic_0001>
#map = affine_map<(d0, d1) -> (0, 0)>
#map1 = affine_map<(d0, d1) -> (0, 0, 0, 0)>
#map2 = affine_map<(d0, d1) -> (0, 0, 0)>
module attributes {stable_mosaic.version = 14 : i64} {
  func.func @_conv_body(%arg0: i32, %arg1: i32, %arg2: memref<10000x128xf32, #tpu.memory_space<hbm>>, %arg3: memref<10000x128xf32, #tpu.memory_space<hbm>>, %arg4: memref<16x4x40x125xi32, #tpu.memory_space<hbm>>, %arg5: memref<16x4x40x125xi32, #tpu.memory_space<hbm>>, %arg6: memref<16x4x40x125xi32, #tpu.memory_space<hbm>>, %arg7: memref<16x4x40x125xi32, #tpu.memory_space<hbm>>, %arg8: memref<2x10000x128xf32, #tpu.memory_space<hbm>>, %arg9: memref<10000x128xf32, #tpu.memory_space<vmem_shared>>, %arg10: memref<40x125xi32, #tpu.memory_space<vmem>>, %arg11: memref<40x125xi32, #tpu.memory_space<vmem>>, %arg12: memref<125x128xf32, #tpu.memory_space<vmem>>, %arg13: memref<25x128xf32, #tpu.memory_space<vmem>>) attributes {dimension_semantics = [#tpu.dimension_semantics<core_parallel>, #tpu.dimension_semantics<subcore_parallel>], iteration_bounds = array<i64: 2, 16>, scalar_prefetch = 0 : i64, scratch_operands = 5 : i64, tpu.core_type = #tpu.core_type<sc_vector_subcore>, window_params = [{transform_indices = #map}, {transform_indices = #map}, {transform_indices = #map1}, {transform_indices = #map1}, {transform_indices = #map1}, {transform_indices = #map1}, {transform_indices = #map2}]} {
    %mul3A = arith.constant 625 : i32
    %mul3A_0 = arith.muli %arg1, %mul3A : i32
    %eq3A = arith.constant 0 : i32
    %eq3A_1 = arith.cmpi eq, %arg0, %eq3A : i32
    %convert_element_type3A = arith.extui %eq3A_1 : i1 to i32
    %cond3A = arith.constant 0 : i32
    %cond3A_2 = arith.cmpi ne, %convert_element_type3A, %cond3A : i32
    scf.if %cond3A_2 {
      %scan3A_24 = arith.constant 0 : i32
      %scan3A_25 = arith.constant 0 : i32
      %scan3A_26 = arith.constant 25 : i32
      %scan3A_27 = arith.addi %scan3A_25, %scan3A_26 : i32
      %scan3A_28 = arith.constant 1 : i32
      scf.for %scan3A_30 = %scan3A_25 to %scan3A_27 step %scan3A_28  : i32 {
        %mul3A_31 = arith.constant 25 : i32
        %mul3A_32 = arith.muli %scan3A_30, %mul3A_31 : i32
        %add3A = arith.addi %mul3A_0, %mul3A_32 : i32
        "tpu.region"() ({
          %run_scoped3A = tpu.sem_alloc : memref<!tpu.dma_semaphore, #tpu.memory_space<semaphore_mem>>
          %dma_start3A = arith.constant 0 : i32
          %dma_start3A_33 = tpu.memref_slice %arg2[%add3A, %dma_start3A] : memref<10000x128xf32, #tpu.memory_space<hbm>> -> memref<25x128xf32, #tpu.memory_space<hbm>>
          %dma_start3A_34 = arith.constant 0 : i32
          %dma_start3A_35 = tpu.memref_slice %arg2[%add3A, %dma_start3A_34] : memref<10000x128xf32, #tpu.memory_space<hbm>> -> memref<25x128xf32, #tpu.memory_space<hbm>>
          tpu.enqueue_dma source(%dma_start3A_35 : memref<25x128xf32, #tpu.memory_space<hbm>>) target(%arg13 : memref<25x128xf32, #tpu.memory_space<vmem>>) target_semaphore(%run_scoped3A : memref<!tpu.dma_semaphore, #tpu.memory_space<semaphore_mem>>)
          %dma_wait3A = arith.constant 0 : i32
          %dma_wait3A_36 = tpu.memref_slice %arg2[%add3A, %dma_wait3A] : memref<10000x128xf32, #tpu.memory_space<hbm>> -> memref<25x128xf32, #tpu.memory_space<hbm>>
          %dma_wait3A_37 = arith.constant 0 : i32
          %dma_wait3A_38 = tpu.memref_slice %arg2[%add3A, %dma_wait3A_37] : memref<10000x128xf32, #tpu.memory_space<hbm>> -> memref<25x128xf32, #tpu.memory_space<hbm>>
          tpu.wait_dma2 semaphore(%run_scoped3A : memref<!tpu.dma_semaphore, #tpu.memory_space<semaphore_mem>>) src(%dma_wait3A_38 : memref<25x128xf32, #tpu.memory_space<hbm>>) dst(%arg13 : memref<25x128xf32, #tpu.memory_space<vmem>>)
          tpu.yield
        }) : () -> ()
        "tpu.region"() ({
          %run_scoped3A = tpu.sem_alloc : memref<!tpu.dma_semaphore, #tpu.memory_space<semaphore_mem>>
          %dma_start3A = arith.constant 0 : i32
          %dma_start3A_33 = tpu.memref_slice %arg9[%add3A, %dma_start3A] : memref<10000x128xf32, #tpu.memory_space<vmem_shared>> -> memref<25x128xf32, #tpu.memory_space<vmem_shared>>
          %dma_start3A_34 = arith.constant 0 : i32
          %dma_start3A_35 = tpu.memref_slice %arg9[%add3A, %dma_start3A_34] : memref<10000x128xf32, #tpu.memory_space<vmem_shared>> -> memref<25x128xf32, #tpu.memory_space<vmem_shared>>
          tpu.enqueue_dma source(%arg13 : memref<25x128xf32, #tpu.memory_space<vmem>>) target(%dma_start3A_35 : memref<25x128xf32, #tpu.memory_space<vmem_shared>>) target_semaphore(%run_scoped3A : memref<!tpu.dma_semaphore, #tpu.memory_space<semaphore_mem>>)
          %dma_wait3A = arith.constant 0 : i32
          %dma_wait3A_36 = tpu.memref_slice %arg9[%add3A, %dma_wait3A] : memref<10000x128xf32, #tpu.memory_space<vmem_shared>> -> memref<25x128xf32, #tpu.memory_space<vmem_shared>>
          %dma_wait3A_37 = arith.constant 0 : i32
          %dma_wait3A_38 = tpu.memref_slice %arg9[%add3A, %dma_wait3A_37] : memref<10000x128xf32, #tpu.memory_space<vmem_shared>> -> memref<25x128xf32, #tpu.memory_space<vmem_shared>>
          tpu.wait_dma2 semaphore(%run_scoped3A : memref<!tpu.dma_semaphore, #tpu.memory_space<semaphore_mem>>) src(%arg13 : memref<25x128xf32, #tpu.memory_space<vmem>>) dst(%dma_wait3A_38 : memref<25x128xf32, #tpu.memory_space<vmem_shared>>)
          tpu.yield
        }) : () -> ()
      }
      %scan3A_29 = arith.constant 25 : i32
    } else {
    }
    %eq3A_3 = arith.constant 1 : i32
    %eq3A_4 = arith.cmpi eq, %arg0, %eq3A_3 : i32
    %convert_element_type3A_5 = arith.extui %eq3A_4 : i1 to i32
    %cond3A_6 = arith.constant 0 : i32
    %cond3A_7 = arith.cmpi ne, %convert_element_type3A_5, %cond3A_6 : i32
    scf.if %cond3A_7 {
      %scan3A_24 = arith.constant 0 : i32
      %scan3A_25 = arith.constant 0 : i32
      %scan3A_26 = arith.constant 25 : i32
      %scan3A_27 = arith.addi %scan3A_25, %scan3A_26 : i32
      %scan3A_28 = arith.constant 1 : i32
      scf.for %scan3A_30 = %scan3A_25 to %scan3A_27 step %scan3A_28  : i32 {
        %mul3A_31 = arith.constant 25 : i32
        %mul3A_32 = arith.muli %scan3A_30, %mul3A_31 : i32
        %add3A = arith.addi %mul3A_0, %mul3A_32 : i32
        "tpu.region"() ({
          %run_scoped3A = tpu.sem_alloc : memref<!tpu.dma_semaphore, #tpu.memory_space<semaphore_mem>>
          %dma_start3A = arith.constant 0 : i32
          %dma_start3A_33 = tpu.memref_slice %arg3[%add3A, %dma_start3A] : memref<10000x128xf32, #tpu.memory_space<hbm>> -> memref<25x128xf32, #tpu.memory_space<hbm>>
          %dma_start3A_34 = arith.constant 0 : i32
          %dma_start3A_35 = tpu.memref_slice %arg3[%add3A, %dma_start3A_34] : memref<10000x128xf32, #tpu.memory_space<hbm>> -> memref<25x128xf32, #tpu.memory_space<hbm>>
          tpu.enqueue_dma source(%dma_start3A_35 : memref<25x128xf32, #tpu.memory_space<hbm>>) target(%arg13 : memref<25x128xf32, #tpu.memory_space<vmem>>) target_semaphore(%run_scoped3A : memref<!tpu.dma_semaphore, #tpu.memory_space<semaphore_mem>>)
          %dma_wait3A = arith.constant 0 : i32
          %dma_wait3A_36 = tpu.memref_slice %arg3[%add3A, %dma_wait3A] : memref<10000x128xf32, #tpu.memory_space<hbm>> -> memref<25x128xf32, #tpu.memory_space<hbm>>
          %dma_wait3A_37 = arith.constant 0 : i32
          %dma_wait3A_38 = tpu.memref_slice %arg3[%add3A, %dma_wait3A_37] : memref<10000x128xf32, #tpu.memory_space<hbm>> -> memref<25x128xf32, #tpu.memory_space<hbm>>
          tpu.wait_dma2 semaphore(%run_scoped3A : memref<!tpu.dma_semaphore, #tpu.memory_space<semaphore_mem>>) src(%dma_wait3A_38 : memref<25x128xf32, #tpu.memory_space<hbm>>) dst(%arg13 : memref<25x128xf32, #tpu.memory_space<vmem>>)
          tpu.yield
        }) : () -> ()
        "tpu.region"() ({
          %run_scoped3A = tpu.sem_alloc : memref<!tpu.dma_semaphore, #tpu.memory_space<semaphore_mem>>
          %dma_start3A = arith.constant 0 : i32
          %dma_start3A_33 = tpu.memref_slice %arg9[%add3A, %dma_start3A] : memref<10000x128xf32, #tpu.memory_space<vmem_shared>> -> memref<25x128xf32, #tpu.memory_space<vmem_shared>>
          %dma_start3A_34 = arith.constant 0 : i32
          %dma_start3A_35 = tpu.memref_slice %arg9[%add3A, %dma_start3A_34] : memref<10000x128xf32, #tpu.memory_space<vmem_shared>> -> memref<25x128xf32, #tpu.memory_space<vmem_shared>>
          tpu.enqueue_dma source(%arg13 : memref<25x128xf32, #tpu.memory_space<vmem>>) target(%dma_start3A_35 : memref<25x128xf32, #tpu.memory_space<vmem_shared>>) target_semaphore(%run_scoped3A : memref<!tpu.dma_semaphore, #tpu.memory_space<semaphore_mem>>)
          %dma_wait3A = arith.constant 0 : i32
          %dma_wait3A_36 = tpu.memref_slice %arg9[%add3A, %dma_wait3A] : memref<10000x128xf32, #tpu.memory_space<vmem_shared>> -> memref<25x128xf32, #tpu.memory_space<vmem_shared>>
          %dma_wait3A_37 = arith.constant 0 : i32
          %dma_wait3A_38 = tpu.memref_slice %arg9[%add3A, %dma_wait3A_37] : memref<10000x128xf32, #tpu.memory_space<vmem_shared>> -> memref<25x128xf32, #tpu.memory_space<vmem_shared>>
          tpu.wait_dma2 semaphore(%run_scoped3A : memref<!tpu.dma_semaphore, #tpu.memory_space<semaphore_mem>>) src(%arg13 : memref<25x128xf32, #tpu.memory_space<vmem>>) dst(%dma_wait3A_38 : memref<25x128xf32, #tpu.memory_space<vmem_shared>>)
          tpu.yield
        }) : () -> ()
      }
      %scan3A_29 = arith.constant 25 : i32
    } else {
    }
    %barrier3A = arith.constant 0 : index
    tpu.barrier barrier_id(%barrier3A)
    %eq3A_8 = arith.constant 0 : i32
    %eq3A_9 = arith.cmpi eq, %arg0, %eq3A_8 : i32
    %convert_element_type3A_10 = arith.extui %eq3A_9 : i1 to i32
    %cond3A_11 = arith.constant 0 : i32
    %cond3A_12 = arith.cmpi ne, %convert_element_type3A_10, %cond3A_11 : i32
    scf.if %cond3A_12 {
      %scan3A_24 = arith.constant 0 : i32
      %scan3A_25 = arith.constant 0 : i32
      %scan3A_26 = arith.constant 4 : i32
      %scan3A_27 = arith.addi %scan3A_25, %scan3A_26 : i32
      %scan3A_28 = arith.constant 1 : i32
      scf.for %scan3A_30 = %scan3A_25 to %scan3A_27 step %scan3A_28  : i32 {
        "tpu.region"() ({
          %run_scoped3A = tpu.sem_alloc : memref<!tpu.dma_semaphore, #tpu.memory_space<semaphore_mem>>
          %dma_start3A = arith.constant 0 : i32
          %dma_start3A_37 = arith.constant 0 : i32
          %dma_start3A_38 = tpu.memref_slice %arg4[%arg1, %scan3A_30, %dma_start3A, %dma_start3A_37] : memref<16x4x40x125xi32, #tpu.memory_space<hbm>> -> memref<1x1x40x125xi32, #tpu.memory_space<hbm>>
          %dma_start3A_39 = tpu.memref_squeeze %dma_start3A_38 : memref<1x1x40x125xi32, #tpu.memory_space<hbm>> -> memref<40x125xi32, #tpu.memory_space<hbm>>
          %dma_start3A_40 = arith.constant 0 : i32
          %dma_start3A_41 = arith.constant 0 : i32
          %dma_start3A_42 = tpu.memref_slice %arg4[%arg1, %scan3A_30, %dma_start3A_40, %dma_start3A_41] : memref<16x4x40x125xi32, #tpu.memory_space<hbm>> -> memref<1x1x40x125xi32, #tpu.memory_space<hbm>>
          %dma_start3A_43 = tpu.memref_squeeze %dma_start3A_42 : memref<1x1x40x125xi32, #tpu.memory_space<hbm>> -> memref<40x125xi32, #tpu.memory_space<hbm>>
          tpu.enqueue_dma source(%dma_start3A_43 : memref<40x125xi32, #tpu.memory_space<hbm>>) target(%arg10 : memref<40x125xi32, #tpu.memory_space<vmem>>) target_semaphore(%run_scoped3A : memref<!tpu.dma_semaphore, #tpu.memory_space<semaphore_mem>>)
          %dma_wait3A = arith.constant 0 : i32
          %dma_wait3A_44 = arith.constant 0 : i32
          %dma_wait3A_45 = tpu.memref_slice %arg4[%arg1, %scan3A_30, %dma_wait3A, %dma_wait3A_44] : memref<16x4x40x125xi32, #tpu.memory_space<hbm>> -> memref<1x1x40x125xi32, #tpu.memory_space<hbm>>
          %dma_wait3A_46 = tpu.memref_squeeze %dma_wait3A_45 : memref<1x1x40x125xi32, #tpu.memory_space<hbm>> -> memref<40x125xi32, #tpu.memory_space<hbm>>
          %dma_wait3A_47 = arith.constant 0 : i32
          %dma_wait3A_48 = arith.constant 0 : i32
          %dma_wait3A_49 = tpu.memref_slice %arg4[%arg1, %scan3A_30, %dma_wait3A_47, %dma_wait3A_48] : memref<16x4x40x125xi32, #tpu.memory_space<hbm>> -> memref<1x1x40x125xi32, #tpu.memory_space<hbm>>
          %dma_wait3A_50 = tpu.memref_squeeze %dma_wait3A_49 : memref<1x1x40x125xi32, #tpu.memory_space<hbm>> -> memref<40x125xi32, #tpu.memory_space<hbm>>
          tpu.wait_dma2 semaphore(%run_scoped3A : memref<!tpu.dma_semaphore, #tpu.memory_space<semaphore_mem>>) src(%dma_wait3A_50 : memref<40x125xi32, #tpu.memory_space<hbm>>) dst(%arg10 : memref<40x125xi32, #tpu.memory_space<vmem>>)
          tpu.yield
        }) : () -> ()
        "tpu.region"() ({
          %run_scoped3A = tpu.sem_alloc : memref<!tpu.dma_semaphore, #tpu.memory_space<semaphore_mem>>
          %dma_start3A = arith.constant 0 : i32
          %dma_start3A_37 = arith.constant 0 : i32
          %dma_start3A_38 = tpu.memref_slice %arg5[%arg1, %scan3A_30, %dma_start3A, %dma_start3A_37] : memref<16x4x40x125xi32, #tpu.memory_space<hbm>> -> memref<1x1x40x125xi32, #tpu.memory_space<hbm>>
          %dma_start3A_39 = tpu.memref_squeeze %dma_start3A_38 : memref<1x1x40x125xi32, #tpu.memory_space<hbm>> -> memref<40x125xi32, #tpu.memory_space<hbm>>
          %dma_start3A_40 = arith.constant 0 : i32
          %dma_start3A_41 = arith.constant 0 : i32
          %dma_start3A_42 = tpu.memref_slice %arg5[%arg1, %scan3A_30, %dma_start3A_40, %dma_start3A_41] : memref<16x4x40x125xi32, #tpu.memory_space<hbm>> -> memref<1x1x40x125xi32, #tpu.memory_space<hbm>>
          %dma_start3A_43 = tpu.memref_squeeze %dma_start3A_42 : memref<1x1x40x125xi32, #tpu.memory_space<hbm>> -> memref<40x125xi32, #tpu.memory_space<hbm>>
          tpu.enqueue_dma source(%dma_start3A_43 : memref<40x125xi32, #tpu.memory_space<hbm>>) target(%arg11 : memref<40x125xi32, #tpu.memory_space<vmem>>) target_semaphore(%run_scoped3A : memref<!tpu.dma_semaphore, #tpu.memory_space<semaphore_mem>>)
          %dma_wait3A = arith.constant 0 : i32
          %dma_wait3A_44 = arith.constant 0 : i32
          %dma_wait3A_45 = tpu.memref_slice %arg5[%arg1, %scan3A_30, %dma_wait3A, %dma_wait3A_44] : memref<16x4x40x125xi32, #tpu.memory_space<hbm>> -> memref<1x1x40x125xi32, #tpu.memory_space<hbm>>
          %dma_wait3A_46 = tpu.memref_squeeze %dma_wait3A_45 : memref<1x1x40x125xi32, #tpu.memory_space<hbm>> -> memref<40x125xi32, #tpu.memory_space<hbm>>
          %dma_wait3A_47 = arith.constant 0 : i32
          %dma_wait3A_48 = arith.constant 0 : i32
          %dma_wait3A_49 = tpu.memref_slice %arg5[%arg1, %scan3A_30, %dma_wait3A_47, %dma_wait3A_48] : memref<16x4x40x125xi32, #tpu.memory_space<hbm>> -> memref<1x1x40x125xi32, #tpu.memory_space<hbm>>
          %dma_wait3A_50 = tpu.memref_squeeze %dma_wait3A_49 : memref<1x1x40x125xi32, #tpu.memory_space<hbm>> -> memref<40x125xi32, #tpu.memory_space<hbm>>
          tpu.wait_dma2 semaphore(%run_scoped3A : memref<!tpu.dma_semaphore, #tpu.memory_space<semaphore_mem>>) src(%dma_wait3A_50 : memref<40x125xi32, #tpu.memory_space<hbm>>) dst(%arg11 : memref<40x125xi32, #tpu.memory_space<vmem>>)
          tpu.yield
        }) : () -> ()
        %scan3A_31 = arith.constant 0 : i32
        %scan3A_32 = arith.constant 0 : i32
        %scan3A_33 = arith.constant 40 : i32
        %scan3A_34 = arith.addi %scan3A_32, %scan3A_33 : i32
        %scan3A_35 = arith.constant 1 : i32
        scf.for %scan3A_37 = %scan3A_32 to %scan3A_34 step %scan3A_35  : i32 {
          "tpu.region"() ({
            %run_scoped3A = tpu.sem_alloc : memref<!tpu.dma_semaphore, #tpu.memory_space<semaphore_mem>>
            %dma_start3A = arith.constant 0 : i32
            %dma_start3A_38 = tpu.memref_slice %arg10[%scan3A_37, %dma_start3A] : memref<40x125xi32, #tpu.memory_space<vmem>> -> memref<1x125xi32, #tpu.memory_space<vmem>>
            %dma_start3A_39 = tpu.memref_squeeze %dma_start3A_38 : memref<1x125xi32, #tpu.memory_space<vmem>> -> memref<125xi32, #tpu.memory_space<vmem>>
            %dma_start3A_40 = arith.constant 0 : i32
            %dma_start3A_41 = arith.constant 0 : i32
            %dma_start3A_42 = tpu.memref_slice %arg2[%dma_start3A_40, %dma_start3A_41] : memref<10000x128xf32, #tpu.memory_space<hbm>> -> memref<10000x128xf32, #tpu.memory_space<hbm>>
            tpu.enqueue_indirect_dma source(%dma_start3A_42 : memref<10000x128xf32, #tpu.memory_space<hbm>>) target(%arg12 : memref<125x128xf32, #tpu.memory_space<vmem>>) offsets(%dma_start3A_39 : memref<125xi32, #tpu.memory_space<vmem>>) semaphore(%run_scoped3A : memref<!tpu.dma_semaphore, #tpu.memory_space<semaphore_mem>>)
            %dma_wait3A = arith.constant 0 : i32
            %dma_wait3A_43 = tpu.memref_slice %arg10[%scan3A_37, %dma_wait3A] : memref<40x125xi32, #tpu.memory_space<vmem>> -> memref<1x125xi32, #tpu.memory_space<vmem>>
            %dma_wait3A_44 = tpu.memref_squeeze %dma_wait3A_43 : memref<1x125xi32, #tpu.memory_space<vmem>> -> memref<125xi32, #tpu.memory_space<vmem>>
            %dma_wait3A_45 = arith.constant 0 : i32
            %dma_wait3A_46 = arith.constant 0 : i32
            %dma_wait3A_47 = tpu.memref_slice %arg2[%dma_wait3A_45, %dma_wait3A_46] : memref<10000x128xf32, #tpu.memory_space<hbm>> -> memref<10000x128xf32, #tpu.memory_space<hbm>>
            tpu.wait_indirect_dma semaphore(%run_scoped3A : memref<!tpu.dma_semaphore, #tpu.memory_space<semaphore_mem>>) src(%dma_wait3A_47 : memref<10000x128xf32, #tpu.memory_space<hbm>>) dst(%arg12 : memref<125x128xf32, #tpu.memory_space<vmem>>)
            tpu.yield
          }) : () -> ()
          "tpu.region"() ({
            %run_scoped3A = tpu.sem_alloc : memref<!tpu.dma_semaphore, #tpu.memory_space<semaphore_mem>>
            %dma_start3A = arith.constant 0 : i32
            %dma_start3A_38 = tpu.memref_slice %arg11[%scan3A_37, %dma_start3A] : memref<40x125xi32, #tpu.memory_space<vmem>> -> memref<1x125xi32, #tpu.memory_space<vmem>>
            %dma_start3A_39 = tpu.memref_squeeze %dma_start3A_38 : memref<1x125xi32, #tpu.memory_space<vmem>> -> memref<125xi32, #tpu.memory_space<vmem>>
            %dma_start3A_40 = arith.constant 0 : i32
            %dma_start3A_41 = arith.constant 0 : i32
            %dma_start3A_42 = tpu.memref_slice %arg9[%dma_start3A_40, %dma_start3A_41] : memref<10000x128xf32, #tpu.memory_space<vmem_shared>> -> memref<10000x128xf32, #tpu.memory_space<vmem_shared>>
            tpu.enqueue_indirect_dma source(%arg12 : memref<125x128xf32, #tpu.memory_space<vmem>>) target(%dma_start3A_42 : memref<10000x128xf32, #tpu.memory_space<vmem_shared>>) offsets(%dma_start3A_39 : memref<125xi32, #tpu.memory_space<vmem>>) semaphore(%run_scoped3A : memref<!tpu.dma_semaphore, #tpu.memory_space<semaphore_mem>>) {add = true}
            %dma_wait3A = arith.constant 0 : i32
            %dma_wait3A_43 = tpu.memref_slice %arg11[%scan3A_37, %dma_wait3A] : memref<40x125xi32, #tpu.memory_space<vmem>> -> memref<1x125xi32, #tpu.memory_space<vmem>>
            %dma_wait3A_44 = tpu.memref_squeeze %dma_wait3A_43 : memref<1x125xi32, #tpu.memory_space<vmem>> -> memref<125xi32, #tpu.memory_space<vmem>>
            %dma_wait3A_45 = arith.constant 0 : i32
            %dma_wait3A_46 = arith.constant 0 : i32
            %dma_wait3A_47 = tpu.memref_slice %arg9[%dma_wait3A_45, %dma_wait3A_46] : memref<10000x128xf32, #tpu.memory_space<vmem_shared>> -> memref<10000x128xf32, #tpu.memory_space<vmem_shared>>
            tpu.wait_indirect_dma semaphore(%run_scoped3A : memref<!tpu.dma_semaphore, #tpu.memory_space<semaphore_mem>>) src(%arg12 : memref<125x128xf32, #tpu.memory_space<vmem>>) dst(%dma_wait3A_47 : memref<10000x128xf32, #tpu.memory_space<vmem_shared>>)
            tpu.yield
          }) : () -> ()
        }
        %scan3A_36 = arith.constant 40 : i32
      }
      %scan3A_29 = arith.constant 4 : i32
    } else {
    }
    %eq3A_13 = arith.constant 1 : i32
    %eq3A_14 = arith.cmpi eq, %arg0, %eq3A_13 : i32
    %convert_element_type3A_15 = arith.extui %eq3A_14 : i1 to i32
    %cond3A_16 = arith.constant 0 : i32
    %cond3A_17 = arith.cmpi ne, %convert_element_type3A_15, %cond3A_16 : i32
    scf.if %cond3A_17 {
      %scan3A_24 = arith.constant 0 : i32
      %scan3A_25 = arith.constant 0 : i32
      %scan3A_26 = arith.constant 4 : i32
      %scan3A_27 = arith.addi %scan3A_25, %scan3A_26 : i32
      %scan3A_28 = arith.constant 1 : i32
      scf.for %scan3A_30 = %scan3A_25 to %scan3A_27 step %scan3A_28  : i32 {
        "tpu.region"() ({
          %run_scoped3A = tpu.sem_alloc : memref<!tpu.dma_semaphore, #tpu.memory_space<semaphore_mem>>
          %dma_start3A = arith.constant 0 : i32
          %dma_start3A_37 = arith.constant 0 : i32
          %dma_start3A_38 = tpu.memref_slice %arg6[%arg1, %scan3A_30, %dma_start3A, %dma_start3A_37] : memref<16x4x40x125xi32, #tpu.memory_space<hbm>> -> memref<1x1x40x125xi32, #tpu.memory_space<hbm>>
          %dma_start3A_39 = tpu.memref_squeeze %dma_start3A_38 : memref<1x1x40x125xi32, #tpu.memory_space<hbm>> -> memref<40x125xi32, #tpu.memory_space<hbm>>
          %dma_start3A_40 = arith.constant 0 : i32
          %dma_start3A_41 = arith.constant 0 : i32
          %dma_start3A_42 = tpu.memref_slice %arg6[%arg1, %scan3A_30, %dma_start3A_40, %dma_start3A_41] : memref<16x4x40x125xi32, #tpu.memory_space<hbm>> -> memref<1x1x40x125xi32, #tpu.memory_space<hbm>>
          %dma_start3A_43 = tpu.memref_squeeze %dma_start3A_42 : memref<1x1x40x125xi32, #tpu.memory_space<hbm>> -> memref<40x125xi32, #tpu.memory_space<hbm>>
          tpu.enqueue_dma source(%dma_start3A_43 : memref<40x125xi32, #tpu.memory_space<hbm>>) target(%arg10 : memref<40x125xi32, #tpu.memory_space<vmem>>) target_semaphore(%run_scoped3A : memref<!tpu.dma_semaphore, #tpu.memory_space<semaphore_mem>>)
          %dma_wait3A = arith.constant 0 : i32
          %dma_wait3A_44 = arith.constant 0 : i32
          %dma_wait3A_45 = tpu.memref_slice %arg6[%arg1, %scan3A_30, %dma_wait3A, %dma_wait3A_44] : memref<16x4x40x125xi32, #tpu.memory_space<hbm>> -> memref<1x1x40x125xi32, #tpu.memory_space<hbm>>
          %dma_wait3A_46 = tpu.memref_squeeze %dma_wait3A_45 : memref<1x1x40x125xi32, #tpu.memory_space<hbm>> -> memref<40x125xi32, #tpu.memory_space<hbm>>
          %dma_wait3A_47 = arith.constant 0 : i32
          %dma_wait3A_48 = arith.constant 0 : i32
          %dma_wait3A_49 = tpu.memref_slice %arg6[%arg1, %scan3A_30, %dma_wait3A_47, %dma_wait3A_48] : memref<16x4x40x125xi32, #tpu.memory_space<hbm>> -> memref<1x1x40x125xi32, #tpu.memory_space<hbm>>
          %dma_wait3A_50 = tpu.memref_squeeze %dma_wait3A_49 : memref<1x1x40x125xi32, #tpu.memory_space<hbm>> -> memref<40x125xi32, #tpu.memory_space<hbm>>
          tpu.wait_dma2 semaphore(%run_scoped3A : memref<!tpu.dma_semaphore, #tpu.memory_space<semaphore_mem>>) src(%dma_wait3A_50 : memref<40x125xi32, #tpu.memory_space<hbm>>) dst(%arg10 : memref<40x125xi32, #tpu.memory_space<vmem>>)
          tpu.yield
        }) : () -> ()
        "tpu.region"() ({
          %run_scoped3A = tpu.sem_alloc : memref<!tpu.dma_semaphore, #tpu.memory_space<semaphore_mem>>
          %dma_start3A = arith.constant 0 : i32
          %dma_start3A_37 = arith.constant 0 : i32
          %dma_start3A_38 = tpu.memref_slice %arg7[%arg1, %scan3A_30, %dma_start3A, %dma_start3A_37] : memref<16x4x40x125xi32, #tpu.memory_space<hbm>> -> memref<1x1x40x125xi32, #tpu.memory_space<hbm>>
          %dma_start3A_39 = tpu.memref_squeeze %dma_start3A_38 : memref<1x1x40x125xi32, #tpu.memory_space<hbm>> -> memref<40x125xi32, #tpu.memory_space<hbm>>
          %dma_start3A_40 = arith.constant 0 : i32
          %dma_start3A_41 = arith.constant 0 : i32
          %dma_start3A_42 = tpu.memref_slice %arg7[%arg1, %scan3A_30, %dma_start3A_40, %dma_start3A_41] : memref<16x4x40x125xi32, #tpu.memory_space<hbm>> -> memref<1x1x40x125xi32, #tpu.memory_space<hbm>>
          %dma_start3A_43 = tpu.memref_squeeze %dma_start3A_42 : memref<1x1x40x125xi32, #tpu.memory_space<hbm>> -> memref<40x125xi32, #tpu.memory_space<hbm>>
          tpu.enqueue_dma source(%dma_start3A_43 : memref<40x125xi32, #tpu.memory_space<hbm>>) target(%arg11 : memref<40x125xi32, #tpu.memory_space<vmem>>) target_semaphore(%run_scoped3A : memref<!tpu.dma_semaphore, #tpu.memory_space<semaphore_mem>>)
          %dma_wait3A = arith.constant 0 : i32
          %dma_wait3A_44 = arith.constant 0 : i32
          %dma_wait3A_45 = tpu.memref_slice %arg7[%arg1, %scan3A_30, %dma_wait3A, %dma_wait3A_44] : memref<16x4x40x125xi32, #tpu.memory_space<hbm>> -> memref<1x1x40x125xi32, #tpu.memory_space<hbm>>
          %dma_wait3A_46 = tpu.memref_squeeze %dma_wait3A_45 : memref<1x1x40x125xi32, #tpu.memory_space<hbm>> -> memref<40x125xi32, #tpu.memory_space<hbm>>
          %dma_wait3A_47 = arith.constant 0 : i32
          %dma_wait3A_48 = arith.constant 0 : i32
          %dma_wait3A_49 = tpu.memref_slice %arg7[%arg1, %scan3A_30, %dma_wait3A_47, %dma_wait3A_48] : memref<16x4x40x125xi32, #tpu.memory_space<hbm>> -> memref<1x1x40x125xi32, #tpu.memory_space<hbm>>
          %dma_wait3A_50 = tpu.memref_squeeze %dma_wait3A_49 : memref<1x1x40x125xi32, #tpu.memory_space<hbm>> -> memref<40x125xi32, #tpu.memory_space<hbm>>
          tpu.wait_dma2 semaphore(%run_scoped3A : memref<!tpu.dma_semaphore, #tpu.memory_space<semaphore_mem>>) src(%dma_wait3A_50 : memref<40x125xi32, #tpu.memory_space<hbm>>) dst(%arg11 : memref<40x125xi32, #tpu.memory_space<vmem>>)
          tpu.yield
        }) : () -> ()
        %scan3A_31 = arith.constant 0 : i32
        %scan3A_32 = arith.constant 0 : i32
        %scan3A_33 = arith.constant 40 : i32
        %scan3A_34 = arith.addi %scan3A_32, %scan3A_33 : i32
        %scan3A_35 = arith.constant 1 : i32
        scf.for %scan3A_37 = %scan3A_32 to %scan3A_34 step %scan3A_35  : i32 {
          "tpu.region"() ({
            %run_scoped3A = tpu.sem_alloc : memref<!tpu.dma_semaphore, #tpu.memory_space<semaphore_mem>>
            %dma_start3A = arith.constant 0 : i32
            %dma_start3A_38 = tpu.memref_slice %arg10[%scan3A_37, %dma_start3A] : memref<40x125xi32, #tpu.memory_space<vmem>> -> memref<1x125xi32, #tpu.memory_space<vmem>>
            %dma_start3A_39 = tpu.memref_squeeze %dma_start3A_38 : memref<1x125xi32, #tpu.memory_space<vmem>> -> memref<125xi32, #tpu.memory_space<vmem>>
            %dma_start3A_40 = arith.constant 0 : i32
            %dma_start3A_41 = arith.constant 0 : i32
            %dma_start3A_42 = tpu.memref_slice %arg3[%dma_start3A_40, %dma_start3A_41] : memref<10000x128xf32, #tpu.memory_space<hbm>> -> memref<10000x128xf32, #tpu.memory_space<hbm>>
            tpu.enqueue_indirect_dma source(%dma_start3A_42 : memref<10000x128xf32, #tpu.memory_space<hbm>>) target(%arg12 : memref<125x128xf32, #tpu.memory_space<vmem>>) offsets(%dma_start3A_39 : memref<125xi32, #tpu.memory_space<vmem>>) semaphore(%run_scoped3A : memref<!tpu.dma_semaphore, #tpu.memory_space<semaphore_mem>>)
            %dma_wait3A = arith.constant 0 : i32
            %dma_wait3A_43 = tpu.memref_slice %arg10[%scan3A_37, %dma_wait3A] : memref<40x125xi32, #tpu.memory_space<vmem>> -> memref<1x125xi32, #tpu.memory_space<vmem>>
            %dma_wait3A_44 = tpu.memref_squeeze %dma_wait3A_43 : memref<1x125xi32, #tpu.memory_space<vmem>> -> memref<125xi32, #tpu.memory_space<vmem>>
            %dma_wait3A_45 = arith.constant 0 : i32
            %dma_wait3A_46 = arith.constant 0 : i32
            %dma_wait3A_47 = tpu.memref_slice %arg3[%dma_wait3A_45, %dma_wait3A_46] : memref<10000x128xf32, #tpu.memory_space<hbm>> -> memref<10000x128xf32, #tpu.memory_space<hbm>>
            tpu.wait_indirect_dma semaphore(%run_scoped3A : memref<!tpu.dma_semaphore, #tpu.memory_space<semaphore_mem>>) src(%dma_wait3A_47 : memref<10000x128xf32, #tpu.memory_space<hbm>>) dst(%arg12 : memref<125x128xf32, #tpu.memory_space<vmem>>)
            tpu.yield
          }) : () -> ()
          "tpu.region"() ({
            %run_scoped3A = tpu.sem_alloc : memref<!tpu.dma_semaphore, #tpu.memory_space<semaphore_mem>>
            %dma_start3A = arith.constant 0 : i32
            %dma_start3A_38 = tpu.memref_slice %arg11[%scan3A_37, %dma_start3A] : memref<40x125xi32, #tpu.memory_space<vmem>> -> memref<1x125xi32, #tpu.memory_space<vmem>>
            %dma_start3A_39 = tpu.memref_squeeze %dma_start3A_38 : memref<1x125xi32, #tpu.memory_space<vmem>> -> memref<125xi32, #tpu.memory_space<vmem>>
            %dma_start3A_40 = arith.constant 0 : i32
            %dma_start3A_41 = arith.constant 0 : i32
            %dma_start3A_42 = tpu.memref_slice %arg9[%dma_start3A_40, %dma_start3A_41] : memref<10000x128xf32, #tpu.memory_space<vmem_shared>> -> memref<10000x128xf32, #tpu.memory_space<vmem_shared>>
            tpu.enqueue_indirect_dma source(%arg12 : memref<125x128xf32, #tpu.memory_space<vmem>>) target(%dma_start3A_42 : memref<10000x128xf32, #tpu.memory_space<vmem_shared>>) offsets(%dma_start3A_39 : memref<125xi32, #tpu.memory_space<vmem>>) semaphore(%run_scoped3A : memref<!tpu.dma_semaphore, #tpu.memory_space<semaphore_mem>>) {add = true}
            %dma_wait3A = arith.constant 0 : i32
            %dma_wait3A_43 = tpu.memref_slice %arg11[%scan3A_37, %dma_wait3A] : memref<40x125xi32, #tpu.memory_space<vmem>> -> memref<1x125xi32, #tpu.memory_space<vmem>>
            %dma_wait3A_44 = tpu.memref_squeeze %dma_wait3A_43 : memref<1x125xi32, #tpu.memory_space<vmem>> -> memref<125xi32, #tpu.memory_space<vmem>>
            %dma_wait3A_45 = arith.constant 0 : i32
            %dma_wait3A_46 = arith.constant 0 : i32
            %dma_wait3A_47 = tpu.memref_slice %arg9[%dma_wait3A_45, %dma_wait3A_46] : memref<10000x128xf32, #tpu.memory_space<vmem_shared>> -> memref<10000x128xf32, #tpu.memory_space<vmem_shared>>
            tpu.wait_indirect_dma semaphore(%run_scoped3A : memref<!tpu.dma_semaphore, #tpu.memory_space<semaphore_mem>>) src(%arg12 : memref<125x128xf32, #tpu.memory_space<vmem>>) dst(%dma_wait3A_47 : memref<10000x128xf32, #tpu.memory_space<vmem_shared>>)
            tpu.yield
          }) : () -> ()
        }
        %scan3A_36 = arith.constant 40 : i32
      }
      %scan3A_29 = arith.constant 4 : i32
    } else {
    }
    %barrier3A_18 = arith.constant 0 : index
    tpu.barrier barrier_id(%barrier3A_18)
    %scan3A = arith.constant 0 : i32
    %scan3A_19 = arith.constant 0 : i32
    %scan3A_20 = arith.constant 25 : i32
    %scan3A_21 = arith.addi %scan3A_19, %scan3A_20 : i32
    %scan3A_22 = arith.constant 1 : i32
    scf.for %scan3A_24 = %scan3A_19 to %scan3A_21 step %scan3A_22  : i32 {
      %mul3A_25 = arith.constant 25 : i32
      %mul3A_26 = arith.muli %scan3A_24, %mul3A_25 : i32
      %add3A = arith.addi %mul3A_0, %mul3A_26 : i32
      "tpu.region"() ({
        %run_scoped3A = tpu.sem_alloc : memref<!tpu.dma_semaphore, #tpu.memory_space<semaphore_mem>>
        %dma_start3A = arith.constant 0 : i32
        %dma_start3A_27 = tpu.memref_slice %arg9[%add3A, %dma_start3A] : memref<10000x128xf32, #tpu.memory_space<vmem_shared>> -> memref<25x128xf32, #tpu.memory_space<vmem_shared>>
        %dma_start3A_28 = arith.constant 0 : i32
        %dma_start3A_29 = tpu.memref_slice %arg9[%add3A, %dma_start3A_28] : memref<10000x128xf32, #tpu.memory_space<vmem_shared>> -> memref<25x128xf32, #tpu.memory_space<vmem_shared>>
        tpu.enqueue_dma source(%dma_start3A_29 : memref<25x128xf32, #tpu.memory_space<vmem_shared>>) target(%arg13 : memref<25x128xf32, #tpu.memory_space<vmem>>) target_semaphore(%run_scoped3A : memref<!tpu.dma_semaphore, #tpu.memory_space<semaphore_mem>>)
        %dma_wait3A = arith.constant 0 : i32
        %dma_wait3A_30 = tpu.memref_slice %arg9[%add3A, %dma_wait3A] : memref<10000x128xf32, #tpu.memory_space<vmem_shared>> -> memref<25x128xf32, #tpu.memory_space<vmem_shared>>
        %dma_wait3A_31 = arith.constant 0 : i32
        %dma_wait3A_32 = tpu.memref_slice %arg9[%add3A, %dma_wait3A_31] : memref<10000x128xf32, #tpu.memory_space<vmem_shared>> -> memref<25x128xf32, #tpu.memory_space<vmem_shared>>
        tpu.wait_dma2 semaphore(%run_scoped3A : memref<!tpu.dma_semaphore, #tpu.memory_space<semaphore_mem>>) src(%dma_wait3A_32 : memref<25x128xf32, #tpu.memory_space<vmem_shared>>) dst(%arg13 : memref<25x128xf32, #tpu.memory_space<vmem>>)
        tpu.yield
      }) : () -> ()
      "tpu.region"() ({
        %run_scoped3A = tpu.sem_alloc : memref<!tpu.dma_semaphore, #tpu.memory_space<semaphore_mem>>
        %dma_start3A = arith.constant 0 : i32
        %dma_start3A_27 = tpu.memref_slice %arg8[%arg0, %add3A, %dma_start3A] : memref<2x10000x128xf32, #tpu.memory_space<hbm>> -> memref<1x25x128xf32, #tpu.memory_space<hbm>>
        %dma_start3A_28 = tpu.memref_squeeze %dma_start3A_27 : memref<1x25x128xf32, #tpu.memory_space<hbm>> -> memref<25x128xf32, #tpu.memory_space<hbm>>
        %dma_start3A_29 = arith.constant 0 : i32
        %dma_start3A_30 = tpu.memref_slice %arg8[%arg0, %add3A, %dma_start3A_29] : memref<2x10000x128xf32, #tpu.memory_space<hbm>> -> memref<1x25x128xf32, #tpu.memory_space<hbm>>
        %dma_start3A_31 = tpu.memref_squeeze %dma_start3A_30 : memref<1x25x128xf32, #tpu.memory_space<hbm>> -> memref<25x128xf32, #tpu.memory_space<hbm>>
        tpu.enqueue_dma source(%arg13 : memref<25x128xf32, #tpu.memory_space<vmem>>) target(%dma_start3A_31 : memref<25x128xf32, #tpu.memory_space<hbm>>) target_semaphore(%run_scoped3A : memref<!tpu.dma_semaphore, #tpu.memory_space<semaphore_mem>>)
        %dma_wait3A = arith.constant 0 : i32
        %dma_wait3A_32 = tpu.memref_slice %arg8[%arg0, %add3A, %dma_wait3A] : memref<2x10000x128xf32, #tpu.memory_space<hbm>> -> memref<1x25x128xf32, #tpu.memory_space<hbm>>
        %dma_wait3A_33 = tpu.memref_squeeze %dma_wait3A_32 : memref<1x25x128xf32, #tpu.memory_space<hbm>> -> memref<25x128xf32, #tpu.memory_space<hbm>>
        %dma_wait3A_34 = arith.constant 0 : i32
        %dma_wait3A_35 = tpu.memref_slice %arg8[%arg0, %add3A, %dma_wait3A_34] : memref<2x10000x128xf32, #tpu.memory_space<hbm>> -> memref<1x25x128xf32, #tpu.memory_space<hbm>>
        %dma_wait3A_36 = tpu.memref_squeeze %dma_wait3A_35 : memref<1x25x128xf32, #tpu.memory_space<hbm>> -> memref<25x128xf32, #tpu.memory_space<hbm>>
        tpu.wait_dma2 semaphore(%run_scoped3A : memref<!tpu.dma_semaphore, #tpu.memory_space<semaphore_mem>>) src(%arg13 : memref<25x128xf32, #tpu.memory_space<vmem>>) dst(%dma_wait3A_36 : memref<25x128xf32, #tpu.memory_space<hbm>>)
        tpu.yield
      }) : () -> ()
    }
    %scan3A_23 = arith.constant 25 : i32
    return
  }
}

#map = affine_map<(d0, d1) -> (0, 0, 0)>
#map1 = affine_map<(d0, d1) -> (0, 0)>
module attributes {stable_mosaic.version = 14 : i64} {
  func.func @_deg_body(%arg0: i32, %arg1: i32, %arg2: memref<16x160x125xi32, #tpu.memory_space<hbm>>, %arg3: memref<16x160x125xi32, #tpu.memory_space<hbm>>, %arg4: memref<125x16xf32, #tpu.memory_space<hbm>>, %arg5: memref<640x16xf32, #tpu.memory_space<hbm>>, %arg6: memref<2x10240x16xf32, #tpu.memory_space<hbm>>, %arg7: memref<10240x16xf32, #tpu.memory_space<vmem_shared>>, %arg8: memref<160x125xi32, #tpu.memory_space<vmem>>, %arg9: memref<125x16xf32, #tpu.memory_space<vmem>>, %arg10: memref<640x16xf32, #tpu.memory_space<vmem>>) attributes {dimension_semantics = [#tpu.dimension_semantics<core_parallel>, #tpu.dimension_semantics<subcore_parallel>], iteration_bounds = array<i64: 2, 16>, scalar_prefetch = 0 : i64, scratch_operands = 4 : i64, tpu.core_type = #tpu.core_type<sc_vector_subcore>, window_params = [{transform_indices = #map}, {transform_indices = #map}, {transform_indices = #map1}, {transform_indices = #map1}, {transform_indices = #map}]} {
    "tpu.region"() ({
      %run_scoped3A = tpu.sem_alloc : memref<!tpu.dma_semaphore, #tpu.memory_space<semaphore_mem>>
      tpu.enqueue_dma source(%arg4 : memref<125x16xf32, #tpu.memory_space<hbm>>) target(%arg9 : memref<125x16xf32, #tpu.memory_space<vmem>>) target_semaphore(%run_scoped3A : memref<!tpu.dma_semaphore, #tpu.memory_space<semaphore_mem>>)
      tpu.wait_dma2 semaphore(%run_scoped3A : memref<!tpu.dma_semaphore, #tpu.memory_space<semaphore_mem>>) src(%arg4 : memref<125x16xf32, #tpu.memory_space<hbm>>) dst(%arg9 : memref<125x16xf32, #tpu.memory_space<vmem>>)
      tpu.yield
    }) : () -> ()
    "tpu.region"() ({
      %run_scoped3A = tpu.sem_alloc : memref<!tpu.dma_semaphore, #tpu.memory_space<semaphore_mem>>
      tpu.enqueue_dma source(%arg5 : memref<640x16xf32, #tpu.memory_space<hbm>>) target(%arg10 : memref<640x16xf32, #tpu.memory_space<vmem>>) target_semaphore(%run_scoped3A : memref<!tpu.dma_semaphore, #tpu.memory_space<semaphore_mem>>)
      tpu.wait_dma2 semaphore(%run_scoped3A : memref<!tpu.dma_semaphore, #tpu.memory_space<semaphore_mem>>) src(%arg5 : memref<640x16xf32, #tpu.memory_space<hbm>>) dst(%arg10 : memref<640x16xf32, #tpu.memory_space<vmem>>)
      tpu.yield
    }) : () -> ()
    %mul3A = arith.constant 640 : i32
    %mul3A_0 = arith.muli %arg1, %mul3A : i32
    "tpu.region"() ({
      %run_scoped3A = tpu.sem_alloc : memref<!tpu.dma_semaphore, #tpu.memory_space<semaphore_mem>>
      %dma_start3A = arith.constant 0 : i32
      %dma_start3A_18 = tpu.memref_slice %arg7[%mul3A_0, %dma_start3A] : memref<10240x16xf32, #tpu.memory_space<vmem_shared>> -> memref<640x16xf32, #tpu.memory_space<vmem_shared>>
      %dma_start3A_19 = arith.constant 0 : i32
      %dma_start3A_20 = tpu.memref_slice %arg7[%mul3A_0, %dma_start3A_19] : memref<10240x16xf32, #tpu.memory_space<vmem_shared>> -> memref<640x16xf32, #tpu.memory_space<vmem_shared>>
      tpu.enqueue_dma source(%arg10 : memref<640x16xf32, #tpu.memory_space<vmem>>) target(%dma_start3A_20 : memref<640x16xf32, #tpu.memory_space<vmem_shared>>) target_semaphore(%run_scoped3A : memref<!tpu.dma_semaphore, #tpu.memory_space<semaphore_mem>>)
      %dma_wait3A = arith.constant 0 : i32
      %dma_wait3A_21 = tpu.memref_slice %arg7[%mul3A_0, %dma_wait3A] : memref<10240x16xf32, #tpu.memory_space<vmem_shared>> -> memref<640x16xf32, #tpu.memory_space<vmem_shared>>
      %dma_wait3A_22 = arith.constant 0 : i32
      %dma_wait3A_23 = tpu.memref_slice %arg7[%mul3A_0, %dma_wait3A_22] : memref<10240x16xf32, #tpu.memory_space<vmem_shared>> -> memref<640x16xf32, #tpu.memory_space<vmem_shared>>
      tpu.wait_dma2 semaphore(%run_scoped3A : memref<!tpu.dma_semaphore, #tpu.memory_space<semaphore_mem>>) src(%arg10 : memref<640x16xf32, #tpu.memory_space<vmem>>) dst(%dma_wait3A_23 : memref<640x16xf32, #tpu.memory_space<vmem_shared>>)
      tpu.yield
    }) : () -> ()
    %eq3A = arith.constant 0 : i32
    %eq3A_1 = arith.cmpi eq, %arg0, %eq3A : i32
    %convert_element_type3A = arith.extui %eq3A_1 : i1 to i32
    %cond3A = arith.constant 0 : i32
    %cond3A_2 = arith.cmpi ne, %convert_element_type3A, %cond3A : i32
    scf.if %cond3A_2 {
      "tpu.region"() ({
        %run_scoped3A = tpu.sem_alloc : memref<!tpu.dma_semaphore, #tpu.memory_space<semaphore_mem>>
        %dma_start3A = arith.constant 0 : i32
        %dma_start3A_18 = arith.constant 0 : i32
        %dma_start3A_19 = tpu.memref_slice %arg2[%arg1, %dma_start3A, %dma_start3A_18] : memref<16x160x125xi32, #tpu.memory_space<hbm>> -> memref<1x160x125xi32, #tpu.memory_space<hbm>>
        %dma_start3A_20 = tpu.memref_squeeze %dma_start3A_19 : memref<1x160x125xi32, #tpu.memory_space<hbm>> -> memref<160x125xi32, #tpu.memory_space<hbm>>
        %dma_start3A_21 = arith.constant 0 : i32
        %dma_start3A_22 = arith.constant 0 : i32
        %dma_start3A_23 = tpu.memref_slice %arg2[%arg1, %dma_start3A_21, %dma_start3A_22] : memref<16x160x125xi32, #tpu.memory_space<hbm>> -> memref<1x160x125xi32, #tpu.memory_space<hbm>>
        %dma_start3A_24 = tpu.memref_squeeze %dma_start3A_23 : memref<1x160x125xi32, #tpu.memory_space<hbm>> -> memref<160x125xi32, #tpu.memory_space<hbm>>
        tpu.enqueue_dma source(%dma_start3A_24 : memref<160x125xi32, #tpu.memory_space<hbm>>) target(%arg8 : memref<160x125xi32, #tpu.memory_space<vmem>>) target_semaphore(%run_scoped3A : memref<!tpu.dma_semaphore, #tpu.memory_space<semaphore_mem>>)
        %dma_wait3A = arith.constant 0 : i32
        %dma_wait3A_25 = arith.constant 0 : i32
        %dma_wait3A_26 = tpu.memref_slice %arg2[%arg1, %dma_wait3A, %dma_wait3A_25] : memref<16x160x125xi32, #tpu.memory_space<hbm>> -> memref<1x160x125xi32, #tpu.memory_space<hbm>>
        %dma_wait3A_27 = tpu.memref_squeeze %dma_wait3A_26 : memref<1x160x125xi32, #tpu.memory_space<hbm>> -> memref<160x125xi32, #tpu.memory_space<hbm>>
        %dma_wait3A_28 = arith.constant 0 : i32
        %dma_wait3A_29 = arith.constant 0 : i32
        %dma_wait3A_30 = tpu.memref_slice %arg2[%arg1, %dma_wait3A_28, %dma_wait3A_29] : memref<16x160x125xi32, #tpu.memory_space<hbm>> -> memref<1x160x125xi32, #tpu.memory_space<hbm>>
        %dma_wait3A_31 = tpu.memref_squeeze %dma_wait3A_30 : memref<1x160x125xi32, #tpu.memory_space<hbm>> -> memref<160x125xi32, #tpu.memory_space<hbm>>
        tpu.wait_dma2 semaphore(%run_scoped3A : memref<!tpu.dma_semaphore, #tpu.memory_space<semaphore_mem>>) src(%dma_wait3A_31 : memref<160x125xi32, #tpu.memory_space<hbm>>) dst(%arg8 : memref<160x125xi32, #tpu.memory_space<vmem>>)
        tpu.yield
      }) : () -> ()
    } else {
    }
    %eq3A_3 = arith.constant 1 : i32
    %eq3A_4 = arith.cmpi eq, %arg0, %eq3A_3 : i32
    %convert_element_type3A_5 = arith.extui %eq3A_4 : i1 to i32
    %cond3A_6 = arith.constant 0 : i32
    %cond3A_7 = arith.cmpi ne, %convert_element_type3A_5, %cond3A_6 : i32
    scf.if %cond3A_7 {
      "tpu.region"() ({
        %run_scoped3A = tpu.sem_alloc : memref<!tpu.dma_semaphore, #tpu.memory_space<semaphore_mem>>
        %dma_start3A = arith.constant 0 : i32
        %dma_start3A_18 = arith.constant 0 : i32
        %dma_start3A_19 = tpu.memref_slice %arg3[%arg1, %dma_start3A, %dma_start3A_18] : memref<16x160x125xi32, #tpu.memory_space<hbm>> -> memref<1x160x125xi32, #tpu.memory_space<hbm>>
        %dma_start3A_20 = tpu.memref_squeeze %dma_start3A_19 : memref<1x160x125xi32, #tpu.memory_space<hbm>> -> memref<160x125xi32, #tpu.memory_space<hbm>>
        %dma_start3A_21 = arith.constant 0 : i32
        %dma_start3A_22 = arith.constant 0 : i32
        %dma_start3A_23 = tpu.memref_slice %arg3[%arg1, %dma_start3A_21, %dma_start3A_22] : memref<16x160x125xi32, #tpu.memory_space<hbm>> -> memref<1x160x125xi32, #tpu.memory_space<hbm>>
        %dma_start3A_24 = tpu.memref_squeeze %dma_start3A_23 : memref<1x160x125xi32, #tpu.memory_space<hbm>> -> memref<160x125xi32, #tpu.memory_space<hbm>>
        tpu.enqueue_dma source(%dma_start3A_24 : memref<160x125xi32, #tpu.memory_space<hbm>>) target(%arg8 : memref<160x125xi32, #tpu.memory_space<vmem>>) target_semaphore(%run_scoped3A : memref<!tpu.dma_semaphore, #tpu.memory_space<semaphore_mem>>)
        %dma_wait3A = arith.constant 0 : i32
        %dma_wait3A_25 = arith.constant 0 : i32
        %dma_wait3A_26 = tpu.memref_slice %arg3[%arg1, %dma_wait3A, %dma_wait3A_25] : memref<16x160x125xi32, #tpu.memory_space<hbm>> -> memref<1x160x125xi32, #tpu.memory_space<hbm>>
        %dma_wait3A_27 = tpu.memref_squeeze %dma_wait3A_26 : memref<1x160x125xi32, #tpu.memory_space<hbm>> -> memref<160x125xi32, #tpu.memory_space<hbm>>
        %dma_wait3A_28 = arith.constant 0 : i32
        %dma_wait3A_29 = arith.constant 0 : i32
        %dma_wait3A_30 = tpu.memref_slice %arg3[%arg1, %dma_wait3A_28, %dma_wait3A_29] : memref<16x160x125xi32, #tpu.memory_space<hbm>> -> memref<1x160x125xi32, #tpu.memory_space<hbm>>
        %dma_wait3A_31 = tpu.memref_squeeze %dma_wait3A_30 : memref<1x160x125xi32, #tpu.memory_space<hbm>> -> memref<160x125xi32, #tpu.memory_space<hbm>>
        tpu.wait_dma2 semaphore(%run_scoped3A : memref<!tpu.dma_semaphore, #tpu.memory_space<semaphore_mem>>) src(%dma_wait3A_31 : memref<160x125xi32, #tpu.memory_space<hbm>>) dst(%arg8 : memref<160x125xi32, #tpu.memory_space<vmem>>)
        tpu.yield
      }) : () -> ()
    } else {
    }
    %barrier3A = arith.constant 0 : index
    tpu.barrier barrier_id(%barrier3A)
    %scan3A = arith.constant 0 : i32
    %scan3A_8 = arith.constant 0 : i32
    %scan3A_9 = arith.constant 160 : i32
    %scan3A_10 = arith.addi %scan3A_8, %scan3A_9 : i32
    %scan3A_11 = arith.constant 1 : i32
    scf.for %scan3A_18 = %scan3A_8 to %scan3A_10 step %scan3A_11  : i32 {
      "tpu.region"() ({
        %run_scoped3A = tpu.sem_alloc : memref<!tpu.dma_semaphore, #tpu.memory_space<semaphore_mem>>
        %dma_start3A = arith.constant 0 : i32
        %dma_start3A_19 = tpu.memref_slice %arg8[%scan3A_18, %dma_start3A] : memref<160x125xi32, #tpu.memory_space<vmem>> -> memref<1x125xi32, #tpu.memory_space<vmem>>
        %dma_start3A_20 = tpu.memref_squeeze %dma_start3A_19 : memref<1x125xi32, #tpu.memory_space<vmem>> -> memref<125xi32, #tpu.memory_space<vmem>>
        %dma_start3A_21 = arith.constant 0 : i32
        %dma_start3A_22 = arith.constant 0 : i32
        %dma_start3A_23 = tpu.memref_slice %arg7[%dma_start3A_21, %dma_start3A_22] : memref<10240x16xf32, #tpu.memory_space<vmem_shared>> -> memref<10240x16xf32, #tpu.memory_space<vmem_shared>>
        tpu.enqueue_indirect_dma source(%arg9 : memref<125x16xf32, #tpu.memory_space<vmem>>) target(%dma_start3A_23 : memref<10240x16xf32, #tpu.memory_space<vmem_shared>>) offsets(%dma_start3A_20 : memref<125xi32, #tpu.memory_space<vmem>>) semaphore(%run_scoped3A : memref<!tpu.dma_semaphore, #tpu.memory_space<semaphore_mem>>) {add = true}
        %dma_wait3A = arith.constant 0 : i32
        %dma_wait3A_24 = tpu.memref_slice %arg8[%scan3A_18, %dma_wait3A] : memref<160x125xi32, #tpu.memory_space<vmem>> -> memref<1x125xi32, #tpu.memory_space<vmem>>
        %dma_wait3A_25 = tpu.memref_squeeze %dma_wait3A_24 : memref<1x125xi32, #tpu.memory_space<vmem>> -> memref<125xi32, #tpu.memory_space<vmem>>
        %dma_wait3A_26 = arith.constant 0 : i32
        %dma_wait3A_27 = arith.constant 0 : i32
        %dma_wait3A_28 = tpu.memref_slice %arg7[%dma_wait3A_26, %dma_wait3A_27] : memref<10240x16xf32, #tpu.memory_space<vmem_shared>> -> memref<10240x16xf32, #tpu.memory_space<vmem_shared>>
        tpu.wait_indirect_dma semaphore(%run_scoped3A : memref<!tpu.dma_semaphore, #tpu.memory_space<semaphore_mem>>) src(%arg9 : memref<125x16xf32, #tpu.memory_space<vmem>>) dst(%dma_wait3A_28 : memref<10240x16xf32, #tpu.memory_space<vmem_shared>>)
        tpu.yield
      }) : () -> ()
    }
    %scan3A_12 = arith.constant 160 : i32
    %barrier3A_13 = arith.constant 0 : index
    tpu.barrier barrier_id(%barrier3A_13)
    %mul3A_14 = arith.constant 640 : i32
    %mul3A_15 = arith.muli %arg1, %mul3A_14 : i32
    "tpu.region"() ({
      %run_scoped3A = tpu.sem_alloc : memref<!tpu.dma_semaphore, #tpu.memory_space<semaphore_mem>>
      %dma_start3A = arith.constant 0 : i32
      %dma_start3A_18 = tpu.memref_slice %arg7[%mul3A_15, %dma_start3A] : memref<10240x16xf32, #tpu.memory_space<vmem_shared>> -> memref<640x16xf32, #tpu.memory_space<vmem_shared>>
      %dma_start3A_19 = arith.constant 0 : i32
      %dma_start3A_20 = tpu.memref_slice %arg7[%mul3A_15, %dma_start3A_19] : memref<10240x16xf32, #tpu.memory_space<vmem_shared>> -> memref<640x16xf32, #tpu.memory_space<vmem_shared>>
      tpu.enqueue_dma source(%dma_start3A_20 : memref<640x16xf32, #tpu.memory_space<vmem_shared>>) target(%arg10 : memref<640x16xf32, #tpu.memory_space<vmem>>) target_semaphore(%run_scoped3A : memref<!tpu.dma_semaphore, #tpu.memory_space<semaphore_mem>>)
      %dma_wait3A = arith.constant 0 : i32
      %dma_wait3A_21 = tpu.memref_slice %arg7[%mul3A_15, %dma_wait3A] : memref<10240x16xf32, #tpu.memory_space<vmem_shared>> -> memref<640x16xf32, #tpu.memory_space<vmem_shared>>
      %dma_wait3A_22 = arith.constant 0 : i32
      %dma_wait3A_23 = tpu.memref_slice %arg7[%mul3A_15, %dma_wait3A_22] : memref<10240x16xf32, #tpu.memory_space<vmem_shared>> -> memref<640x16xf32, #tpu.memory_space<vmem_shared>>
      tpu.wait_dma2 semaphore(%run_scoped3A : memref<!tpu.dma_semaphore, #tpu.memory_space<semaphore_mem>>) src(%dma_wait3A_23 : memref<640x16xf32, #tpu.memory_space<vmem_shared>>) dst(%arg10 : memref<640x16xf32, #tpu.memory_space<vmem>>)
      tpu.yield
    }) : () -> ()
    %mul3A_16 = arith.constant 640 : i32
    %mul3A_17 = arith.muli %arg1, %mul3A_16 : i32
    "tpu.region"() ({
      %run_scoped3A = tpu.sem_alloc : memref<!tpu.dma_semaphore, #tpu.memory_space<semaphore_mem>>
      %dma_start3A = arith.constant 0 : i32
      %dma_start3A_18 = tpu.memref_slice %arg6[%arg0, %mul3A_17, %dma_start3A] : memref<2x10240x16xf32, #tpu.memory_space<hbm>> -> memref<1x640x16xf32, #tpu.memory_space<hbm>>
      %dma_start3A_19 = tpu.memref_squeeze %dma_start3A_18 : memref<1x640x16xf32, #tpu.memory_space<hbm>> -> memref<640x16xf32, #tpu.memory_space<hbm>>
      %dma_start3A_20 = arith.constant 0 : i32
      %dma_start3A_21 = tpu.memref_slice %arg6[%arg0, %mul3A_17, %dma_start3A_20] : memref<2x10240x16xf32, #tpu.memory_space<hbm>> -> memref<1x640x16xf32, #tpu.memory_space<hbm>>
      %dma_start3A_22 = tpu.memref_squeeze %dma_start3A_21 : memref<1x640x16xf32, #tpu.memory_space<hbm>> -> memref<640x16xf32, #tpu.memory_space<hbm>>
      tpu.enqueue_dma source(%arg10 : memref<640x16xf32, #tpu.memory_space<vmem>>) target(%dma_start3A_22 : memref<640x16xf32, #tpu.memory_space<hbm>>) target_semaphore(%run_scoped3A : memref<!tpu.dma_semaphore, #tpu.memory_space<semaphore_mem>>)
      %dma_wait3A = arith.constant 0 : i32
      %dma_wait3A_23 = tpu.memref_slice %arg6[%arg0, %mul3A_17, %dma_wait3A] : memref<2x10240x16xf32, #tpu.memory_space<hbm>> -> memref<1x640x16xf32, #tpu.memory_space<hbm>>
      %dma_wait3A_24 = tpu.memref_squeeze %dma_wait3A_23 : memref<1x640x16xf32, #tpu.memory_space<hbm>> -> memref<640x16xf32, #tpu.memory_space<hbm>>
      %dma_wait3A_25 = arith.constant 0 : i32
      %dma_wait3A_26 = tpu.memref_slice %arg6[%arg0, %mul3A_17, %dma_wait3A_25] : memref<2x10240x16xf32, #tpu.memory_space<hbm>> -> memref<1x640x16xf32, #tpu.memory_space<hbm>>
      %dma_wait3A_27 = tpu.memref_squeeze %dma_wait3A_26 : memref<1x640x16xf32, #tpu.memory_space<hbm>> -> memref<640x16xf32, #tpu.memory_space<hbm>>
      tpu.wait_dma2 semaphore(%run_scoped3A : memref<!tpu.dma_semaphore, #tpu.memory_space<semaphore_mem>>) src(%arg10 : memref<640x16xf32, #tpu.memory_space<vmem>>) dst(%dma_wait3A_27 : memref<640x16xf32, #tpu.memory_space<hbm>>)
      tpu.yield
    }) : () -> ()
    return
  }
}

#map = affine_map<(d0, d1) -> (0, 0)>
#map1 = affine_map<(d0, d1) -> (0, 0, 0, 0)>
#map2 = affine_map<(d0, d1) -> (0, 0, 0)>
module attributes {stable_mosaic.version = 14 : i64} {
  func.func @_conv_body(%arg0: i32, %arg1: i32, %arg2: memref<10000x128xf32, #tpu.memory_space<hbm>>, %arg3: memref<10000x128xf32, #tpu.memory_space<hbm>>, %arg4: memref<16x4x40x125xi32, #tpu.memory_space<hbm>>, %arg5: memref<16x4x40x125xi32, #tpu.memory_space<hbm>>, %arg6: memref<16x4x40x125xi32, #tpu.memory_space<hbm>>, %arg7: memref<16x4x40x125xi32, #tpu.memory_space<hbm>>, %arg8: memref<2x10000x128xf32, #tpu.memory_space<hbm>>, %arg9: memref<10000x128xf32, #tpu.memory_space<vmem_shared>>, %arg10: memref<40x125xi32, #tpu.memory_space<vmem>>, %arg11: memref<40x125xi32, #tpu.memory_space<vmem>>, %arg12: memref<125x128xf32, #tpu.memory_space<vmem>>, %arg13: memref<25x128xf32, #tpu.memory_space<vmem>>) attributes {dimension_semantics = [#tpu.dimension_semantics<core_parallel>, #tpu.dimension_semantics<subcore_parallel>], iteration_bounds = array<i64: 2, 16>, scalar_prefetch = 0 : i64, scratch_operands = 5 : i64, tpu.core_type = #tpu.core_type<sc_vector_subcore>, window_params = [{transform_indices = #map}, {transform_indices = #map}, {transform_indices = #map1}, {transform_indices = #map1}, {transform_indices = #map1}, {transform_indices = #map1}, {transform_indices = #map2}]} {
    %mul3A = arith.constant 625 : i32
    %mul3A_0 = arith.muli %arg1, %mul3A : i32
    %eq3A = arith.constant 0 : i32
    %eq3A_1 = arith.cmpi eq, %arg0, %eq3A : i32
    %convert_element_type3A = arith.extui %eq3A_1 : i1 to i32
    %cond3A = arith.constant 0 : i32
    %cond3A_2 = arith.cmpi ne, %convert_element_type3A, %cond3A : i32
    scf.if %cond3A_2 {
      %scan3A_24 = arith.constant 0 : i32
      %scan3A_25 = arith.constant 0 : i32
      %scan3A_26 = arith.constant 25 : i32
      %scan3A_27 = arith.addi %scan3A_25, %scan3A_26 : i32
      %scan3A_28 = arith.constant 1 : i32
      scf.for %scan3A_30 = %scan3A_25 to %scan3A_27 step %scan3A_28  : i32 {
        %mul3A_31 = arith.constant 25 : i32
        %mul3A_32 = arith.muli %scan3A_30, %mul3A_31 : i32
        %add3A = arith.addi %mul3A_0, %mul3A_32 : i32
        "tpu.region"() ({
          %run_scoped3A = tpu.sem_alloc : memref<!tpu.dma_semaphore, #tpu.memory_space<semaphore_mem>>
          %dma_start3A = arith.constant 0 : i32
          %dma_start3A_33 = tpu.memref_slice %arg2[%add3A, %dma_start3A] : memref<10000x128xf32, #tpu.memory_space<hbm>> -> memref<25x128xf32, #tpu.memory_space<hbm>>
          %dma_start3A_34 = arith.constant 0 : i32
          %dma_start3A_35 = tpu.memref_slice %arg2[%add3A, %dma_start3A_34] : memref<10000x128xf32, #tpu.memory_space<hbm>> -> memref<25x128xf32, #tpu.memory_space<hbm>>
          tpu.enqueue_dma source(%dma_start3A_35 : memref<25x128xf32, #tpu.memory_space<hbm>>) target(%arg13 : memref<25x128xf32, #tpu.memory_space<vmem>>) target_semaphore(%run_scoped3A : memref<!tpu.dma_semaphore, #tpu.memory_space<semaphore_mem>>)
          %dma_wait3A = arith.constant 0 : i32
          %dma_wait3A_36 = tpu.memref_slice %arg2[%add3A, %dma_wait3A] : memref<10000x128xf32, #tpu.memory_space<hbm>> -> memref<25x128xf32, #tpu.memory_space<hbm>>
          %dma_wait3A_37 = arith.constant 0 : i32
          %dma_wait3A_38 = tpu.memref_slice %arg2[%add3A, %dma_wait3A_37] : memref<10000x128xf32, #tpu.memory_space<hbm>> -> memref<25x128xf32, #tpu.memory_space<hbm>>
          tpu.wait_dma2 semaphore(%run_scoped3A : memref<!tpu.dma_semaphore, #tpu.memory_space<semaphore_mem>>) src(%dma_wait3A_38 : memref<25x128xf32, #tpu.memory_space<hbm>>) dst(%arg13 : memref<25x128xf32, #tpu.memory_space<vmem>>)
          tpu.yield
        }) : () -> ()
        "tpu.region"() ({
          %run_scoped3A = tpu.sem_alloc : memref<!tpu.dma_semaphore, #tpu.memory_space<semaphore_mem>>
          %dma_start3A = arith.constant 0 : i32
          %dma_start3A_33 = tpu.memref_slice %arg9[%add3A, %dma_start3A] : memref<10000x128xf32, #tpu.memory_space<vmem_shared>> -> memref<25x128xf32, #tpu.memory_space<vmem_shared>>
          %dma_start3A_34 = arith.constant 0 : i32
          %dma_start3A_35 = tpu.memref_slice %arg9[%add3A, %dma_start3A_34] : memref<10000x128xf32, #tpu.memory_space<vmem_shared>> -> memref<25x128xf32, #tpu.memory_space<vmem_shared>>
          tpu.enqueue_dma source(%arg13 : memref<25x128xf32, #tpu.memory_space<vmem>>) target(%dma_start3A_35 : memref<25x128xf32, #tpu.memory_space<vmem_shared>>) target_semaphore(%run_scoped3A : memref<!tpu.dma_semaphore, #tpu.memory_space<semaphore_mem>>)
          %dma_wait3A = arith.constant 0 : i32
          %dma_wait3A_36 = tpu.memref_slice %arg9[%add3A, %dma_wait3A] : memref<10000x128xf32, #tpu.memory_space<vmem_shared>> -> memref<25x128xf32, #tpu.memory_space<vmem_shared>>
          %dma_wait3A_37 = arith.constant 0 : i32
          %dma_wait3A_38 = tpu.memref_slice %arg9[%add3A, %dma_wait3A_37] : memref<10000x128xf32, #tpu.memory_space<vmem_shared>> -> memref<25x128xf32, #tpu.memory_space<vmem_shared>>
          tpu.wait_dma2 semaphore(%run_scoped3A : memref<!tpu.dma_semaphore, #tpu.memory_space<semaphore_mem>>) src(%arg13 : memref<25x128xf32, #tpu.memory_space<vmem>>) dst(%dma_wait3A_38 : memref<25x128xf32, #tpu.memory_space<vmem_shared>>)
          tpu.yield
        }) : () -> ()
      }
      %scan3A_29 = arith.constant 25 : i32
    } else {
    }
    %eq3A_3 = arith.constant 1 : i32
    %eq3A_4 = arith.cmpi eq, %arg0, %eq3A_3 : i32
    %convert_element_type3A_5 = arith.extui %eq3A_4 : i1 to i32
    %cond3A_6 = arith.constant 0 : i32
    %cond3A_7 = arith.cmpi ne, %convert_element_type3A_5, %cond3A_6 : i32
    scf.if %cond3A_7 {
      %scan3A_24 = arith.constant 0 : i32
      %scan3A_25 = arith.constant 0 : i32
      %scan3A_26 = arith.constant 25 : i32
      %scan3A_27 = arith.addi %scan3A_25, %scan3A_26 : i32
      %scan3A_28 = arith.constant 1 : i32
      scf.for %scan3A_30 = %scan3A_25 to %scan3A_27 step %scan3A_28  : i32 {
        %mul3A_31 = arith.constant 25 : i32
        %mul3A_32 = arith.muli %scan3A_30, %mul3A_31 : i32
        %add3A = arith.addi %mul3A_0, %mul3A_32 : i32
        "tpu.region"() ({
          %run_scoped3A = tpu.sem_alloc : memref<!tpu.dma_semaphore, #tpu.memory_space<semaphore_mem>>
          %dma_start3A = arith.constant 0 : i32
          %dma_start3A_33 = tpu.memref_slice %arg3[%add3A, %dma_start3A] : memref<10000x128xf32, #tpu.memory_space<hbm>> -> memref<25x128xf32, #tpu.memory_space<hbm>>
          %dma_start3A_34 = arith.constant 0 : i32
          %dma_start3A_35 = tpu.memref_slice %arg3[%add3A, %dma_start3A_34] : memref<10000x128xf32, #tpu.memory_space<hbm>> -> memref<25x128xf32, #tpu.memory_space<hbm>>
          tpu.enqueue_dma source(%dma_start3A_35 : memref<25x128xf32, #tpu.memory_space<hbm>>) target(%arg13 : memref<25x128xf32, #tpu.memory_space<vmem>>) target_semaphore(%run_scoped3A : memref<!tpu.dma_semaphore, #tpu.memory_space<semaphore_mem>>)
          %dma_wait3A = arith.constant 0 : i32
          %dma_wait3A_36 = tpu.memref_slice %arg3[%add3A, %dma_wait3A] : memref<10000x128xf32, #tpu.memory_space<hbm>> -> memref<25x128xf32, #tpu.memory_space<hbm>>
          %dma_wait3A_37 = arith.constant 0 : i32
          %dma_wait3A_38 = tpu.memref_slice %arg3[%add3A, %dma_wait3A_37] : memref<10000x128xf32, #tpu.memory_space<hbm>> -> memref<25x128xf32, #tpu.memory_space<hbm>>
          tpu.wait_dma2 semaphore(%run_scoped3A : memref<!tpu.dma_semaphore, #tpu.memory_space<semaphore_mem>>) src(%dma_wait3A_38 : memref<25x128xf32, #tpu.memory_space<hbm>>) dst(%arg13 : memref<25x128xf32, #tpu.memory_space<vmem>>)
          tpu.yield
        }) : () -> ()
        "tpu.region"() ({
          %run_scoped3A = tpu.sem_alloc : memref<!tpu.dma_semaphore, #tpu.memory_space<semaphore_mem>>
          %dma_start3A = arith.constant 0 : i32
          %dma_start3A_33 = tpu.memref_slice %arg9[%add3A, %dma_start3A] : memref<10000x128xf32, #tpu.memory_space<vmem_shared>> -> memref<25x128xf32, #tpu.memory_space<vmem_shared>>
          %dma_start3A_34 = arith.constant 0 : i32
          %dma_start3A_35 = tpu.memref_slice %arg9[%add3A, %dma_start3A_34] : memref<10000x128xf32, #tpu.memory_space<vmem_shared>> -> memref<25x128xf32, #tpu.memory_space<vmem_shared>>
          tpu.enqueue_dma source(%arg13 : memref<25x128xf32, #tpu.memory_space<vmem>>) target(%dma_start3A_35 : memref<25x128xf32, #tpu.memory_space<vmem_shared>>) target_semaphore(%run_scoped3A : memref<!tpu.dma_semaphore, #tpu.memory_space<semaphore_mem>>)
          %dma_wait3A = arith.constant 0 : i32
          %dma_wait3A_36 = tpu.memref_slice %arg9[%add3A, %dma_wait3A] : memref<10000x128xf32, #tpu.memory_space<vmem_shared>> -> memref<25x128xf32, #tpu.memory_space<vmem_shared>>
          %dma_wait3A_37 = arith.constant 0 : i32
          %dma_wait3A_38 = tpu.memref_slice %arg9[%add3A, %dma_wait3A_37] : memref<10000x128xf32, #tpu.memory_space<vmem_shared>> -> memref<25x128xf32, #tpu.memory_space<vmem_shared>>
          tpu.wait_dma2 semaphore(%run_scoped3A : memref<!tpu.dma_semaphore, #tpu.memory_space<semaphore_mem>>) src(%arg13 : memref<25x128xf32, #tpu.memory_space<vmem>>) dst(%dma_wait3A_38 : memref<25x128xf32, #tpu.memory_space<vmem_shared>>)
          tpu.yield
        }) : () -> ()
      }
      %scan3A_29 = arith.constant 25 : i32
    } else {
    }
    %barrier3A = arith.constant 0 : index
    tpu.barrier barrier_id(%barrier3A)
    %eq3A_8 = arith.constant 0 : i32
    %eq3A_9 = arith.cmpi eq, %arg0, %eq3A_8 : i32
    %convert_element_type3A_10 = arith.extui %eq3A_9 : i1 to i32
    %cond3A_11 = arith.constant 0 : i32
    %cond3A_12 = arith.cmpi ne, %convert_element_type3A_10, %cond3A_11 : i32
    scf.if %cond3A_12 {
      %scan3A_24 = arith.constant 0 : i32
      %scan3A_25 = arith.constant 0 : i32
      %scan3A_26 = arith.constant 4 : i32
      %scan3A_27 = arith.addi %scan3A_25, %scan3A_26 : i32
      %scan3A_28 = arith.constant 1 : i32
      scf.for %scan3A_30 = %scan3A_25 to %scan3A_27 step %scan3A_28  : i32 {
        "tpu.region"() ({
          %run_scoped3A = tpu.sem_alloc : memref<!tpu.dma_semaphore, #tpu.memory_space<semaphore_mem>>
          %dma_start3A = arith.constant 0 : i32
          %dma_start3A_37 = arith.constant 0 : i32
          %dma_start3A_38 = tpu.memref_slice %arg4[%arg1, %scan3A_30, %dma_start3A, %dma_start3A_37] : memref<16x4x40x125xi32, #tpu.memory_space<hbm>> -> memref<1x1x40x125xi32, #tpu.memory_space<hbm>>
          %dma_start3A_39 = tpu.memref_squeeze %dma_start3A_38 : memref<1x1x40x125xi32, #tpu.memory_space<hbm>> -> memref<40x125xi32, #tpu.memory_space<hbm>>
          %dma_start3A_40 = arith.constant 0 : i32
          %dma_start3A_41 = arith.constant 0 : i32
          %dma_start3A_42 = tpu.memref_slice %arg4[%arg1, %scan3A_30, %dma_start3A_40, %dma_start3A_41] : memref<16x4x40x125xi32, #tpu.memory_space<hbm>> -> memref<1x1x40x125xi32, #tpu.memory_space<hbm>>
          %dma_start3A_43 = tpu.memref_squeeze %dma_start3A_42 : memref<1x1x40x125xi32, #tpu.memory_space<hbm>> -> memref<40x125xi32, #tpu.memory_space<hbm>>
          tpu.enqueue_dma source(%dma_start3A_43 : memref<40x125xi32, #tpu.memory_space<hbm>>) target(%arg10 : memref<40x125xi32, #tpu.memory_space<vmem>>) target_semaphore(%run_scoped3A : memref<!tpu.dma_semaphore, #tpu.memory_space<semaphore_mem>>)
          %dma_wait3A = arith.constant 0 : i32
          %dma_wait3A_44 = arith.constant 0 : i32
          %dma_wait3A_45 = tpu.memref_slice %arg4[%arg1, %scan3A_30, %dma_wait3A, %dma_wait3A_44] : memref<16x4x40x125xi32, #tpu.memory_space<hbm>> -> memref<1x1x40x125xi32, #tpu.memory_space<hbm>>
          %dma_wait3A_46 = tpu.memref_squeeze %dma_wait3A_45 : memref<1x1x40x125xi32, #tpu.memory_space<hbm>> -> memref<40x125xi32, #tpu.memory_space<hbm>>
          %dma_wait3A_47 = arith.constant 0 : i32
          %dma_wait3A_48 = arith.constant 0 : i32
          %dma_wait3A_49 = tpu.memref_slice %arg4[%arg1, %scan3A_30, %dma_wait3A_47, %dma_wait3A_48] : memref<16x4x40x125xi32, #tpu.memory_space<hbm>> -> memref<1x1x40x125xi32, #tpu.memory_space<hbm>>
          %dma_wait3A_50 = tpu.memref_squeeze %dma_wait3A_49 : memref<1x1x40x125xi32, #tpu.memory_space<hbm>> -> memref<40x125xi32, #tpu.memory_space<hbm>>
          tpu.wait_dma2 semaphore(%run_scoped3A : memref<!tpu.dma_semaphore, #tpu.memory_space<semaphore_mem>>) src(%dma_wait3A_50 : memref<40x125xi32, #tpu.memory_space<hbm>>) dst(%arg10 : memref<40x125xi32, #tpu.memory_space<vmem>>)
          tpu.yield
        }) : () -> ()
        "tpu.region"() ({
          %run_scoped3A = tpu.sem_alloc : memref<!tpu.dma_semaphore, #tpu.memory_space<semaphore_mem>>
          %dma_start3A = arith.constant 0 : i32
          %dma_start3A_37 = arith.constant 0 : i32
          %dma_start3A_38 = tpu.memref_slice %arg5[%arg1, %scan3A_30, %dma_start3A, %dma_start3A_37] : memref<16x4x40x125xi32, #tpu.memory_space<hbm>> -> memref<1x1x40x125xi32, #tpu.memory_space<hbm>>
          %dma_start3A_39 = tpu.memref_squeeze %dma_start3A_38 : memref<1x1x40x125xi32, #tpu.memory_space<hbm>> -> memref<40x125xi32, #tpu.memory_space<hbm>>
          %dma_start3A_40 = arith.constant 0 : i32
          %dma_start3A_41 = arith.constant 0 : i32
          %dma_start3A_42 = tpu.memref_slice %arg5[%arg1, %scan3A_30, %dma_start3A_40, %dma_start3A_41] : memref<16x4x40x125xi32, #tpu.memory_space<hbm>> -> memref<1x1x40x125xi32, #tpu.memory_space<hbm>>
          %dma_start3A_43 = tpu.memref_squeeze %dma_start3A_42 : memref<1x1x40x125xi32, #tpu.memory_space<hbm>> -> memref<40x125xi32, #tpu.memory_space<hbm>>
          tpu.enqueue_dma source(%dma_start3A_43 : memref<40x125xi32, #tpu.memory_space<hbm>>) target(%arg11 : memref<40x125xi32, #tpu.memory_space<vmem>>) target_semaphore(%run_scoped3A : memref<!tpu.dma_semaphore, #tpu.memory_space<semaphore_mem>>)
          %dma_wait3A = arith.constant 0 : i32
          %dma_wait3A_44 = arith.constant 0 : i32
          %dma_wait3A_45 = tpu.memref_slice %arg5[%arg1, %scan3A_30, %dma_wait3A, %dma_wait3A_44] : memref<16x4x40x125xi32, #tpu.memory_space<hbm>> -> memref<1x1x40x125xi32, #tpu.memory_space<hbm>>
          %dma_wait3A_46 = tpu.memref_squeeze %dma_wait3A_45 : memref<1x1x40x125xi32, #tpu.memory_space<hbm>> -> memref<40x125xi32, #tpu.memory_space<hbm>>
          %dma_wait3A_47 = arith.constant 0 : i32
          %dma_wait3A_48 = arith.constant 0 : i32
          %dma_wait3A_49 = tpu.memref_slice %arg5[%arg1, %scan3A_30, %dma_wait3A_47, %dma_wait3A_48] : memref<16x4x40x125xi32, #tpu.memory_space<hbm>> -> memref<1x1x40x125xi32, #tpu.memory_space<hbm>>
          %dma_wait3A_50 = tpu.memref_squeeze %dma_wait3A_49 : memref<1x1x40x125xi32, #tpu.memory_space<hbm>> -> memref<40x125xi32, #tpu.memory_space<hbm>>
          tpu.wait_dma2 semaphore(%run_scoped3A : memref<!tpu.dma_semaphore, #tpu.memory_space<semaphore_mem>>) src(%dma_wait3A_50 : memref<40x125xi32, #tpu.memory_space<hbm>>) dst(%arg11 : memref<40x125xi32, #tpu.memory_space<vmem>>)
          tpu.yield
        }) : () -> ()
        %scan3A_31 = arith.constant 0 : i32
        %scan3A_32 = arith.constant 0 : i32
        %scan3A_33 = arith.constant 40 : i32
        %scan3A_34 = arith.addi %scan3A_32, %scan3A_33 : i32
        %scan3A_35 = arith.constant 1 : i32
        scf.for %scan3A_37 = %scan3A_32 to %scan3A_34 step %scan3A_35  : i32 {
          "tpu.region"() ({
            %run_scoped3A = tpu.sem_alloc : memref<!tpu.dma_semaphore, #tpu.memory_space<semaphore_mem>>
            %dma_start3A = arith.constant 0 : i32
            %dma_start3A_38 = tpu.memref_slice %arg10[%scan3A_37, %dma_start3A] : memref<40x125xi32, #tpu.memory_space<vmem>> -> memref<1x125xi32, #tpu.memory_space<vmem>>
            %dma_start3A_39 = tpu.memref_squeeze %dma_start3A_38 : memref<1x125xi32, #tpu.memory_space<vmem>> -> memref<125xi32, #tpu.memory_space<vmem>>
            %dma_start3A_40 = arith.constant 0 : i32
            %dma_start3A_41 = arith.constant 0 : i32
            %dma_start3A_42 = tpu.memref_slice %arg2[%dma_start3A_40, %dma_start3A_41] : memref<10000x128xf32, #tpu.memory_space<hbm>> -> memref<10000x128xf32, #tpu.memory_space<hbm>>
            tpu.enqueue_indirect_dma source(%dma_start3A_42 : memref<10000x128xf32, #tpu.memory_space<hbm>>) target(%arg12 : memref<125x128xf32, #tpu.memory_space<vmem>>) offsets(%dma_start3A_39 : memref<125xi32, #tpu.memory_space<vmem>>) semaphore(%run_scoped3A : memref<!tpu.dma_semaphore, #tpu.memory_space<semaphore_mem>>)
            %dma_wait3A = arith.constant 0 : i32
            %dma_wait3A_43 = tpu.memref_slice %arg10[%scan3A_37, %dma_wait3A] : memref<40x125xi32, #tpu.memory_space<vmem>> -> memref<1x125xi32, #tpu.memory_space<vmem>>
            %dma_wait3A_44 = tpu.memref_squeeze %dma_wait3A_43 : memref<1x125xi32, #tpu.memory_space<vmem>> -> memref<125xi32, #tpu.memory_space<vmem>>
            %dma_wait3A_45 = arith.constant 0 : i32
            %dma_wait3A_46 = arith.constant 0 : i32
            %dma_wait3A_47 = tpu.memref_slice %arg2[%dma_wait3A_45, %dma_wait3A_46] : memref<10000x128xf32, #tpu.memory_space<hbm>> -> memref<10000x128xf32, #tpu.memory_space<hbm>>
            tpu.wait_indirect_dma semaphore(%run_scoped3A : memref<!tpu.dma_semaphore, #tpu.memory_space<semaphore_mem>>) src(%dma_wait3A_47 : memref<10000x128xf32, #tpu.memory_space<hbm>>) dst(%arg12 : memref<125x128xf32, #tpu.memory_space<vmem>>)
            tpu.yield
          }) : () -> ()
          "tpu.region"() ({
            %run_scoped3A = tpu.sem_alloc : memref<!tpu.dma_semaphore, #tpu.memory_space<semaphore_mem>>
            %dma_start3A = arith.constant 0 : i32
            %dma_start3A_38 = tpu.memref_slice %arg11[%scan3A_37, %dma_start3A] : memref<40x125xi32, #tpu.memory_space<vmem>> -> memref<1x125xi32, #tpu.memory_space<vmem>>
            %dma_start3A_39 = tpu.memref_squeeze %dma_start3A_38 : memref<1x125xi32, #tpu.memory_space<vmem>> -> memref<125xi32, #tpu.memory_space<vmem>>
            %dma_start3A_40 = arith.constant 0 : i32
            %dma_start3A_41 = arith.constant 0 : i32
            %dma_start3A_42 = tpu.memref_slice %arg9[%dma_start3A_40, %dma_start3A_41] : memref<10000x128xf32, #tpu.memory_space<vmem_shared>> -> memref<10000x128xf32, #tpu.memory_space<vmem_shared>>
            tpu.enqueue_indirect_dma source(%arg12 : memref<125x128xf32, #tpu.memory_space<vmem>>) target(%dma_start3A_42 : memref<10000x128xf32, #tpu.memory_space<vmem_shared>>) offsets(%dma_start3A_39 : memref<125xi32, #tpu.memory_space<vmem>>) semaphore(%run_scoped3A : memref<!tpu.dma_semaphore, #tpu.memory_space<semaphore_mem>>) {add = true}
            %dma_wait3A = arith.constant 0 : i32
            %dma_wait3A_43 = tpu.memref_slice %arg11[%scan3A_37, %dma_wait3A] : memref<40x125xi32, #tpu.memory_space<vmem>> -> memref<1x125xi32, #tpu.memory_space<vmem>>
            %dma_wait3A_44 = tpu.memref_squeeze %dma_wait3A_43 : memref<1x125xi32, #tpu.memory_space<vmem>> -> memref<125xi32, #tpu.memory_space<vmem>>
            %dma_wait3A_45 = arith.constant 0 : i32
            %dma_wait3A_46 = arith.constant 0 : i32
            %dma_wait3A_47 = tpu.memref_slice %arg9[%dma_wait3A_45, %dma_wait3A_46] : memref<10000x128xf32, #tpu.memory_space<vmem_shared>> -> memref<10000x128xf32, #tpu.memory_space<vmem_shared>>
            tpu.wait_indirect_dma semaphore(%run_scoped3A : memref<!tpu.dma_semaphore, #tpu.memory_space<semaphore_mem>>) src(%arg12 : memref<125x128xf32, #tpu.memory_space<vmem>>) dst(%dma_wait3A_47 : memref<10000x128xf32, #tpu.memory_space<vmem_shared>>)
            tpu.yield
          }) : () -> ()
        }
        %scan3A_36 = arith.constant 40 : i32
      }
      %scan3A_29 = arith.constant 4 : i32
    } else {
    }
    %eq3A_13 = arith.constant 1 : i32
    %eq3A_14 = arith.cmpi eq, %arg0, %eq3A_13 : i32
    %convert_element_type3A_15 = arith.extui %eq3A_14 : i1 to i32
    %cond3A_16 = arith.constant 0 : i32
    %cond3A_17 = arith.cmpi ne, %convert_element_type3A_15, %cond3A_16 : i32
    scf.if %cond3A_17 {
      %scan3A_24 = arith.constant 0 : i32
      %scan3A_25 = arith.constant 0 : i32
      %scan3A_26 = arith.constant 4 : i32
      %scan3A_27 = arith.addi %scan3A_25, %scan3A_26 : i32
      %scan3A_28 = arith.constant 1 : i32
      scf.for %scan3A_30 = %scan3A_25 to %scan3A_27 step %scan3A_28  : i32 {
        "tpu.region"() ({
          %run_scoped3A = tpu.sem_alloc : memref<!tpu.dma_semaphore, #tpu.memory_space<semaphore_mem>>
          %dma_start3A = arith.constant 0 : i32
          %dma_start3A_37 = arith.constant 0 : i32
          %dma_start3A_38 = tpu.memref_slice %arg6[%arg1, %scan3A_30, %dma_start3A, %dma_start3A_37] : memref<16x4x40x125xi32, #tpu.memory_space<hbm>> -> memref<1x1x40x125xi32, #tpu.memory_space<hbm>>
          %dma_start3A_39 = tpu.memref_squeeze %dma_start3A_38 : memref<1x1x40x125xi32, #tpu.memory_space<hbm>> -> memref<40x125xi32, #tpu.memory_space<hbm>>
          %dma_start3A_40 = arith.constant 0 : i32
          %dma_start3A_41 = arith.constant 0 : i32
          %dma_start3A_42 = tpu.memref_slice %arg6[%arg1, %scan3A_30, %dma_start3A_40, %dma_start3A_41] : memref<16x4x40x125xi32, #tpu.memory_space<hbm>> -> memref<1x1x40x125xi32, #tpu.memory_space<hbm>>
          %dma_start3A_43 = tpu.memref_squeeze %dma_start3A_42 : memref<1x1x40x125xi32, #tpu.memory_space<hbm>> -> memref<40x125xi32, #tpu.memory_space<hbm>>
          tpu.enqueue_dma source(%dma_start3A_43 : memref<40x125xi32, #tpu.memory_space<hbm>>) target(%arg10 : memref<40x125xi32, #tpu.memory_space<vmem>>) target_semaphore(%run_scoped3A : memref<!tpu.dma_semaphore, #tpu.memory_space<semaphore_mem>>)
          %dma_wait3A = arith.constant 0 : i32
          %dma_wait3A_44 = arith.constant 0 : i32
          %dma_wait3A_45 = tpu.memref_slice %arg6[%arg1, %scan3A_30, %dma_wait3A, %dma_wait3A_44] : memref<16x4x40x125xi32, #tpu.memory_space<hbm>> -> memref<1x1x40x125xi32, #tpu.memory_space<hbm>>
          %dma_wait3A_46 = tpu.memref_squeeze %dma_wait3A_45 : memref<1x1x40x125xi32, #tpu.memory_space<hbm>> -> memref<40x125xi32, #tpu.memory_space<hbm>>
          %dma_wait3A_47 = arith.constant 0 : i32
          %dma_wait3A_48 = arith.constant 0 : i32
          %dma_wait3A_49 = tpu.memref_slice %arg6[%arg1, %scan3A_30, %dma_wait3A_47, %dma_wait3A_48] : memref<16x4x40x125xi32, #tpu.memory_space<hbm>> -> memref<1x1x40x125xi32, #tpu.memory_space<hbm>>
          %dma_wait3A_50 = tpu.memref_squeeze %dma_wait3A_49 : memref<1x1x40x125xi32, #tpu.memory_space<hbm>> -> memref<40x125xi32, #tpu.memory_space<hbm>>
          tpu.wait_dma2 semaphore(%run_scoped3A : memref<!tpu.dma_semaphore, #tpu.memory_space<semaphore_mem>>) src(%dma_wait3A_50 : memref<40x125xi32, #tpu.memory_space<hbm>>) dst(%arg10 : memref<40x125xi32, #tpu.memory_space<vmem>>)
          tpu.yield
        }) : () -> ()
        "tpu.region"() ({
          %run_scoped3A = tpu.sem_alloc : memref<!tpu.dma_semaphore, #tpu.memory_space<semaphore_mem>>
          %dma_start3A = arith.constant 0 : i32
          %dma_start3A_37 = arith.constant 0 : i32
          %dma_start3A_38 = tpu.memref_slice %arg7[%arg1, %scan3A_30, %dma_start3A, %dma_start3A_37] : memref<16x4x40x125xi32, #tpu.memory_space<hbm>> -> memref<1x1x40x125xi32, #tpu.memory_space<hbm>>
          %dma_start3A_39 = tpu.memref_squeeze %dma_start3A_38 : memref<1x1x40x125xi32, #tpu.memory_space<hbm>> -> memref<40x125xi32, #tpu.memory_space<hbm>>
          %dma_start3A_40 = arith.constant 0 : i32
          %dma_start3A_41 = arith.constant 0 : i32
          %dma_start3A_42 = tpu.memref_slice %arg7[%arg1, %scan3A_30, %dma_start3A_40, %dma_start3A_41] : memref<16x4x40x125xi32, #tpu.memory_space<hbm>> -> memref<1x1x40x125xi32, #tpu.memory_space<hbm>>
          %dma_start3A_43 = tpu.memref_squeeze %dma_start3A_42 : memref<1x1x40x125xi32, #tpu.memory_space<hbm>> -> memref<40x125xi32, #tpu.memory_space<hbm>>
          tpu.enqueue_dma source(%dma_start3A_43 : memref<40x125xi32, #tpu.memory_space<hbm>>) target(%arg11 : memref<40x125xi32, #tpu.memory_space<vmem>>) target_semaphore(%run_scoped3A : memref<!tpu.dma_semaphore, #tpu.memory_space<semaphore_mem>>)
          %dma_wait3A = arith.constant 0 : i32
          %dma_wait3A_44 = arith.constant 0 : i32
          %dma_wait3A_45 = tpu.memref_slice %arg7[%arg1, %scan3A_30, %dma_wait3A, %dma_wait3A_44] : memref<16x4x40x125xi32, #tpu.memory_space<hbm>> -> memref<1x1x40x125xi32, #tpu.memory_space<hbm>>
          %dma_wait3A_46 = tpu.memref_squeeze %dma_wait3A_45 : memref<1x1x40x125xi32, #tpu.memory_space<hbm>> -> memref<40x125xi32, #tpu.memory_space<hbm>>
          %dma_wait3A_47 = arith.constant 0 : i32
          %dma_wait3A_48 = arith.constant 0 : i32
          %dma_wait3A_49 = tpu.memref_slice %arg7[%arg1, %scan3A_30, %dma_wait3A_47, %dma_wait3A_48] : memref<16x4x40x125xi32, #tpu.memory_space<hbm>> -> memref<1x1x40x125xi32, #tpu.memory_space<hbm>>
          %dma_wait3A_50 = tpu.memref_squeeze %dma_wait3A_49 : memref<1x1x40x125xi32, #tpu.memory_space<hbm>> -> memref<40x125xi32, #tpu.memory_space<hbm>>
          tpu.wait_dma2 semaphore(%run_scoped3A : memref<!tpu.dma_semaphore, #tpu.memory_space<semaphore_mem>>) src(%dma_wait3A_50 : memref<40x125xi32, #tpu.memory_space<hbm>>) dst(%arg11 : memref<40x125xi32, #tpu.memory_space<vmem>>)
          tpu.yield
        }) : () -> ()
        %scan3A_31 = arith.constant 0 : i32
        %scan3A_32 = arith.constant 0 : i32
        %scan3A_33 = arith.constant 40 : i32
        %scan3A_34 = arith.addi %scan3A_32, %scan3A_33 : i32
        %scan3A_35 = arith.constant 1 : i32
        scf.for %scan3A_37 = %scan3A_32 to %scan3A_34 step %scan3A_35  : i32 {
          "tpu.region"() ({
            %run_scoped3A = tpu.sem_alloc : memref<!tpu.dma_semaphore, #tpu.memory_space<semaphore_mem>>
            %dma_start3A = arith.constant 0 : i32
            %dma_start3A_38 = tpu.memref_slice %arg10[%scan3A_37, %dma_start3A] : memref<40x125xi32, #tpu.memory_space<vmem>> -> memref<1x125xi32, #tpu.memory_space<vmem>>
            %dma_start3A_39 = tpu.memref_squeeze %dma_start3A_38 : memref<1x125xi32, #tpu.memory_space<vmem>> -> memref<125xi32, #tpu.memory_space<vmem>>
            %dma_start3A_40 = arith.constant 0 : i32
            %dma_start3A_41 = arith.constant 0 : i32
            %dma_start3A_42 = tpu.memref_slice %arg3[%dma_start3A_40, %dma_start3A_41] : memref<10000x128xf32, #tpu.memory_space<hbm>> -> memref<10000x128xf32, #tpu.memory_space<hbm>>
            tpu.enqueue_indirect_dma source(%dma_start3A_42 : memref<10000x128xf32, #tpu.memory_space<hbm>>) target(%arg12 : memref<125x128xf32, #tpu.memory_space<vmem>>) offsets(%dma_start3A_39 : memref<125xi32, #tpu.memory_space<vmem>>) semaphore(%run_scoped3A : memref<!tpu.dma_semaphore, #tpu.memory_space<semaphore_mem>>)
            %dma_wait3A = arith.constant 0 : i32
            %dma_wait3A_43 = tpu.memref_slice %arg10[%scan3A_37, %dma_wait3A] : memref<40x125xi32, #tpu.memory_space<vmem>> -> memref<1x125xi32, #tpu.memory_space<vmem>>
            %dma_wait3A_44 = tpu.memref_squeeze %dma_wait3A_43 : memref<1x125xi32, #tpu.memory_space<vmem>> -> memref<125xi32, #tpu.memory_space<vmem>>
            %dma_wait3A_45 = arith.constant 0 : i32
            %dma_wait3A_46 = arith.constant 0 : i32
            %dma_wait3A_47 = tpu.memref_slice %arg3[%dma_wait3A_45, %dma_wait3A_46] : memref<10000x128xf32, #tpu.memory_space<hbm>> -> memref<10000x128xf32, #tpu.memory_space<hbm>>
            tpu.wait_indirect_dma semaphore(%run_scoped3A : memref<!tpu.dma_semaphore, #tpu.memory_space<semaphore_mem>>) src(%dma_wait3A_47 : memref<10000x128xf32, #tpu.memory_space<hbm>>) dst(%arg12 : memref<125x128xf32, #tpu.memory_space<vmem>>)
            tpu.yield
          }) : () -> ()
          "tpu.region"() ({
            %run_scoped3A = tpu.sem_alloc : memref<!tpu.dma_semaphore, #tpu.memory_space<semaphore_mem>>
            %dma_start3A = arith.constant 0 : i32
            %dma_start3A_38 = tpu.memref_slice %arg11[%scan3A_37, %dma_start3A] : memref<40x125xi32, #tpu.memory_space<vmem>> -> memref<1x125xi32, #tpu.memory_space<vmem>>
            %dma_start3A_39 = tpu.memref_squeeze %dma_start3A_38 : memref<1x125xi32, #tpu.memory_space<vmem>> -> memref<125xi32, #tpu.memory_space<vmem>>
            %dma_start3A_40 = arith.constant 0 : i32
            %dma_start3A_41 = arith.constant 0 : i32
            %dma_start3A_42 = tpu.memref_slice %arg9[%dma_start3A_40, %dma_start3A_41] : memref<10000x128xf32, #tpu.memory_space<vmem_shared>> -> memref<10000x128xf32, #tpu.memory_space<vmem_shared>>
            tpu.enqueue_indirect_dma source(%arg12 : memref<125x128xf32, #tpu.memory_space<vmem>>) target(%dma_start3A_42 : memref<10000x128xf32, #tpu.memory_space<vmem_shared>>) offsets(%dma_start3A_39 : memref<125xi32, #tpu.memory_space<vmem>>) semaphore(%run_scoped3A : memref<!tpu.dma_semaphore, #tpu.memory_space<semaphore_mem>>) {add = true}
            %dma_wait3A = arith.constant 0 : i32
            %dma_wait3A_43 = tpu.memref_slice %arg11[%scan3A_37, %dma_wait3A] : memref<40x125xi32, #tpu.memory_space<vmem>> -> memref<1x125xi32, #tpu.memory_space<vmem>>
            %dma_wait3A_44 = tpu.memref_squeeze %dma_wait3A_43 : memref<1x125xi32, #tpu.memory_space<vmem>> -> memref<125xi32, #tpu.memory_space<vmem>>
            %dma_wait3A_45 = arith.constant 0 : i32
            %dma_wait3A_46 = arith.constant 0 : i32
            %dma_wait3A_47 = tpu.memref_slice %arg9[%dma_wait3A_45, %dma_wait3A_46] : memref<10000x128xf32, #tpu.memory_space<vmem_shared>> -> memref<10000x128xf32, #tpu.memory_space<vmem_shared>>
            tpu.wait_indirect_dma semaphore(%run_scoped3A : memref<!tpu.dma_semaphore, #tpu.memory_space<semaphore_mem>>) src(%arg12 : memref<125x128xf32, #tpu.memory_space<vmem>>) dst(%dma_wait3A_47 : memref<10000x128xf32, #tpu.memory_space<vmem_shared>>)
            tpu.yield
          }) : () -> ()
        }
        %scan3A_36 = arith.constant 40 : i32
      }
      %scan3A_29 = arith.constant 4 : i32
    } else {
    }
    %barrier3A_18 = arith.constant 0 : index
    tpu.barrier barrier_id(%barrier3A_18)
    %scan3A = arith.constant 0 : i32
    %scan3A_19 = arith.constant 0 : i32
    %scan3A_20 = arith.constant 25 : i32
    %scan3A_21 = arith.addi %scan3A_19, %scan3A_20 : i32
    %scan3A_22 = arith.constant 1 : i32
    scf.for %scan3A_24 = %scan3A_19 to %scan3A_21 step %scan3A_22  : i32 {
      %mul3A_25 = arith.constant 25 : i32
      %mul3A_26 = arith.muli %scan3A_24, %mul3A_25 : i32
      %add3A = arith.addi %mul3A_0, %mul3A_26 : i32
      "tpu.region"() ({
        %run_scoped3A = tpu.sem_alloc : memref<!tpu.dma_semaphore, #tpu.memory_space<semaphore_mem>>
        %dma_start3A = arith.constant 0 : i32
        %dma_start3A_27 = tpu.memref_slice %arg9[%add3A, %dma_start3A] : memref<10000x128xf32, #tpu.memory_space<vmem_shared>> -> memref<25x128xf32, #tpu.memory_space<vmem_shared>>
        %dma_start3A_28 = arith.constant 0 : i32
        %dma_start3A_29 = tpu.memref_slice %arg9[%add3A, %dma_start3A_28] : memref<10000x128xf32, #tpu.memory_space<vmem_shared>> -> memref<25x128xf32, #tpu.memory_space<vmem_shared>>
        tpu.enqueue_dma source(%dma_start3A_29 : memref<25x128xf32, #tpu.memory_space<vmem_shared>>) target(%arg13 : memref<25x128xf32, #tpu.memory_space<vmem>>) target_semaphore(%run_scoped3A : memref<!tpu.dma_semaphore, #tpu.memory_space<semaphore_mem>>)
        %dma_wait3A = arith.constant 0 : i32
        %dma_wait3A_30 = tpu.memref_slice %arg9[%add3A, %dma_wait3A] : memref<10000x128xf32, #tpu.memory_space<vmem_shared>> -> memref<25x128xf32, #tpu.memory_space<vmem_shared>>
        %dma_wait3A_31 = arith.constant 0 : i32
        %dma_wait3A_32 = tpu.memref_slice %arg9[%add3A, %dma_wait3A_31] : memref<10000x128xf32, #tpu.memory_space<vmem_shared>> -> memref<25x128xf32, #tpu.memory_space<vmem_shared>>
        tpu.wait_dma2 semaphore(%run_scoped3A : memref<!tpu.dma_semaphore, #tpu.memory_space<semaphore_mem>>) src(%dma_wait3A_32 : memref<25x128xf32, #tpu.memory_space<vmem_shared>>) dst(%arg13 : memref<25x128xf32, #tpu.memory_space<vmem>>)
        tpu.yield
      }) : () -> ()
      "tpu.region"() ({
        %run_scoped3A = tpu.sem_alloc : memref<!tpu.dma_semaphore, #tpu.memory_space<semaphore_mem>>
        %dma_start3A = arith.constant 0 : i32
        %dma_start3A_27 = tpu.memref_slice %arg8[%arg0, %add3A, %dma_start3A] : memref<2x10000x128xf32, #tpu.memory_space<hbm>> -> memref<1x25x128xf32, #tpu.memory_space<hbm>>
        %dma_start3A_28 = tpu.memref_squeeze %dma_start3A_27 : memref<1x25x128xf32, #tpu.memory_space<hbm>> -> memref<25x128xf32, #tpu.memory_space<hbm>>
        %dma_start3A_29 = arith.constant 0 : i32
        %dma_start3A_30 = tpu.memref_slice %arg8[%arg0, %add3A, %dma_start3A_29] : memref<2x10000x128xf32, #tpu.memory_space<hbm>> -> memref<1x25x128xf32, #tpu.memory_space<hbm>>
        %dma_start3A_31 = tpu.memref_squeeze %dma_start3A_30 : memref<1x25x128xf32, #tpu.memory_space<hbm>> -> memref<25x128xf32, #tpu.memory_space<hbm>>
        tpu.enqueue_dma source(%arg13 : memref<25x128xf32, #tpu.memory_space<vmem>>) target(%dma_start3A_31 : memref<25x128xf32, #tpu.memory_space<hbm>>) target_semaphore(%run_scoped3A : memref<!tpu.dma_semaphore, #tpu.memory_space<semaphore_mem>>)
        %dma_wait3A = arith.constant 0 : i32
        %dma_wait3A_32 = tpu.memref_slice %arg8[%arg0, %add3A, %dma_wait3A] : memref<2x10000x128xf32, #tpu.memory_space<hbm>> -> memref<1x25x128xf32, #tpu.memory_space<hbm>>
        %dma_wait3A_33 = tpu.memref_squeeze %dma_wait3A_32 : memref<1x25x128xf32, #tpu.memory_space<hbm>> -> memref<25x128xf32, #tpu.memory_space<hbm>>
        %dma_wait3A_34 = arith.constant 0 : i32
        %dma_wait3A_35 = tpu.memref_slice %arg8[%arg0, %add3A, %dma_wait3A_34] : memref<2x10000x128xf32, #tpu.memory_space<hbm>> -> memref<1x25x128xf32, #tpu.memory_space<hbm>>
        %dma_wait3A_36 = tpu.memref_squeeze %dma_wait3A_35 : memref<1x25x128xf32, #tpu.memory_space<hbm>> -> memref<25x128xf32, #tpu.memory_space<hbm>>
        tpu.wait_dma2 semaphore(%run_scoped3A : memref<!tpu.dma_semaphore, #tpu.memory_space<semaphore_mem>>) src(%arg13 : memref<25x128xf32, #tpu.memory_space<vmem>>) dst(%dma_wait3A_36 : memref<25x128xf32, #tpu.memory_space<hbm>>)
        tpu.yield
      }) : () -> ()
    }
    %scan3A_23 = arith.constant 25 : i32
    return
  }
}

module attributes {stable_mosaic.version = 14 : i64} {
  func.func @_mm_body(%arg0: i32, %arg1: memref<1000x128xf32, #tpu.memory_space<vmem>>, %arg2: memref<128x128xf32, #tpu.memory_space<vmem>>, %arg3: memref<128x128xf32, #tpu.memory_space<vmem>>, %arg4: memref<1000x1xf32, #tpu.memory_space<vmem>>, %arg5: memref<1000x1xf32, #tpu.memory_space<vmem>>, %arg6: memref<1000x128xf32, #tpu.memory_space<vmem>>, %arg7: memref<1000x128xf32, #tpu.memory_space<vmem>>) attributes {dimension_semantics = [#tpu.dimension_semantics<arbitrary>], iteration_bounds = array<i64: 10>, scalar_prefetch = 0 : i64, scratch_operands = 0 : i64, tpu.core_type = #tpu.core_type<tc>, window_params = [{transform_indices = @transform_0, window_bounds = array<i64: 1000, 128>}, {pipeline_mode = #tpu.pipeline_mode<synchronous>, transform_indices = @transform_1, window_bounds = array<i64: 128, 128>}, {pipeline_mode = #tpu.pipeline_mode<synchronous>, transform_indices = @transform_2, window_bounds = array<i64: 128, 128>}, {transform_indices = @transform_3, window_bounds = array<i64: 1000, 1>}, {transform_indices = @transform_4, window_bounds = array<i64: 1000, 1>}, {transform_indices = @transform_5, window_bounds = array<i64: 1000, 128>}, {transform_indices = @transform_6, window_bounds = array<i64: 1000, 128>}]} {
    %get3A = arith.constant 0 : index
    %get3A_0 = arith.constant 0 : index
    %get3A_1 = vector.load %arg4[%get3A, %get3A_0] : memref<1000x1xf32, #tpu.memory_space<vmem>>, vector<1000x1xf32>
    %add3A = arith.constant 1.000000e+00 : f32
    %add3A_2 = vector.broadcast %add3A : f32 to vector<1000x1xf32>
    %add3A_3 = arith.addf %get3A_1, %add3A_2 : vector<1000x1xf32>
    %rsqrt3A = math.rsqrt %add3A_3 : vector<1000x1xf32>
    %get3A_4 = arith.constant 0 : index
    %get3A_5 = arith.constant 0 : index
    %get3A_6 = vector.load %arg5[%get3A_4, %get3A_5] : memref<1000x1xf32, #tpu.memory_space<vmem>>, vector<1000x1xf32>
    %add3A_7 = arith.constant 1.000000e+00 : f32
    %add3A_8 = vector.broadcast %add3A_7 : f32 to vector<1000x1xf32>
    %add3A_9 = arith.addf %get3A_6, %add3A_8 : vector<1000x1xf32>
    %rsqrt3A_10 = math.rsqrt %add3A_9 : vector<1000x1xf32>
    %get3A_11 = arith.constant 0 : index
    %get3A_12 = arith.constant 0 : index
    %get3A_13 = vector.load %arg1[%get3A_11, %get3A_12] : memref<1000x128xf32, #tpu.memory_space<vmem>>, vector<1000x128xf32>
    %get3A_14 = arith.constant 0 : index
    %get3A_15 = arith.constant 0 : index
    %get3A_16 = vector.load %arg2[%get3A_14, %get3A_15] : memref<128x128xf32, #tpu.memory_space<vmem>>, vector<128x128xf32>
    %dot_general3A = arith.constant dense<0.000000e+00> : vector<1000x128xf32>
    %dot_general3A_17 = tpu.matmul %get3A_13, %get3A_16, %dot_general3A {dimension_numbers = #tpu.dot_dimension_numbers<[1], [0], [0], [1], [0, 0, 1, 1], [], []>, transpose_lhs_hint = false} : vector<1000x128xf32>, vector<128x128xf32>, vector<1000x128xf32> -> vector<1000x128xf32>
    %mul3A = vector.broadcast %rsqrt3A : vector<1000x1xf32> to vector<1000x128xf32>
    %mul3A_18 = arith.mulf %dot_general3A_17, %mul3A : vector<1000x128xf32>
    %swap3A = arith.constant 0 : index
    %swap3A_19 = arith.constant 0 : index
    %swap3A_20 = vector.load %arg6[%swap3A, %swap3A_19] : memref<1000x128xf32, #tpu.memory_space<vmem>>, vector<1000x128xf32>
    tpu.vector_store %arg6[%swap3A, %swap3A_19], %mul3A_18 {strides = array<i32>} : memref<1000x128xf32, #tpu.memory_space<vmem>>, vector<1000x128xf32>,
    %get3A_21 = arith.constant 0 : index
    %get3A_22 = arith.constant 0 : index
    %get3A_23 = vector.load %arg3[%get3A_21, %get3A_22] : memref<128x128xf32, #tpu.memory_space<vmem>>, vector<128x128xf32>
    %dot_general3A_24 = arith.constant dense<0.000000e+00> : vector<1000x128xf32>
    %dot_general3A_25 = tpu.matmul %get3A_13, %get3A_23, %dot_general3A_24 {dimension_numbers = #tpu.dot_dimension_numbers<[1], [0], [0], [1], [0, 0, 1, 1], [], []>, transpose_lhs_hint = false} : vector<1000x128xf32>, vector<128x128xf32>, vector<1000x128xf32> -> vector<1000x128xf32>
    %mul3A_26 = vector.broadcast %rsqrt3A_10 : vector<1000x1xf32> to vector<1000x128xf32>
    %mul3A_27 = arith.mulf %dot_general3A_25, %mul3A_26 : vector<1000x128xf32>
    %swap3A_28 = arith.constant 0 : index
    %swap3A_29 = arith.constant 0 : index
    %swap3A_30 = vector.load %arg7[%swap3A_28, %swap3A_29] : memref<1000x128xf32, #tpu.memory_space<vmem>>, vector<1000x128xf32>
    tpu.vector_store %arg7[%swap3A_28, %swap3A_29], %mul3A_27 {strides = array<i32>} : memref<1000x128xf32, #tpu.memory_space<vmem>>, vector<1000x128xf32>,
    return
  }
  func.func @transform_0(%arg0: i32) -> (i32, i32) {
    %c0_i32 = arith.constant 0 : i32
    %c0_i32_0 = arith.constant 0 : i32
    return %arg0, %c0_i32 : i32, i32
  }
  func.func @transform_1(%arg0: i32) -> (i32, i32) {
    %c0_i32 = arith.constant 0 : i32
    %c0_i32_0 = arith.constant 0 : i32
    %c0_i32_1 = arith.constant 0 : i32
    return %c0_i32, %c0_i32_0 : i32, i32
  }
  func.func @transform_2(%arg0: i32) -> (i32, i32) {
    %c0_i32 = arith.constant 0 : i32
    %c0_i32_0 = arith.constant 0 : i32
    %c0_i32_1 = arith.constant 0 : i32
    return %c0_i32, %c0_i32_0 : i32, i32
  }
  func.func @transform_3(%arg0: i32) -> (i32, i32) {
    %c0_i32 = arith.constant 0 : i32
    %c0_i32_0 = arith.constant 0 : i32
    return %arg0, %c0_i32 : i32, i32
  }
  func.func @transform_4(%arg0: i32) -> (i32, i32) {
    %c0_i32 = arith.constant 0 : i32
    %c0_i32_0 = arith.constant 0 : i32
    return %arg0, %c0_i32 : i32, i32
  }
  func.func @transform_5(%arg0: i32) -> (i32, i32) {
    %c0_i32 = arith.constant 0 : i32
    %c0_i32_0 = arith.constant 0 : i32
    return %arg0, %c0_i32 : i32, i32
  }
  func.func @transform_6(%arg0: i32) -> (i32, i32) {
    %c0_i32 = arith.constant 0 : i32
    %c0_i32_0 = arith.constant 0 : i32
    return %arg0, %c0_i32 : i32, i32
  }
}

module attributes {stable_mosaic.version = 14 : i64} {
  func.func @_combine_stats_body(%arg0: i32, %arg1: memref<1000x128xf32, #tpu.memory_space<vmem>>, %arg2: memref<1000x128xf32, #tpu.memory_space<vmem>>, %arg3: memref<1000x1xf32, #tpu.memory_space<vmem>>, %arg4: memref<1000x1xf32, #tpu.memory_space<vmem>>, %arg5: memref<1x128xf32, #tpu.memory_space<vmem>>, %arg6: memref<1000x128xf32, #tpu.memory_space<vmem>>, %arg7: memref<2x128xf32, #tpu.memory_space<vmem>>) attributes {dimension_semantics = [#tpu.dimension_semantics<arbitrary>], iteration_bounds = array<i64: 10>, scalar_prefetch = 0 : i64, scratch_operands = 0 : i64, tpu.core_type = #tpu.core_type<tc>, window_params = [{transform_indices = @transform_0, window_bounds = array<i64: 1000, 128>}, {transform_indices = @transform_1, window_bounds = array<i64: 1000, 128>}, {transform_indices = @transform_2, window_bounds = array<i64: 1000, 1>}, {transform_indices = @transform_3, window_bounds = array<i64: 1000, 1>}, {pipeline_mode = #tpu.pipeline_mode<synchronous>, transform_indices = @transform_4, window_bounds = array<i64: 1, 128>}, {transform_indices = @transform_5, window_bounds = array<i64: 1000, 128>}, {pipeline_mode = #tpu.pipeline_mode<synchronous>, transform_indices = @transform_6, window_bounds = array<i64: 2, 128>}]} {
    %get3A = arith.constant 0 : index
    %get3A_0 = arith.constant 0 : index
    %get3A_1 = vector.load %arg3[%get3A, %get3A_0] : memref<1000x1xf32, #tpu.memory_space<vmem>>, vector<1000x1xf32>
    %add3A = arith.constant 1.000000e+00 : f32
    %add3A_2 = vector.broadcast %add3A : f32 to vector<1000x1xf32>
    %add3A_3 = arith.addf %get3A_1, %add3A_2 : vector<1000x1xf32>
    %rsqrt3A = math.rsqrt %add3A_3 : vector<1000x1xf32>
    %get3A_4 = arith.constant 0 : index
    %get3A_5 = arith.constant 0 : index
    %get3A_6 = vector.load %arg4[%get3A_4, %get3A_5] : memref<1000x1xf32, #tpu.memory_space<vmem>>, vector<1000x1xf32>
    %add3A_7 = arith.constant 1.000000e+00 : f32
    %add3A_8 = vector.broadcast %add3A_7 : f32 to vector<1000x1xf32>
    %add3A_9 = arith.addf %get3A_6, %add3A_8 : vector<1000x1xf32>
    %rsqrt3A_10 = math.rsqrt %add3A_9 : vector<1000x1xf32>
    %get3A_11 = arith.constant 0 : index
    %get3A_12 = arith.constant 0 : index
    %get3A_13 = vector.load %arg1[%get3A_11, %get3A_12] : memref<1000x128xf32, #tpu.memory_space<vmem>>, vector<1000x128xf32>
    %mul3A = vector.broadcast %rsqrt3A : vector<1000x1xf32> to vector<1000x128xf32>
    %mul3A_14 = arith.mulf %get3A_13, %mul3A : vector<1000x128xf32>
    %get3A_15 = arith.constant 0 : index
    %get3A_16 = arith.constant 0 : index
    %get3A_17 = vector.load %arg2[%get3A_15, %get3A_16] : memref<1000x128xf32, #tpu.memory_space<vmem>>, vector<1000x128xf32>
    %mul3A_18 = vector.broadcast %rsqrt3A_10 : vector<1000x1xf32> to vector<1000x128xf32>
    %mul3A_19 = arith.mulf %get3A_17, %mul3A_18 : vector<1000x128xf32>
    %mul3A_20 = arith.constant 5.000000e-01 : f32
    %mul3A_21 = vector.broadcast %mul3A_20 : f32 to vector<1000x128xf32>
    %mul3A_22 = arith.mulf %mul3A_21, %mul3A_19 : vector<1000x128xf32>
    %add3A_23 = arith.addf %mul3A_14, %mul3A_22 : vector<1000x128xf32>
    %get3A_24 = arith.constant 0 : index
    %get3A_25 = arith.constant 0 : index
    %get3A_26 = vector.load %arg5[%get3A_24, %get3A_25] : memref<1x128xf32, #tpu.memory_space<vmem>>, vector<1x128xf32>
    %add3A_27 = vector.broadcast %get3A_26 : vector<1x128xf32> to vector<1000x128xf32>
    %add3A_28 = arith.addf %add3A_23, %add3A_27 : vector<1000x128xf32>
    %swap3A = arith.constant 0 : index
    %swap3A_29 = arith.constant 0 : index
    %swap3A_30 = vector.load %arg6[%swap3A, %swap3A_29] : memref<1000x128xf32, #tpu.memory_space<vmem>>, vector<1000x128xf32>
    tpu.vector_store %arg6[%swap3A, %swap3A_29], %add3A_28 {strides = array<i32>} : memref<1000x128xf32, #tpu.memory_space<vmem>>, vector<1000x128xf32>,
    %reduce_sum3A = arith.constant dense<0.000000e+00> : vector<128xf32>
    %reduce_sum3A_31 = vector.multi_reduction <add>, %add3A_28, %reduce_sum3A [0] : vector<1000x128xf32> to vector<128xf32>
    %broadcast_in_dim3A = vector.shape_cast %reduce_sum3A_31 : vector<128xf32> to vector<1x128xf32>
    %mul3A_32 = arith.mulf %add3A_28, %add3A_28 : vector<1000x128xf32>
    %reduce_sum3A_33 = arith.constant dense<0.000000e+00> : vector<128xf32>
    %reduce_sum3A_34 = vector.multi_reduction <add>, %mul3A_32, %reduce_sum3A_33 [0] : vector<1000x128xf32> to vector<128xf32>
    %broadcast_in_dim3A_35 = vector.shape_cast %reduce_sum3A_34 : vector<128xf32> to vector<1x128xf32>
    %concatenate3A = tpu.concatenate %broadcast_in_dim3A, %broadcast_in_dim3A_35 in 0 : vector<1x128xf32>, vector<1x128xf32> -> vector<2x128xf32>
    %eq3A = arith.constant 0 : i32
    %eq3A_36 = arith.cmpi eq, %arg0, %eq3A : i32
    %convert_element_type3A = arith.extui %eq3A_36 : i1 to i32
    %cond3A = arith.constant 0 : i32
    %cond3A_37 = arith.cmpi ne, %convert_element_type3A, %cond3A : i32
    scf.if %cond3A_37 {
      %swap3A_42 = arith.constant 0 : index
      %swap3A_43 = arith.constant 0 : index
      %swap3A_44 = vector.load %arg7[%swap3A_42, %swap3A_43] : memref<2x128xf32, #tpu.memory_space<vmem>>, vector<2x128xf32>
      tpu.vector_store %arg7[%swap3A_42, %swap3A_43], %concatenate3A {strides = array<i32>} : memref<2x128xf32, #tpu.memory_space<vmem>>, vector<2x128xf32>,
    } else {
    }
    %gt3A = arith.constant 0 : i32
    %gt3A_38 = arith.cmpi sgt, %arg0, %gt3A : i32
    %convert_element_type3A_39 = arith.extui %gt3A_38 : i1 to i32
    %cond3A_40 = arith.constant 0 : i32
    %cond3A_41 = arith.cmpi ne, %convert_element_type3A_39, %cond3A_40 : i32
    scf.if %cond3A_41 {
      %get3A_42 = arith.constant 0 : index
      %get3A_43 = arith.constant 0 : index
      %get3A_44 = vector.load %arg7[%get3A_42, %get3A_43] : memref<2x128xf32, #tpu.memory_space<vmem>>, vector<2x128xf32>
      %add3A_45 = arith.addf %get3A_44, %concatenate3A : vector<2x128xf32>
      %swap3A_46 = arith.constant 0 : index
      %swap3A_47 = arith.constant 0 : index
      %swap3A_48 = vector.load %arg7[%swap3A_46, %swap3A_47] : memref<2x128xf32, #tpu.memory_space<vmem>>, vector<2x128xf32>
      tpu.vector_store %arg7[%swap3A_46, %swap3A_47], %add3A_45 {strides = array<i32>} : memref<2x128xf32, #tpu.memory_space<vmem>>, vector<2x128xf32>,
    } else {
    }
    return
  }
  func.func @transform_0(%arg0: i32) -> (i32, i32) {
    %c0_i32 = arith.constant 0 : i32
    %c0_i32_0 = arith.constant 0 : i32
    return %arg0, %c0_i32 : i32, i32
  }
  func.func @transform_1(%arg0: i32) -> (i32, i32) {
    %c0_i32 = arith.constant 0 : i32
    %c0_i32_0 = arith.constant 0 : i32
    return %arg0, %c0_i32 : i32, i32
  }
  func.func @transform_2(%arg0: i32) -> (i32, i32) {
    %c0_i32 = arith.constant 0 : i32
    %c0_i32_0 = arith.constant 0 : i32
    return %arg0, %c0_i32 : i32, i32
  }
  func.func @transform_3(%arg0: i32) -> (i32, i32) {
    %c0_i32 = arith.constant 0 : i32
    %c0_i32_0 = arith.constant 0 : i32
    return %arg0, %c0_i32 : i32, i32
  }
  func.func @transform_4(%arg0: i32) -> (i32, i32) {
    %c0_i32 = arith.constant 0 : i32
    %c0_i32_0 = arith.constant 0 : i32
    %c0_i32_1 = arith.constant 0 : i32
    return %c0_i32, %c0_i32_0 : i32, i32
  }
  func.func @transform_5(%arg0: i32) -> (i32, i32) {
    %c0_i32 = arith.constant 0 : i32
    %c0_i32_0 = arith.constant 0 : i32
    return %arg0, %c0_i32 : i32, i32
  }
  func.func @transform_6(%arg0: i32) -> (i32, i32) {
    %c0_i32 = arith.constant 0 : i32
    %c0_i32_0 = arith.constant 0 : i32
    %c0_i32_1 = arith.constant 0 : i32
    return %c0_i32, %c0_i32_0 : i32, i32
  }
}

module attributes {stable_mosaic.version = 14 : i64} {
  func.func @_bn_mm_body(%arg0: i32, %arg1: memref<1000x128xf32, #tpu.memory_space<vmem>>, %arg2: memref<2x128xf32, #tpu.memory_space<vmem>>, %arg3: memref<1x128xf32, #tpu.memory_space<vmem>>, %arg4: memref<1x128xf32, #tpu.memory_space<vmem>>, %arg5: memref<128x128xf32, #tpu.memory_space<vmem>>, %arg6: memref<128x128xf32, #tpu.memory_space<vmem>>, %arg7: memref<1000x1xf32, #tpu.memory_space<vmem>>, %arg8: memref<1000x1xf32, #tpu.memory_space<vmem>>, %arg9: memref<1000x128xf32, #tpu.memory_space<vmem>>, %arg10: memref<1000x128xf32, #tpu.memory_space<vmem>>) attributes {dimension_semantics = [#tpu.dimension_semantics<arbitrary>], iteration_bounds = array<i64: 10>, scalar_prefetch = 0 : i64, scratch_operands = 0 : i64, tpu.core_type = #tpu.core_type<tc>, window_params = [{transform_indices = @transform_0, window_bounds = array<i64: 1000, 128>}, {pipeline_mode = #tpu.pipeline_mode<synchronous>, transform_indices = @transform_1, window_bounds = array<i64: 2, 128>}, {pipeline_mode = #tpu.pipeline_mode<synchronous>, transform_indices = @transform_2, window_bounds = array<i64: 1, 128>}, {pipeline_mode = #tpu.pipeline_mode<synchronous>, transform_indices = @transform_3, window_bounds = array<i64: 1, 128>}, {pipeline_mode = #tpu.pipeline_mode<synchronous>, transform_indices = @transform_4, window_bounds = array<i64: 128, 128>}, {pipeline_mode = #tpu.pipeline_mode<synchronous>, transform_indices = @transform_5, window_bounds = array<i64: 128, 128>}, {transform_indices = @transform_6, window_bounds = array<i64: 1000, 1>}, {transform_indices = @transform_7, window_bounds = array<i64: 1000, 1>}, {transform_indices = @transform_8, window_bounds = array<i64: 1000, 128>}, {transform_indices = @transform_9, window_bounds = array<i64: 1000, 128>}]} {
    %get3A = arith.constant 0 : index
    %get3A_0 = arith.constant 0 : index
    %get3A_1 = vector.load %arg2[%get3A, %get3A_0] : memref<2x128xf32, #tpu.memory_space<vmem>>, vector<1x128xf32>
    %mul3A = arith.constant 9.99999974E-5 : f32
    %mul3A_2 = vector.broadcast %mul3A : f32 to vector<1x128xf32>
    %mul3A_3 = arith.mulf %get3A_1, %mul3A_2 : vector<1x128xf32>
    %get3A_4 = arith.constant 1 : index
    %get3A_5 = arith.constant 0 : index
    %get3A_6 = vector.load %arg2[%get3A_4, %get3A_5] : memref<2x128xf32, #tpu.memory_space<vmem>>, vector<1x128xf32>
    %mul3A_7 = arith.constant 9.99999974E-5 : f32
    %mul3A_8 = vector.broadcast %mul3A_7 : f32 to vector<1x128xf32>
    %mul3A_9 = arith.mulf %get3A_6, %mul3A_8 : vector<1x128xf32>
    %mul3A_10 = arith.mulf %mul3A_3, %mul3A_3 : vector<1x128xf32>
    %sub3A = arith.subf %mul3A_9, %mul3A_10 : vector<1x128xf32>
    %add3A = arith.constant 9.99999974E-6 : f32
    %add3A_11 = vector.broadcast %add3A : f32 to vector<1x128xf32>
    %add3A_12 = arith.addf %sub3A, %add3A_11 : vector<1x128xf32>
    %rsqrt3A = math.rsqrt %add3A_12 : vector<1x128xf32>
    %get3A_13 = arith.constant 0 : index
    %get3A_14 = arith.constant 0 : index
    %get3A_15 = vector.load %arg1[%get3A_13, %get3A_14] : memref<1000x128xf32, #tpu.memory_space<vmem>>, vector<1000x128xf32>
    %sub3A_16 = vector.broadcast %mul3A_3 : vector<1x128xf32> to vector<1000x128xf32>
    %sub3A_17 = arith.subf %get3A_15, %sub3A_16 : vector<1000x128xf32>
    %mul3A_18 = vector.broadcast %rsqrt3A : vector<1x128xf32> to vector<1000x128xf32>
    %mul3A_19 = arith.mulf %sub3A_17, %mul3A_18 : vector<1000x128xf32>
    %get3A_20 = arith.constant 0 : index
    %get3A_21 = arith.constant 0 : index
    %get3A_22 = vector.load %arg3[%get3A_20, %get3A_21] : memref<1x128xf32, #tpu.memory_space<vmem>>, vector<1x128xf32>
    %mul3A_23 = vector.broadcast %get3A_22 : vector<1x128xf32> to vector<1000x128xf32>
    %mul3A_24 = arith.mulf %mul3A_19, %mul3A_23 : vector<1000x128xf32>
    %get3A_25 = arith.constant 0 : index
    %get3A_26 = arith.constant 0 : index
    %get3A_27 = vector.load %arg4[%get3A_25, %get3A_26] : memref<1x128xf32, #tpu.memory_space<vmem>>, vector<1x128xf32>
    %add3A_28 = vector.broadcast %get3A_27 : vector<1x128xf32> to vector<1000x128xf32>
    %add3A_29 = arith.addf %mul3A_24, %add3A_28 : vector<1000x128xf32>
    %max3A = arith.constant 0.000000e+00 : f32
    %max3A_30 = vector.broadcast %max3A : f32 to vector<1000x128xf32>
    %max3A_31 = arith.maximumf %add3A_29, %max3A_30 : vector<1000x128xf32>
    %get3A_32 = arith.constant 0 : index
    %get3A_33 = arith.constant 0 : index
    %get3A_34 = vector.load %arg7[%get3A_32, %get3A_33] : memref<1000x1xf32, #tpu.memory_space<vmem>>, vector<1000x1xf32>
    %add3A_35 = arith.constant 1.000000e+00 : f32
    %add3A_36 = vector.broadcast %add3A_35 : f32 to vector<1000x1xf32>
    %add3A_37 = arith.addf %get3A_34, %add3A_36 : vector<1000x1xf32>
    %rsqrt3A_38 = math.rsqrt %add3A_37 : vector<1000x1xf32>
    %get3A_39 = arith.constant 0 : index
    %get3A_40 = arith.constant 0 : index
    %get3A_41 = vector.load %arg8[%get3A_39, %get3A_40] : memref<1000x1xf32, #tpu.memory_space<vmem>>, vector<1000x1xf32>
    %add3A_42 = arith.constant 1.000000e+00 : f32
    %add3A_43 = vector.broadcast %add3A_42 : f32 to vector<1000x1xf32>
    %add3A_44 = arith.addf %get3A_41, %add3A_43 : vector<1000x1xf32>
    %rsqrt3A_45 = math.rsqrt %add3A_44 : vector<1000x1xf32>
    %get3A_46 = arith.constant 0 : index
    %get3A_47 = arith.constant 0 : index
    %get3A_48 = vector.load %arg5[%get3A_46, %get3A_47] : memref<128x128xf32, #tpu.memory_space<vmem>>, vector<128x128xf32>
    %dot_general3A = arith.constant dense<0.000000e+00> : vector<1000x128xf32>
    %dot_general3A_49 = tpu.matmul %max3A_31, %get3A_48, %dot_general3A {dimension_numbers = #tpu.dot_dimension_numbers<[1], [0], [0], [1], [0, 0, 1, 1], [], []>, transpose_lhs_hint = false} : vector<1000x128xf32>, vector<128x128xf32>, vector<1000x128xf32> -> vector<1000x128xf32>
    %mul3A_50 = vector.broadcast %rsqrt3A_38 : vector<1000x1xf32> to vector<1000x128xf32>
    %mul3A_51 = arith.mulf %dot_general3A_49, %mul3A_50 : vector<1000x128xf32>
    %swap3A = arith.constant 0 : index
    %swap3A_52 = arith.constant 0 : index
    %swap3A_53 = vector.load %arg9[%swap3A, %swap3A_52] : memref<1000x128xf32, #tpu.memory_space<vmem>>, vector<1000x128xf32>
    tpu.vector_store %arg9[%swap3A, %swap3A_52], %mul3A_51 {strides = array<i32>} : memref<1000x128xf32, #tpu.memory_space<vmem>>, vector<1000x128xf32>,
    %get3A_54 = arith.constant 0 : index
    %get3A_55 = arith.constant 0 : index
    %get3A_56 = vector.load %arg6[%get3A_54, %get3A_55] : memref<128x128xf32, #tpu.memory_space<vmem>>, vector<128x128xf32>
    %dot_general3A_57 = arith.constant dense<0.000000e+00> : vector<1000x128xf32>
    %dot_general3A_58 = tpu.matmul %max3A_31, %get3A_56, %dot_general3A_57 {dimension_numbers = #tpu.dot_dimension_numbers<[1], [0], [0], [1], [0, 0, 1, 1], [], []>, transpose_lhs_hint = false} : vector<1000x128xf32>, vector<128x128xf32>, vector<1000x128xf32> -> vector<1000x128xf32>
    %mul3A_59 = vector.broadcast %rsqrt3A_45 : vector<1000x1xf32> to vector<1000x128xf32>
    %mul3A_60 = arith.mulf %dot_general3A_58, %mul3A_59 : vector<1000x128xf32>
    %swap3A_61 = arith.constant 0 : index
    %swap3A_62 = arith.constant 0 : index
    %swap3A_63 = vector.load %arg10[%swap3A_61, %swap3A_62] : memref<1000x128xf32, #tpu.memory_space<vmem>>, vector<1000x128xf32>
    tpu.vector_store %arg10[%swap3A_61, %swap3A_62], %mul3A_60 {strides = array<i32>} : memref<1000x128xf32, #tpu.memory_space<vmem>>, vector<1000x128xf32>,
    return
  }
  func.func @transform_0(%arg0: i32) -> (i32, i32) {
    %c0_i32 = arith.constant 0 : i32
    %c0_i32_0 = arith.constant 0 : i32
    return %arg0, %c0_i32 : i32, i32
  }
  func.func @transform_1(%arg0: i32) -> (i32, i32) {
    %c0_i32 = arith.constant 0 : i32
    %c0_i32_0 = arith.constant 0 : i32
    %c0_i32_1 = arith.constant 0 : i32
    return %c0_i32, %c0_i32_0 : i32, i32
  }
  func.func @transform_2(%arg0: i32) -> (i32, i32) {
    %c0_i32 = arith.constant 0 : i32
    %c0_i32_0 = arith.constant 0 : i32
    %c0_i32_1 = arith.constant 0 : i32
    return %c0_i32, %c0_i32_0 : i32, i32
  }
  func.func @transform_3(%arg0: i32) -> (i32, i32) {
    %c0_i32 = arith.constant 0 : i32
    %c0_i32_0 = arith.constant 0 : i32
    %c0_i32_1 = arith.constant 0 : i32
    return %c0_i32, %c0_i32_0 : i32, i32
  }
  func.func @transform_4(%arg0: i32) -> (i32, i32) {
    %c0_i32 = arith.constant 0 : i32
    %c0_i32_0 = arith.constant 0 : i32
    %c0_i32_1 = arith.constant 0 : i32
    return %c0_i32, %c0_i32_0 : i32, i32
  }
  func.func @transform_5(%arg0: i32) -> (i32, i32) {
    %c0_i32 = arith.constant 0 : i32
    %c0_i32_0 = arith.constant 0 : i32
    %c0_i32_1 = arith.constant 0 : i32
    return %c0_i32, %c0_i32_0 : i32, i32
  }
  func.func @transform_6(%arg0: i32) -> (i32, i32) {
    %c0_i32 = arith.constant 0 : i32
    %c0_i32_0 = arith.constant 0 : i32
    return %arg0, %c0_i32 : i32, i32
  }
  func.func @transform_7(%arg0: i32) -> (i32, i32) {
    %c0_i32 = arith.constant 0 : i32
    %c0_i32_0 = arith.constant 0 : i32
    return %arg0, %c0_i32 : i32, i32
  }
  func.func @transform_8(%arg0: i32) -> (i32, i32) {
    %c0_i32 = arith.constant 0 : i32
    %c0_i32_0 = arith.constant 0 : i32
    return %arg0, %c0_i32 : i32, i32
  }
  func.func @transform_9(%arg0: i32) -> (i32, i32) {
    %c0_i32 = arith.constant 0 : i32
    %c0_i32_0 = arith.constant 0 : i32
    return %arg0, %c0_i32 : i32, i32
  }
}

module attributes {stable_mosaic.version = 14 : i64} {
  func.func @_final_body(%arg0: i32, %arg1: memref<1000x128xf32, #tpu.memory_space<vmem>>, %arg2: memref<1000x128xf32, #tpu.memory_space<vmem>>, %arg3: memref<1000x1xf32, #tpu.memory_space<vmem>>, %arg4: memref<1000x1xf32, #tpu.memory_space<vmem>>, %arg5: memref<1x128xf32, #tpu.memory_space<vmem>>, %arg6: memref<1000x128xf32, #tpu.memory_space<vmem>>) attributes {dimension_semantics = [#tpu.dimension_semantics<arbitrary>], iteration_bounds = array<i64: 10>, scalar_prefetch = 0 : i64, scratch_operands = 0 : i64, tpu.core_type = #tpu.core_type<tc>, window_params = [{transform_indices = @transform_0, window_bounds = array<i64: 1000, 128>}, {transform_indices = @transform_1, window_bounds = array<i64: 1000, 128>}, {transform_indices = @transform_2, window_bounds = array<i64: 1000, 1>}, {transform_indices = @transform_3, window_bounds = array<i64: 1000, 1>}, {pipeline_mode = #tpu.pipeline_mode<synchronous>, transform_indices = @transform_4, window_bounds = array<i64: 1, 128>}, {transform_indices = @transform_5, window_bounds = array<i64: 1000, 128>}]} {
    %get3A = arith.constant 0 : index
    %get3A_0 = arith.constant 0 : index
    %get3A_1 = vector.load %arg3[%get3A, %get3A_0] : memref<1000x1xf32, #tpu.memory_space<vmem>>, vector<1000x1xf32>
    %add3A = arith.constant 1.000000e+00 : f32
    %add3A_2 = vector.broadcast %add3A : f32 to vector<1000x1xf32>
    %add3A_3 = arith.addf %get3A_1, %add3A_2 : vector<1000x1xf32>
    %rsqrt3A = math.rsqrt %add3A_3 : vector<1000x1xf32>
    %get3A_4 = arith.constant 0 : index
    %get3A_5 = arith.constant 0 : index
    %get3A_6 = vector.load %arg4[%get3A_4, %get3A_5] : memref<1000x1xf32, #tpu.memory_space<vmem>>, vector<1000x1xf32>
    %add3A_7 = arith.constant 1.000000e+00 : f32
    %add3A_8 = vector.broadcast %add3A_7 : f32 to vector<1000x1xf32>
    %add3A_9 = arith.addf %get3A_6, %add3A_8 : vector<1000x1xf32>
    %rsqrt3A_10 = math.rsqrt %add3A_9 : vector<1000x1xf32>
    %get3A_11 = arith.constant 0 : index
    %get3A_12 = arith.constant 0 : index
    %get3A_13 = vector.load %arg1[%get3A_11, %get3A_12] : memref<1000x128xf32, #tpu.memory_space<vmem>>, vector<1000x128xf32>
    %mul3A = vector.broadcast %rsqrt3A : vector<1000x1xf32> to vector<1000x128xf32>
    %mul3A_14 = arith.mulf %get3A_13, %mul3A : vector<1000x128xf32>
    %get3A_15 = arith.constant 0 : index
    %get3A_16 = arith.constant 0 : index
    %get3A_17 = vector.load %arg2[%get3A_15, %get3A_16] : memref<1000x128xf32, #tpu.memory_space<vmem>>, vector<1000x128xf32>
    %mul3A_18 = vector.broadcast %rsqrt3A_10 : vector<1000x1xf32> to vector<1000x128xf32>
    %mul3A_19 = arith.mulf %get3A_17, %mul3A_18 : vector<1000x128xf32>
    %mul3A_20 = arith.constant 5.000000e-01 : f32
    %mul3A_21 = vector.broadcast %mul3A_20 : f32 to vector<1000x128xf32>
    %mul3A_22 = arith.mulf %mul3A_21, %mul3A_19 : vector<1000x128xf32>
    %add3A_23 = arith.addf %mul3A_14, %mul3A_22 : vector<1000x128xf32>
    %get3A_24 = arith.constant 0 : index
    %get3A_25 = arith.constant 0 : index
    %get3A_26 = vector.load %arg5[%get3A_24, %get3A_25] : memref<1x128xf32, #tpu.memory_space<vmem>>, vector<1x128xf32>
    %add3A_27 = vector.broadcast %get3A_26 : vector<1x128xf32> to vector<1000x128xf32>
    %add3A_28 = arith.addf %add3A_23, %add3A_27 : vector<1000x128xf32>
    %swap3A = arith.constant 0 : index
    %swap3A_29 = arith.constant 0 : index
    %swap3A_30 = vector.load %arg6[%swap3A, %swap3A_29] : memref<1000x128xf32, #tpu.memory_space<vmem>>, vector<1000x128xf32>
    tpu.vector_store %arg6[%swap3A, %swap3A_29], %add3A_28 {strides = array<i32>} : memref<1000x128xf32, #tpu.memory_space<vmem>>, vector<1000x128xf32>,
    return
  }
  func.func @transform_0(%arg0: i32) -> (i32, i32) {
    %c0_i32 = arith.constant 0 : i32
    %c0_i32_0 = arith.constant 0 : i32
    return %arg0, %c0_i32 : i32, i32
  }
  func.func @transform_1(%arg0: i32) -> (i32, i32) {
    %c0_i32 = arith.constant 0 : i32
    %c0_i32_0 = arith.constant 0 : i32
    return %arg0, %c0_i32 : i32, i32
  }
  func.func @transform_2(%arg0: i32) -> (i32, i32) {
    %c0_i32 = arith.constant 0 : i32
    %c0_i32_0 = arith.constant 0 : i32
    return %arg0, %c0_i32 : i32, i32
  }
  func.func @transform_3(%arg0: i32) -> (i32, i32) {
    %c0_i32 = arith.constant 0 : i32
    %c0_i32_0 = arith.constant 0 : i32
    return %arg0, %c0_i32 : i32, i32
  }
  func.func @transform_4(%arg0: i32) -> (i32, i32) {
    %c0_i32 = arith.constant 0 : i32
    %c0_i32_0 = arith.constant 0 : i32
    %c0_i32_1 = arith.constant 0 : i32
    return %c0_i32, %c0_i32_0 : i32, i32
  }
  func.func @transform_5(%arg0: i32) -> (i32, i32) {
    %c0_i32 = arith.constant 0 : i32
    %c0_i32_0 = arith.constant 0 : i32
    return %arg0, %c0_i32 : i32, i32
  }
}

</mosaic_0001>

<sc_bundles>
// kernel: kernel.12.cloned.1.call-start
scs
__scs_entry_jumppad:
0x0: {  	(pc) =	sbr.rel $0x88, $3  }
0x1: {  	(tag) =	ssettag $0x0;
	lr =	simm.s32 $0x1  }
0x2: {  	[smem:$0x3F94] =	sst lr;
	_ =	strace $0xD0000000  }
0x3: {  	_ = 	snop  }
0x4: {  	_ = 	snop  }
0x5: {  	_ = 	snop  }
0x6: {  	_ = 	snop  }
0x7: {  	_ = 	snop  }
__scs_overlays_trampoline_lowered:
0x8: {  	[smem:$0x3FA3] =	sst s0  }
0x9: {  	[smem:$0x3FA4] =	sst s1  }
0xa: {  	[smem:$0x3FA5] =	sst s2  }
0xb: {  	[smem:$0x3FA6] =	sst s3  }
0xc: {  	[smem:$0x3FA7] =	sst s4  }
0xd: {  	[smem:$0x3FA8] =	sst s5  }
0xe: {  	[smem:$0x3FA9] =	sst s6  }
0xf: {  	[smem:$0x3FAA] =	sst s7  }
0x10: {  	[smem:$0x3FAB] =	sst s8  }
0x11: {  	[smem:$0x3FAC] =	sst s9;
	s0 =	simm.s32 @!p0 $0x0  }
0x12: {  	s1 =	sld [smem:$0x3F92];
	s0 =	simm.s32 @p0 $0x1  }
0x13: {  	[smem:$0x3FAD] =	sst s0;
	s0 =	simm.s32 @!p1 $0x0  }
0x14: {  	s2 =	sld [smem:$0x3F91];
	s0 =	simm.s32 @p1 $0x1  }
0x15: {  	[smem:$0x3FAE] =	sst s0;
	s0 =	simm.s32 @!p2 $0x0  }
0x16: {  	s3 =	sld [smem:$0x3FDB];
	s0 =	simm.s32 @p2 $0x1  }
0x17: {  	s4 =	simm.s32 $0x1BF5;
	[smem:$0x3FB0] =	sst s0  }
0x18: {  	s0 =	sld [smem:$0x3F93];
	_ =	swait.ge [sflag:s4], $0x0  }
0x19: {  	s7 =	sld [smem:$0x3F94]  }
0x1a: {  	s8 =	sadd.s32 $0xFFFFE003, lr  }
0x1b: {  	s9 =	sadd.s32 $0xFFFFFEF7, lr;
	s5 =	simm.s32 $0xFFFFFFFF;
	p2 =	slt.u32 s8, $0xFFFFF086  }
0x1c: {  	p1 =	slt.u32 s9, $0xF7A;
	s5 =	simm.s32 @!p2 $0x0  }
0x1d: {  	s5 =	simm.s32 @p1 $0x1;
	p0 =	seq.s32 s7, s2  }
0x1e: {  	s7 =	smul.u32 @!p0 $0xF7A, s2;
	p2 =	seq.s32 @!p0 s5, $0x0  }
0x1f: {  	s9 =	smul.u32 $0xF7A, s1;
	s8 =	simm.s32 @!p0 $0x1BF5;
	p2 =	por !p2, p0  }
0x20: {  	[sflag:s8] =	ssyncset.s32 @!p0 $0xFFFFF086;
	s6 =	sadd.s32 @!p0 s3, s7;
	s7 =	simm.s32 @!p0 $0x108  }
0x21: {  	s3 =	sadd.s32 s3, s9;
	s6 =	sadd.s32 @!p0 $0x88, s6;
	s7 =	simm.s32 @p2 $0x1082  }
0x22: {  	[simem:s7], [sflag:s8] =	dma.local @!p0 [hbm:s6], $0xF7A  }
0x23: {  	s9 =	sor.u32 $0xD0000000, s2;
	s6 =	simm.s32 $0x108;
	_ =	swait.ge @!p0 [sflag:s8], $0x0  }
0x24: {  	s3 =	sadd.s32 $0x88, s3;
	s6 =	simm.s32 @!p1 $0x1082;
	[sflag:s4] =	ssyncset.s32 $0xFFFFF086  }
0x25: {  	[simem:s6], [sflag:s4] =	dma.local [hbm:s3], $0xF7A  }
0x26: {  	[smem:$0x3F94] =	sst s1;
	(tag) =	ssettag s2;
	_ =	strace s9  }
0x27: {  	s1 =	sld [smem:$0x3FA4]  }
0x28: {  	s2 =	sld [smem:$0x3FA5]  }
0x29: {  	s4 =	sld [smem:$0x3FA7]  }
0x2a: {  	p0 =	seq.s32 s5, $0x0;
	s5 =	sld [smem:$0x3FA8]  }
0x2b: {  	s6 =	sld [smem:$0x3FA9]  }
0x2c: {  	s7 =	sld [smem:$0x3FAA]  }
0x2d: {  	s3 =	simm.s32 $0x108;
	s8 =	sld [smem:$0x3FAB]  }
0x2e: {  	s3 =	simm.s32 @!p0 $0x1082;
	s9 =	sld [smem:$0x3FAC]  }
0x2f: {  	lr =	sadd.s32 s0, s3;
	s0 =	sld [smem:$0x3FA3]  }
0x30: {  	s3 =	sld [smem:$0x3FA6]  }
0x31: {  	[smem:$0x3FAF] =	sst s10  }
0x32: {  	s10 =	sld [smem:$0x3FAD];
	_ =	sdelay $0x3  }
0x33: {  	p0 =	seq.s32 s10, $0x1;
	s10 =	sld [smem:$0x3FAF];
	_ =	sdelay $0x3  }
0x34: {  	[smem:$0x3FAF] =	sst s10  }
0x35: {  	s10 =	sld [smem:$0x3FAE];
	_ =	sdelay $0x3  }
0x36: {  	p1 =	seq.s32 s10, $0x1;
	s10 =	sld [smem:$0x3FAF];
	_ =	sdelay $0x3  }
0x37: {  	[smem:$0x3FAF] =	sst s10  }
0x38: {  	s10 =	sld [smem:$0x3FB0]  }
0x39: {  	_ = 	snop;
	(pc) =	sbr.ind lr, $3  }
0x3a: {  	_ = 	snop  }
0x3b: {  	_ = 	snop  }
0x3c: {  	p2 =	seq.s32 s10, $0x1;
	s10 =	sld [smem:$0x3FAF]  }
0x3d: {  	_ =	shalt  }
0x3e: {  	_ =	shalt  }
0x3f: {  	_ =	shalt  }
0x40: {  	_ =	shalt  }
0x41: {  	_ =	shalt  }
0x42: {  	_ =	shalt  }
0x43: {  	_ =	shalt  }
0x44: {  	_ =	shalt  }
0x45: {  	_ =	shalt  }
0x46: {  	_ =	shalt  }
0x47: {  	_ =	shalt  }
0x48: {  	_ =	shalt  }
0x49: {  	_ =	shalt  }
0x4a: {  	_ =	shalt  }
0x4b: {  	_ =	shalt  }
0x4c: {  	_ =	shalt  }
0x4d: {  	_ =	shalt  }
0x4e: {  	_ =	shalt  }
0x4f: {  	_ =	shalt  }
0x50: {  	_ =	shalt  }
0x51: {  	_ =	shalt  }
0x52: {  	_ =	shalt  }
0x53: {  	_ =	shalt  }
0x54: {  	_ =	shalt  }
0x55: {  	_ =	shalt  }
0x56: {  	_ =	shalt  }
0x57: {  	_ =	shalt  }
0x58: {  	_ =	shalt  }
0x59: {  	_ =	shalt  }
0x5a: {  	_ =	shalt  }
0x5b: {  	_ =	shalt  }
0x5c: {  	_ =	shalt  }
0x5d: {  	_ =	shalt  }
0x5e: {  	_ =	shalt  }
0x5f: {  	_ =	shalt  }
0x60: {  	_ =	shalt  }
0x61: {  	_ =	shalt  }
0x62: {  	_ =	shalt  }
0x63: {  	_ =	shalt  }
0x64: {  	_ =	shalt  }
0x65: {  	_ =	shalt  }
0x66: {  	_ =	shalt  }
0x67: {  	_ =	shalt  }
0x68: {  	_ =	shalt  }
0x69: {  	_ =	shalt  }
0x6a: {  	_ =	shalt  }
0x6b: {  	_ =	shalt  }
0x6c: {  	_ =	shalt  }
0x6d: {  	_ =	shalt  }
0x6e: {  	_ =	shalt  }
0x6f: {  	_ =	shalt  }
0x70: {  	_ =	shalt  }
0x71: {  	_ =	shalt  }
0x72: {  	_ =	shalt  }
0x73: {  	_ =	shalt  }
0x74: {  	_ =	shalt  }
0x75: {  	_ =	shalt  }
0x76: {  	_ =	shalt  }
0x77: {  	_ =	shalt  }
0x78: {  	_ =	shalt  }
0x79: {  	_ =	shalt  }
0x7a: {  	_ =	shalt  }
0x7b: {  	_ =	shalt  }
0x7c: {  	_ =	shalt  }
0x7d: {  	_ =	shalt  }
0x7e: {  	_ =	shalt  }
0x7f: {  	_ =	shalt  }
0x80: {  	_ =	shalt  }
0x81: {  	_ =	shalt  }
0x82: {  	_ =	shalt  }
0x83: {  	_ =	shalt  }
0x84: {  	_ =	shalt  }
0x85: {  	_ =	shalt  }
0x86: {  	_ =	shalt  }
0x87: {  	_ =	shalt  }
.Lfunc_end0:
.L_simem_size_0:
called_computation.1_lowered:
.L_overlay_start_0:
0x88: {  	s2 =	sld [smem:$0x3FD9]  }
0x89: {  	s3 =	sld [smem:$0x3FFE];
	_ =	sdelay $0x1  }
0x8a: {  	s1 =	srdreg.scid  }
0x8b: {  	s0 =	sand.u32 $0x1, s1  }
0x8c: {  	s16 =	sshll.u32 s0, $0xA;
	s2 =	sadd.s32 s3, s2  }
0x8d: {  	s2 =	sadd.s32 s2, s16  }
0x8e: {  	[smem:$0x3FBB] =	sst s2  }
0x8f: {  	_ = 	snop  }
0x90: {  	(tm) =	ssettm $0x1  }
0x91: {  	s17 =	sld [smem:$0x3FFB];
	_ =	sdelay $0x3  }
0x92: {  	_ =	strace s17  }
0x93: {  	s2 =	sld [smem:$0x3FFC];
	_ =	sdelay $0x3  }
0x94: {  	_ =	strace s2  }
0x95: {  	s2 =	sld [smem:$0x3FFD];
	_ =	sdelay $0x3  }
0x96: {  	_ =	strace s2  }
0x97: {  	_ =	strace $0x8FFFFFFF  }
0x98: {  	s18 =	sld [smem:$0x3FDB];
	_ =	sdelay $0x1  }
0x99: {  	s19 =	simm.s32 $_scs_section_size  }
0x9a: {  	s4 =	simm.s32 $_size__tile_overlayer_lowered;
	s5 =	simm.s32 $_tile_overlayer_lowered  }
0x9b: {  	s22 =	simm.s32 $0x1BFF;
	s21 =	sshll.u32 s5, $0x1;
	s2 =	sadd.s32 s19, s18  }
0x9c: {  	s6 =	simm.s32 $0x0;
	s20 =	sshll.u32 s4, $0x1;
	s4 =	sadd.s32 s21, s2  }
0x9d: {  	[timem:s6], [sflag:s22] =	dma.local [hbm:s4], s20  }
0x9e: {  	_ =	swait.ge [sflag:s22], s20  }
0x9f: {  	s3 =	ssub.s32 $0x0, s20;
	[sflag:s22] =	ssyncset.done $0x0  }
0xa0: {  	[sflag:s22] =	ssyncadd.s32 s3;
	_ =	sdelay $0x1  }
0xa1: {  	s23 =	simm.s32 $0x1B8B  }
0xa2: {  	_ =	swait.ge [sflag:s23], $0x1  }
0xa3: {  	[sflag:s23] =	ssyncset.done $0x0  }
0xa4: {  	s25 =	simm.s32 $0x1B8E;
	s24 =	sld [smem:$0x3FFE];
	[sflag:s23] =	ssyncadd.s32 $0xFFFFFFFF  }
0xa5: {  	s26 =	simm.s32 $execute0_lowered;
	[smem:$0x3FD2] =	sst s25  }
0xa6: {  	s4 =	sshll.u32 s26, $0x1;
	_ =	strace $0x80000049;
	[dreg:$0x1] =	wrdreg $0xFFFFFFFF  }
0xa7: {  	s28 =	simm.s32 $_size_execute0_lowered;
	s2 =	sadd.s32 s2, s4;
	[dreg:$0x0] =	wrdreg $0x0  }
0xa8: {  	s4 =	sshll.u32 s28, $0x1;
	[dreg:$0x2] =	wrdreg s2  }
0xa9: {  	[dreg:$0x3] =	wrdreg s4  }
0xaa: {  	[dreg:$0x4] =	wrdreg $0xC0  }
0xab: {  	_ =	task [dreg:s6], $0x5FFFF  }
0xac: {  	[dreg:$0x1] =	wrdreg $0xFFFFFFFF  }
0xad: {  	[dreg:$0x0] =	wrdreg $0x60  }
0xae: {  	[dreg:$0x2] =	wrdreg s24  }
0xaf: {  	[dreg:$0x3] =	wrdreg $0x0  }
0xb0: {  	[dreg:$0x4] =	wrdreg $0x9  }
0xb1: {  	_ =	task.clear_ibuf [dreg:s6], $0x5FFFF;
	_ =	strace $0x90000049  }
0xb2: {  	s29 =	simm.s32 $0x9;
	_ =	strace $0x8000004B  }
0xb3: {  	_ =	swait.ge [sflag:s29], $0x1  }
0xb4: {  	[sflag:s29] =	ssyncadd.s32 $0xFFFFFFFF  }
0xb5: {  	_ =	strace $0x9000004B  }
0xb6: {  	_ =	sfence  }
0xb7: {  	s30 =	sld [smem:$0x0];
	_ =	sdelay $0x2  }
0xb8: {  	s31 =	sshll.u32 s1, $0xD;
	s1 =	sshrl.u32 s1, $0x2  }
0xb9: {  	s3 =	sand.u32 $0x4000, s31;
	s1 =	sadd.s32 s1, s30  }
0xba: {  	s0 =	sor.u32 s3, s0;
	s1 =	sshll.u32 s1, $0x11  }
0xbb: {  	s0 =	sor.u32 s1, s0  }
0xbc: {  	s0 =	sadd.s32 $0x8F2B, s0  }
0xbd: {  	[sflag:s0] =	ssyncadd.remote.s32 $0x1  }
0xbe: {  	_ =	sfence.sel $0xFFFF  }
0xbf: {  	[dreg:$0x0] =	wrdreg $0xFFFFFFFF;
	(pc) =	sbr.abs _section_cstart, $3  }
0xc0: {  	[dreg:$0x1] =	wrdreg $0xFFFFFFFF  }
0xc1: {  	_ =	task.clear_ibuf [dreg:s6], $0x2FFFF;
	_ =	strace $0x9FFFFFFF  }
0xc2: {  	(tm) =	ssettm $0x7FFFFFFF  }
0xc3: {  	_ =	shalt  }
tec
execute0_lowered:
.L_overlay_start_1:
0x0: {  	(tag) =	ssettag $0x1  }
0x1: {  	s0 =	rddreg [dreg:$0x0]  }
0x2: {  	s1 =	rddreg [dreg:$0x1]  }
0x3: {  	s3 =	simm.s32 $0x0;
	s2 =	srdreg.scid;
	s21 =	stileid.u32  }
0x4: {  	s28 =	simm.s32 $0x19F00;
	s30 =	simm.s32 $0x13880;
	s31 =	simm.s32 $0x14C80  }
0x5: {  	[smem:$0x7FF] =	sst s3;
	s2 =	sand.u32 $0x1, s2;
	s6 =	smul.u32 $0x13880, s21  }
0x6: {  	s4 =	sadd.s32 $0x3FC00, s0;
	s7 =	sadd.s32 $0x35C00, s0;
	s9 =	smul.u32 $0x5000, s21  }
0x7: {  	s8 =	sadd.s32 $0x21C00, s0;
	s11 =	sadd.s32 $0x2BC00, s0;
	s24 =	smul.u32 $0x4E200, s21  }
0x8: {  	s12 =	sadd.s32 $0x17C00, s0;
	s25 =	smul.u32 $0x2710, s21;
	s21 =	sadd.s32 $0x66E00, s0  }
0x9: {  	s29 =	simm.s32 $0x1;
	s5 =	smul.u32 $0x138800, s2;
	_ =	strace $0x8000004A  }
0xa: {  	s10 =	ssub.s32 $0x2, s2;
	p0 =	sne.s32 s2, $0x0;
	s2 =	simm.s32 $0x16080  }
0xb: {  	s17 =	sshrl.u32 s10, $0x1;
	s14 =	sshrl.u32 s9, $0x3;
	s26 =	sshrl.u32 s24, $0x2  }
0xc: {  	s24 =	sadd.s32 s25, s21;
	s25 =	sadd.s32 s25, s4;
	s5 =	sadd.s32 s6, s5  }
0xd: {  	s6 =	ssub.s32 s10, s17;
	s9 =	sadd.s32 s11, s14;
	s16 =	sadd.s32 $0x280, s14  }
0xe: {  	s18 =	sadd.s32 s12, s14;
	s13 =	sadd.s32 s7, s14;
	[dreg:$0x3] =	wrdreg s9  }
0xf: {  	[dreg:$0x4] =	wrdreg s18;
	s19 =	sadd.s32 s11, s16;
	s18 =	sadd.s32 $0x500, s14  }
0x10: {  	s20 =	sadd.s32 s12, s16;
	s15 =	sadd.s32 s7, s16;
	[dreg:$0x5] =	wrdreg s19  }
0x11: {  	s16 =	sadd.s32 s8, s16;
	s5 =	sshrl.u32 s5, $0x3;
	[dreg:$0x6] =	wrdreg s20  }
0x12: {  	s22 =	sadd.s32 s11, s18;
	s20 =	sadd.s32 $0x780, s14;
	s23 =	sadd.s32 s12, s18  }
0x13: {  	s14 =	sadd.s32 s8, s14;
	s17 =	sadd.s32 s7, s18;
	s18 =	sadd.s32 s8, s18  }
0x14: {  	s5 =	sadd.s32 s5, s0;
	s0 =	simm.s32 $0x7D;
	[dreg:$0x7] =	wrdreg s22  }
0x15: {  	[dreg:$0x8] =	wrdreg s23;
	s11 =	sadd.s32 s11, s20;
	s12 =	sadd.s32 s12, s20  }
0x16: {  	s19 =	sadd.s32 s7, s20;
	s20 =	sadd.s32 s8, s20;
	s22 =	smax.u32 s6, $0x1  }
0x17: {  	s23 =	sadd.s32 s26, s1;
	s26 =	sadd.s32 $0x8E000, s5;
	s5 =	simm.s32 $0x0  }
.LBB2_1:
.Ltmp0:
0x18: {  	(pc) =	sbr.rel @p0 .LBB2_13-.Ltmp0, $1  }
0x19: {  	_ =	sdelay $0x3  }
0x1a: {  	s6 =	sadd.s32 $0x0, s25  }
0x1b: {  	[tilespmem:s28], [sflag:$0x1] =	stream.linear.gather [hbm4b:s6+s3], $0xC80, $0x38;
	[tilespmem:$0x1AB80] =	vst v63  }
0x1c: {  	_ =	swait.ge [sflag:s29], $0xC80  }
0x1d: {  	[sflag:s29] =	ssyncset.done $0x0  }
0x1e: {  	[sflag:s29] =	ssyncadd.s32 $0xFFFFF380  }
0x1f: {  	[spmem:s23] =	stream.linear.scatter [tilespmem:s28], [sflag:$0x1], $0xC80, $0x38;
	[tilespmem:$0x1AB80] =	vst v63  }
0x20: {  	s7 =	simm.s32 $0x190;
	_ =	swait.ge [sflag:s29], $0xC80  }
0x21: {  	s8 =	simm.s32 $0x320;
	s6 =	sadd.s32 $0xC80, s23;
	[sflag:s29] =	ssyncset.done $0x0  }
.LBB2_3:
0x22: {  	s9 =	sadd.s32 s7, s25  }
0x23: {  	[sflag:s29] =	ssyncadd.s32 $0xFFFFF380;
	s7 =	smov.u32 s8;
	s10 =	sadd.s32 $0x190, s8  }
0x24: {  	[tilespmem:s28], [sflag:$0x1] =	stream.linear.gather [hbm4b:s9+s3], $0xC80, $0x38;
	[tilespmem:$0x1AB80] =	vst v63  }
0x25: {  	p1 =	seq.s32 s8, $0x2580;
	_ =	swait.ge [sflag:s29], $0xC80  }
.Ltmp1:
0x26: {  	[sflag:s29] =	ssyncset.done $0x0;
	(pc) =	sbr.rel @!p1 .LBB2_3-.Ltmp1, $4  }
0x27: {  	[sflag:s29] =	ssyncadd.s32 $0xFFFFF380  }
0x28: {  	[spmem:s6] =	stream.linear.scatter [tilespmem:s28], [sflag:$0x1], $0xC80, $0x38;
	[tilespmem:$0x1AB80] =	vst v63  }
0x29: {  	_ =	swait.ge [sflag:s29], $0xC80  }
0x2a: {  	s8 =	smov.u32 s10;
	s6 =	sadd.s32 $0xC80, s6;
	[sflag:s29] =	ssyncset.done $0x0  }
0x2b: {  	s7 =	sadd.s32 s7, s25;
	[sflag:s29] =	ssyncadd.s32 $0xFFFFF380  }
0x2c: {  	[tilespmem:s28], [sflag:$0x1] =	stream.linear.gather [hbm4b:s7+s3], $0xC80, $0x38;
	[tilespmem:$0x1AB80] =	vst v63  }
0x2d: {  	_ =	swait.ge [sflag:s29], $0xC80  }
0x2e: {  	[sflag:s29] =	ssyncset.done $0x0  }
0x2f: {  	[sflag:s29] =	ssyncadd.s32 $0xFFFFF380  }
0x30: {  	[spmem:s6] =	stream.linear.scatter [tilespmem:s28], [sflag:$0x1], $0xC80, $0x38;
	[tilespmem:$0x1AB80] =	vst v63  }
0x31: {  	_ =	swait.ge [sflag:s29], $0xC80  }
0x32: {  	[sflag:s29] =	ssyncset.done $0x0  }
0x33: {  	[sflag:s29] =	ssyncadd.s32 $0xFFFFF380  }
0x34: {  	s8 =	simm.s32 $0x0;
	[bflag:$0x0] =	sbarrier.arrive $0xFFFF  }
0x35: {  	[tilespmem:s30], [sflag:$0x1] =	stream.linear.gather [hbm4b:s13+s8], $0x1400, $0x38;
	[tilespmem:$0x1AB80] =	vst v63  }
0x36: {  	_ =	swait.ge [sflag:s29], $0x1400  }
0x37: {  	[sflag:s29] =	ssyncset.done $0x0  }
0x38: {  	[sflag:s29] =	ssyncadd.s32 $0xFFFFEC00  }
0x39: {  	[tilespmem:s31], [sflag:$0x1] =	stream.linear.gather [hbm4b:s14+s8], $0x1400, $0x38;
	[tilespmem:$0x1AB80] =	vst v63  }
0x3a: {  	_ =	swait.ge [sflag:s29], $0x1400  }
0x3b: {  	[sflag:s29] =	ssyncset.done $0x0  }
0x3c: {  	s9 =	simm.s32 $0x13880;
	[sflag:s29] =	ssyncadd.s32 $0xFFFFEC00  }
0x3d: {  	[tilespmem:s2], [sflag:$0x1] =	stream.indirect.gather [hbm4b:s4+s0], $0x80, s9, s0, $0xb8;
	[tilespmem:$0x1AB80] =	vst v63  }
0x3e: {  	_ =	swait.ge [sflag:s29], $0x3E80  }
0x3f: {  	[sflag:s29] =	ssyncset.done $0x0  }
0x40: {  	s10 =	simm.s32 $0x14C80;
	[sflag:s29] =	ssyncadd.s32 $0xFFFFC180  }
0x41: {  	[spmem:s1] =	stream.indirect.scatter.add.f32 [tilespmem:s2], [sflag:$0x1], $0x80, s10, s0, $0xb8;
	[tilespmem:$0x1AB80] =	vst v63  }
0x42: {  	_ =	swait.ge [sflag:s29], $0x3E80  }
0x43: {  	s7 =	simm.s32 $0x400;
	s6 =	simm.s32 $0x80;
	[sflag:s29] =	ssyncset.done $0x0  }
.LBB2_5:
0x44: {  	s8 =	sadd.s32 $0x13880, s6  }
0x45: {  	[sflag:s29] =	ssyncadd.s32 $0xFFFFC180;
	s9 =	smov.u32 s7;
	s10 =	sadd.s32 $0x200, s7  }
0x46: {  	[tilespmem:s2], [sflag:$0x1] =	stream.indirect.gather [hbm4b:s4+s0], $0x80, s8, s0, $0xb8;
	[tilespmem:$0x1AB80] =	vst v63  }
0x47: {  	p1 =	sne.s32 s7, $0x4E00;
	_ =	swait.ge [sflag:s29], $0x3E80  }
.Ltmp2:
0x48: {  	[sflag:s29] =	ssyncset.done $0x0;
	(pc) =	sbr.rel @p1 .LBB2_5-.Ltmp2, $4  }
0x49: {  	s6 =	sadd.s32 $0x14C80, s6;
	[sflag:s29] =	ssyncadd.s32 $0xFFFFC180  }
0x4a: {  	[spmem:s1] =	stream.indirect.scatter.add.f32 [tilespmem:s2], [sflag:$0x1], $0x80, s6, s0, $0xb8;
	[tilespmem:$0x1AB80] =	vst v63  }
0x4b: {  	_ =	swait.ge [sflag:s29], $0x3E80  }
0x4c: {  	s7 =	smov.u32 s10;
	s6 =	sshra.s32 s9, $0x2;
	[sflag:s29] =	ssyncset.done $0x0  }
0x4d: {  	s7 =	sadd.s32 $0x13880, s6;
	[sflag:s29] =	ssyncadd.s32 $0xFFFFC180  }
0x4e: {  	[tilespmem:s2], [sflag:$0x1] =	stream.indirect.gather [hbm4b:s4+s0], $0x80, s7, s0, $0xb8;
	[tilespmem:$0x1AB80] =	vst v63  }
0x4f: {  	_ =	swait.ge [sflag:s29], $0x3E80  }
0x50: {  	[sflag:s29] =	ssyncset.done $0x0  }
0x51: {  	s7 =	sadd.s32 $0x14C80, s6;
	[sflag:s29] =	ssyncadd.s32 $0xFFFFC180  }
0x52: {  	[spmem:s1] =	stream.indirect.scatter.add.f32 [tilespmem:s2], [sflag:$0x1], $0x80, s7, s0, $0xb8;
	[tilespmem:$0x1AB80] =	vst v63  }
0x53: {  	_ =	swait.ge [sflag:s29], $0x3E80  }
0x54: {  	[sflag:s29] =	ssyncset.done $0x0  }
0x55: {  	s8 =	simm.s32 $0x0;
	[sflag:s29] =	ssyncadd.s32 $0xFFFFC180  }
0x56: {  	[tilespmem:s30], [sflag:$0x1] =	stream.linear.gather [hbm4b:s15+s8], $0x1400, $0x38;
	[tilespmem:$0x1AB80] =	vst v63  }
0x57: {  	_ =	swait.ge [sflag:s29], $0x1400  }
0x58: {  	[sflag:s29] =	ssyncset.done $0x0  }
0x59: {  	[sflag:s29] =	ssyncadd.s32 $0xFFFFEC00  }
0x5a: {  	[tilespmem:s31], [sflag:$0x1] =	stream.linear.gather [hbm4b:s16+s8], $0x1400, $0x38;
	[tilespmem:$0x1AB80] =	vst v63  }
0x5b: {  	_ =	swait.ge [sflag:s29], $0x1400  }
0x5c: {  	[sflag:s29] =	ssyncset.done $0x0  }
0x5d: {  	s9 =	simm.s32 $0x13880;
	[sflag:s29] =	ssyncadd.s32 $0xFFFFEC00  }
0x5e: {  	[tilespmem:s2], [sflag:$0x1] =	stream.indirect.gather [hbm4b:s4+s0], $0x80, s9, s0, $0xb8;
	[tilespmem:$0x1AB80] =	vst v63  }
0x5f: {  	_ =	swait.ge [sflag:s29], $0x3E80  }
0x60: {  	[sflag:s29] =	ssyncset.done $0x0  }
0x61: {  	s10 =	simm.s32 $0x14C80;
	[sflag:s29] =	ssyncadd.s32 $0xFFFFC180  }
0x62: {  	[spmem:s1] =	stream.indirect.scatter.add.f32 [tilespmem:s2], [sflag:$0x1], $0x80, s10, s0, $0xb8;
	[tilespmem:$0x1AB80] =	vst v63  }
0x63: {  	_ =	swait.ge [sflag:s29], $0x3E80  }
0x64: {  	s6 =	simm.s32 $0x80;
	s7 =	simm.s32 $0x400;
	[sflag:s29] =	ssyncset.done $0x0  }
.LBB2_7:
0x65: {  	s8 =	sadd.s32 $0x13880, s6  }
0x66: {  	[sflag:s29] =	ssyncadd.s32 $0xFFFFC180;
	s9 =	smov.u32 s7;
	s10 =	sadd.s32 $0x200, s7  }
0x67: {  	[tilespmem:s2], [sflag:$0x1] =	stream.indirect.gather [hbm4b:s4+s0], $0x80, s8, s0, $0xb8;
	[tilespmem:$0x1AB80] =	vst v63  }
0x68: {  	p1 =	sne.s32 s7, $0x4E00;
	_ =	swait.ge [sflag:s29], $0x3E80  }
.Ltmp3:
0x69: {  	[sflag:s29] =	ssyncset.done $0x0;
	(pc) =	sbr.rel @p1 .LBB2_7-.Ltmp3, $4  }
0x6a: {  	s6 =	sadd.s32 $0x14C80, s6;
	[sflag:s29] =	ssyncadd.s32 $0xFFFFC180  }
0x6b: {  	[spmem:s1] =	stream.indirect.scatter.add.f32 [tilespmem:s2], [sflag:$0x1], $0x80, s6, s0, $0xb8;
	[tilespmem:$0x1AB80] =	vst v63  }
0x6c: {  	_ =	swait.ge [sflag:s29], $0x3E80  }
0x6d: {  	s7 =	smov.u32 s10;
	s6 =	sshra.s32 s9, $0x2;
	[sflag:s29] =	ssyncset.done $0x0  }
0x6e: {  	s7 =	sadd.s32 $0x13880, s6;
	[sflag:s29] =	ssyncadd.s32 $0xFFFFC180  }
0x6f: {  	[tilespmem:s2], [sflag:$0x1] =	stream.indirect.gather [hbm4b:s4+s0], $0x80, s7, s0, $0xb8;
	[tilespmem:$0x1AB80] =	vst v63  }
0x70: {  	_ =	swait.ge [sflag:s29], $0x3E80  }
0x71: {  	[sflag:s29] =	ssyncset.done $0x0  }
0x72: {  	s7 =	sadd.s32 $0x14C80, s6;
	[sflag:s29] =	ssyncadd.s32 $0xFFFFC180  }
0x73: {  	[spmem:s1] =	stream.indirect.scatter.add.f32 [tilespmem:s2], [sflag:$0x1], $0x80, s7, s0, $0xb8;
	[tilespmem:$0x1AB80] =	vst v63  }
0x74: {  	_ =	swait.ge [sflag:s29], $0x3E80  }
0x75: {  	[sflag:s29] =	ssyncset.done $0x0  }
0x76: {  	s8 =	simm.s32 $0x0;
	[sflag:s29] =	ssyncadd.s32 $0xFFFFC180  }
0x77: {  	[tilespmem:s30], [sflag:$0x1] =	stream.linear.gather [hbm4b:s17+s8], $0x1400, $0x38;
	[tilespmem:$0x1AB80] =	vst v63  }
0x78: {  	_ =	swait.ge [sflag:s29], $0x1400  }
0x79: {  	[sflag:s29] =	ssyncset.done $0x0  }
0x7a: {  	[sflag:s29] =	ssyncadd.s32 $0xFFFFEC00  }
0x7b: {  	[tilespmem:s31], [sflag:$0x1] =	stream.linear.gather [hbm4b:s18+s8], $0x1400, $0x38;
	[tilespmem:$0x1AB80] =	vst v63  }
0x7c: {  	_ =	swait.ge [sflag:s29], $0x1400  }
0x7d: {  	[sflag:s29] =	ssyncset.done $0x0  }
0x7e: {  	s9 =	simm.s32 $0x13880;
	[sflag:s29] =	ssyncadd.s32 $0xFFFFEC00  }
0x7f: {  	[tilespmem:s2], [sflag:$0x1] =	stream.indirect.gather [hbm4b:s4+s0], $0x80, s9, s0, $0xb8;
	[tilespmem:$0x1AB80] =	vst v63  }
0x80: {  	_ =	swait.ge [sflag:s29], $0x3E80  }
0x81: {  	[sflag:s29] =	ssyncset.done $0x0  }
0x82: {  	s10 =	simm.s32 $0x14C80;
	[sflag:s29] =	ssyncadd.s32 $0xFFFFC180  }
0x83: {  	[spmem:s1] =	stream.indirect.scatter.add.f32 [tilespmem:s2], [sflag:$0x1], $0x80, s10, s0, $0xb8;
	[tilespmem:$0x1AB80] =	vst v63  }
0x84: {  	_ =	swait.ge [sflag:s29], $0x3E80  }
0x85: {  	s6 =	simm.s32 $0x80;
	s7 =	simm.s32 $0x400;
	[sflag:s29] =	ssyncset.done $0x0  }
.LBB2_9:
0x86: {  	s8 =	sadd.s32 $0x13880, s6  }
0x87: {  	[sflag:s29] =	ssyncadd.s32 $0xFFFFC180;
	s9 =	smov.u32 s7;
	s10 =	sadd.s32 $0x200, s7  }
0x88: {  	[tilespmem:s2], [sflag:$0x1] =	stream.indirect.gather [hbm4b:s4+s0], $0x80, s8, s0, $0xb8;
	[tilespmem:$0x1AB80] =	vst v63  }
0x89: {  	p1 =	sne.s32 s7, $0x4E00;
	_ =	swait.ge [sflag:s29], $0x3E80  }
.Ltmp4:
0x8a: {  	[sflag:s29] =	ssyncset.done $0x0;
	(pc) =	sbr.rel @p1 .LBB2_9-.Ltmp4, $4  }
0x8b: {  	s6 =	sadd.s32 $0x14C80, s6;
	[sflag:s29] =	ssyncadd.s32 $0xFFFFC180  }
0x8c: {  	[spmem:s1] =	stream.indirect.scatter.add.f32 [tilespmem:s2], [sflag:$0x1], $0x80, s6, s0, $0xb8;
	[tilespmem:$0x1AB80] =	vst v63  }
0x8d: {  	_ =	swait.ge [sflag:s29], $0x3E80  }
0x8e: {  	s7 =	smov.u32 s10;
	s6 =	sshra.s32 s9, $0x2;
	[sflag:s29] =	ssyncset.done $0x0  }
0x8f: {  	s7 =	sadd.s32 $0x13880, s6;
	[sflag:s29] =	ssyncadd.s32 $0xFFFFC180  }
0x90: {  	[tilespmem:s2], [sflag:$0x1] =	stream.indirect.gather [hbm4b:s4+s0], $0x80, s7, s0, $0xb8;
	[tilespmem:$0x1AB80] =	vst v63  }
0x91: {  	_ =	swait.ge [sflag:s29], $0x3E80  }
0x92: {  	[sflag:s29] =	ssyncset.done $0x0  }
0x93: {  	s7 =	sadd.s32 $0x14C80, s6;
	[sflag:s29] =	ssyncadd.s32 $0xFFFFC180  }
0x94: {  	[spmem:s1] =	stream.indirect.scatter.add.f32 [tilespmem:s2], [sflag:$0x1], $0x80, s7, s0, $0xb8;
	[tilespmem:$0x1AB80] =	vst v63  }
0x95: {  	_ =	swait.ge [sflag:s29], $0x3E80  }
0x96: {  	[sflag:s29] =	ssyncset.done $0x0  }
0x97: {  	s8 =	simm.s32 $0x0;
	[sflag:s29] =	ssyncadd.s32 $0xFFFFC180  }
0x98: {  	[tilespmem:s30], [sflag:$0x1] =	stream.linear.gather [hbm4b:s19+s8], $0x1400, $0x38;
	[tilespmem:$0x1AB80] =	vst v63  }
0x99: {  	_ =	swait.ge [sflag:s29], $0x1400  }
0x9a: {  	[sflag:s29] =	ssyncset.done $0x0  }
0x9b: {  	[sflag:s29] =	ssyncadd.s32 $0xFFFFEC00  }
0x9c: {  	[tilespmem:s31], [sflag:$0x1] =	stream.linear.gather [hbm4b:s20+s8], $0x1400, $0x38;
	[tilespmem:$0x1AB80] =	vst v63  }
0x9d: {  	_ =	swait.ge [sflag:s29], $0x1400  }
0x9e: {  	[sflag:s29] =	ssyncset.done $0x0  }
0x9f: {  	s9 =	simm.s32 $0x13880;
	[sflag:s29] =	ssyncadd.s32 $0xFFFFEC00  }
0xa0: {  	[tilespmem:s2], [sflag:$0x1] =	stream.indirect.gather [hbm4b:s4+s0], $0x80, s9, s0, $0xb8;
	[tilespmem:$0x1AB80] =	vst v63  }
0xa1: {  	_ =	swait.ge [sflag:s29], $0x3E80  }
0xa2: {  	[sflag:s29] =	ssyncset.done $0x0  }
0xa3: {  	s10 =	simm.s32 $0x14C80;
	[sflag:s29] =	ssyncadd.s32 $0xFFFFC180  }
0xa4: {  	[spmem:s1] =	stream.indirect.scatter.add.f32 [tilespmem:s2], [sflag:$0x1], $0x80, s10, s0, $0xb8;
	[tilespmem:$0x1AB80] =	vst v63  }
0xa5: {  	_ =	swait.ge [sflag:s29], $0x3E80  }
0xa6: {  	s6 =	simm.s32 $0x80;
	s7 =	simm.s32 $0x400;
	[sflag:s29] =	ssyncset.done $0x0  }
.LBB2_11:
0xa7: {  	s8 =	sadd.s32 $0x13880, s6  }
0xa8: {  	[sflag:s29] =	ssyncadd.s32 $0xFFFFC180;
	s9 =	smov.u32 s7;
	s10 =	sadd.s32 $0x200, s7  }
0xa9: {  	[tilespmem:s2], [sflag:$0x1] =	stream.indirect.gather [hbm4b:s4+s0], $0x80, s8, s0, $0xb8;
	[tilespmem:$0x1AB80] =	vst v63  }
0xaa: {  	p1 =	seq.s32 s7, $0x4E00;
	_ =	swait.ge [sflag:s29], $0x3E80  }
.Ltmp5:
0xab: {  	[sflag:s29] =	ssyncset.done $0x0;
	(pc) =	sbr.rel @!p1 .LBB2_11-.Ltmp5, $4  }
0xac: {  	s6 =	sadd.s32 $0x14C80, s6;
	[sflag:s29] =	ssyncadd.s32 $0xFFFFC180  }
0xad: {  	[spmem:s1] =	stream.indirect.scatter.add.f32 [tilespmem:s2], [sflag:$0x1], $0x80, s6, s0, $0xb8;
	[tilespmem:$0x1AB80] =	vst v63  }
0xae: {  	_ =	swait.ge [sflag:s29], $0x3E80  }
0xaf: {  	s7 =	smov.u32 s10;
	s6 =	sshra.s32 s9, $0x2;
	[sflag:s29] =	ssyncset.done $0x0  }
0xb0: {  	s7 =	sadd.s32 $0x13880, s6;
	[sflag:s29] =	ssyncadd.s32 $0xFFFFC180  }
0xb1: {  	[tilespmem:s2], [sflag:$0x1] =	stream.indirect.gather [hbm4b:s4+s0], $0x80, s7, s0, $0xb8;
	[tilespmem:$0x1AB80] =	vst v63  }
0xb2: {  	_ =	swait.ge [sflag:s29], $0x3E80  }
0xb3: {  	[sflag:s29] =	ssyncset.done $0x0  }
.Ltmp6:
0xb4: {  	s10 =	sadd.s32 $0x14C80, s6;
	[sflag:s29] =	ssyncadd.s32 $0xFFFFC180;
	(pc) =	sbr.rel .LBB2_24-.Ltmp6, $4  }
0xb5: {  	[spmem:s1] =	stream.indirect.scatter.add.f32 [tilespmem:s2], [sflag:$0x1], $0x80, s10, s0, $0xb8;
	[tilespmem:$0x1AB80] =	vst v63  }
0xb6: {  	_ =	swait.ge [sflag:s29], $0x3E80  }
0xb7: {  	[sflag:s29] =	ssyncset.done $0x0  }
0xb8: {  	[sflag:s29] =	ssyncadd.s32 $0xFFFFC180  }
.LBB2_13:
0xb9: {  	s6 =	sadd.s32 $0x0, s24  }
0xba: {  	[tilespmem:s28], [sflag:$0x1] =	stream.linear.gather [hbm4b:s6+s3], $0xC80, $0x38;
	[tilespmem:$0x1AB80] =	vst v63  }
0xbb: {  	_ =	swait.ge [sflag:s29], $0xC80  }
0xbc: {  	[sflag:s29] =	ssyncset.done $0x0  }
0xbd: {  	[sflag:s29] =	ssyncadd.s32 $0xFFFFF380  }
0xbe: {  	[spmem:s23] =	stream.linear.scatter [tilespmem:s28], [sflag:$0x1], $0xC80, $0x38;
	[tilespmem:$0x1AB80] =	vst v63  }
0xbf: {  	s7 =	simm.s32 $0x190;
	_ =	swait.ge [sflag:s29], $0xC80  }
0xc0: {  	s8 =	simm.s32 $0x320;
	s6 =	sadd.s32 $0xC80, s23;
	[sflag:s29] =	ssyncset.done $0x0  }
.LBB2_14:
0xc1: {  	s9 =	sadd.s32 s7, s24  }
0xc2: {  	[sflag:s29] =	ssyncadd.s32 $0xFFFFF380;
	s7 =	smov.u32 s8;
	s10 =	sadd.s32 $0x190, s8  }
0xc3: {  	[tilespmem:s28], [sflag:$0x1] =	stream.linear.gather [hbm4b:s9+s3], $0xC80, $0x38;
	[tilespmem:$0x1AB80] =	vst v63  }
0xc4: {  	p1 =	seq.s32 s8, $0x2580;
	_ =	swait.ge [sflag:s29], $0xC80  }
.Ltmp7:
0xc5: {  	[sflag:s29] =	ssyncset.done $0x0;
	(pc) =	sbr.rel @!p1 .LBB2_14-.Ltmp7, $4  }
0xc6: {  	[sflag:s29] =	ssyncadd.s32 $0xFFFFF380  }
0xc7: {  	[spmem:s6] =	stream.linear.scatter [tilespmem:s28], [sflag:$0x1], $0xC80, $0x38;
	[tilespmem:$0x1AB80] =	vst v63  }
0xc8: {  	_ =	swait.ge [sflag:s29], $0xC80  }
0xc9: {  	s8 =	smov.u32 s10;
	s6 =	sadd.s32 $0xC80, s6;
	[sflag:s29] =	ssyncset.done $0x0  }
0xca: {  	s7 =	sadd.s32 s7, s24;
	[sflag:s29] =	ssyncadd.s32 $0xFFFFF380  }
0xcb: {  	[tilespmem:s28], [sflag:$0x1] =	stream.linear.gather [hbm4b:s7+s3], $0xC80, $0x38;
	[tilespmem:$0x1AB80] =	vst v63  }
0xcc: {  	_ =	swait.ge [sflag:s29], $0xC80  }
0xcd: {  	[sflag:s29] =	ssyncset.done $0x0  }
0xce: {  	[sflag:s29] =	ssyncadd.s32 $0xFFFFF380  }
0xcf: {  	[spmem:s6] =	stream.linear.scatter [tilespmem:s28], [sflag:$0x1], $0xC80, $0x38;
	[tilespmem:$0x1AB80] =	vst v63  }
0xd0: {  	_ =	swait.ge [sflag:s29], $0xC80  }
0xd1: {  	[sflag:s29] =	ssyncset.done $0x0  }
0xd2: {  	[sflag:s29] =	ssyncadd.s32 $0xFFFFF380  }
0xd3: {  	[bflag:$0x0] =	sbarrier.arrive $0xFFFF  }
0xd4: {  	s9 =	simm.s32 $0x0;
	s10 =	rddreg [dreg:$0x3]  }
0xd5: {  	[tilespmem:s30], [sflag:$0x1] =	stream.linear.gather [hbm4b:s10+s9], $0x1400, $0x38;
	[tilespmem:$0x1AB80] =	vst v63  }
0xd6: {  	_ =	swait.ge [sflag:s29], $0x1400  }
0xd7: {  	[sflag:s29] =	ssyncset.done $0x0  }
0xd8: {  	s8 =	rddreg [dreg:$0x4];
	[sflag:s29] =	ssyncadd.s32 $0xFFFFEC00  }
0xd9: {  	[tilespmem:s31], [sflag:$0x1] =	stream.linear.gather [hbm4b:s8+s9], $0x1400, $0x38;
	[tilespmem:$0x1AB80] =	vst v63  }
0xda: {  	_ =	swait.ge [sflag:s29], $0x1400  }
0xdb: {  	[sflag:s29] =	ssyncset.done $0x0  }
0xdc: {  	s9 =	simm.s32 $0x13880;
	[sflag:s29] =	ssyncadd.s32 $0xFFFFEC00  }
0xdd: {  	[tilespmem:s2], [sflag:$0x1] =	stream.indirect.gather [hbm4b:s21+s0], $0x80, s9, s0, $0xb8;
	[tilespmem:$0x1AB80] =	vst v63  }
0xde: {  	_ =	swait.ge [sflag:s29], $0x3E80  }
0xdf: {  	[sflag:s29] =	ssyncset.done $0x0  }
0xe0: {  	s10 =	simm.s32 $0x14C80;
	[sflag:s29] =	ssyncadd.s32 $0xFFFFC180  }
0xe1: {  	[spmem:s1] =	stream.indirect.scatter.add.f32 [tilespmem:s2], [sflag:$0x1], $0x80, s10, s0, $0xb8;
	[tilespmem:$0x1AB80] =	vst v63  }
0xe2: {  	_ =	swait.ge [sflag:s29], $0x3E80  }
0xe3: {  	s7 =	simm.s32 $0x400;
	s6 =	simm.s32 $0x80;
	[sflag:s29] =	ssyncset.done $0x0  }
.LBB2_16:
0xe4: {  	s8 =	sadd.s32 $0x13880, s6  }
0xe5: {  	[sflag:s29] =	ssyncadd.s32 $0xFFFFC180;
	s9 =	smov.u32 s7;
	s10 =	sadd.s32 $0x200, s7  }
0xe6: {  	[tilespmem:s2], [sflag:$0x1] =	stream.indirect.gather [hbm4b:s21+s0], $0x80, s8, s0, $0xb8;
	[tilespmem:$0x1AB80] =	vst v63  }
0xe7: {  	p1 =	sne.s32 s7, $0x4E00;
	_ =	swait.ge [sflag:s29], $0x3E80  }
.Ltmp8:
0xe8: {  	[sflag:s29] =	ssyncset.done $0x0;
	(pc) =	sbr.rel @p1 .LBB2_16-.Ltmp8, $4  }
0xe9: {  	s6 =	sadd.s32 $0x14C80, s6;
	[sflag:s29] =	ssyncadd.s32 $0xFFFFC180  }
0xea: {  	[spmem:s1] =	stream.indirect.scatter.add.f32 [tilespmem:s2], [sflag:$0x1], $0x80, s6, s0, $0xb8;
	[tilespmem:$0x1AB80] =	vst v63  }
0xeb: {  	_ =	swait.ge [sflag:s29], $0x3E80  }
0xec: {  	s7 =	smov.u32 s10;
	s6 =	sshra.s32 s9, $0x2;
	[sflag:s29] =	ssyncset.done $0x0  }
0xed: {  	s7 =	sadd.s32 $0x13880, s6;
	[sflag:s29] =	ssyncadd.s32 $0xFFFFC180  }
0xee: {  	[tilespmem:s2], [sflag:$0x1] =	stream.indirect.gather [hbm4b:s21+s0], $0x80, s7, s0, $0xb8;
	[tilespmem:$0x1AB80] =	vst v63  }
0xef: {  	_ =	swait.ge [sflag:s29], $0x3E80  }
0xf0: {  	[sflag:s29] =	ssyncset.done $0x0  }
0xf1: {  	s8 =	sadd.s32 $0x14C80, s6;
	[sflag:s29] =	ssyncadd.s32 $0xFFFFC180  }
0xf2: {  	[spmem:s1] =	stream.indirect.scatter.add.f32 [tilespmem:s2], [sflag:$0x1], $0x80, s8, s0, $0xb8;
	[tilespmem:$0x1AB80] =	vst v63  }
0xf3: {  	_ =	swait.ge [sflag:s29], $0x3E80  }
0xf4: {  	[sflag:s29] =	ssyncset.done $0x0  }
0xf5: {  	s9 =	simm.s32 $0x0;
	s10 =	rddreg [dreg:$0x5];
	[sflag:s29] =	ssyncadd.s32 $0xFFFFC180  }
0xf6: {  	[tilespmem:s30], [sflag:$0x1] =	stream.linear.gather [hbm4b:s10+s9], $0x1400, $0x38;
	[tilespmem:$0x1AB80] =	vst v63  }
0xf7: {  	_ =	swait.ge [sflag:s29], $0x1400  }
0xf8: {  	[sflag:s29] =	ssyncset.done $0x0  }
0xf9: {  	s8 =	rddreg [dreg:$0x6];
	[sflag:s29] =	ssyncadd.s32 $0xFFFFEC00  }
0xfa: {  	[tilespmem:s31], [sflag:$0x1] =	stream.linear.gather [hbm4b:s8+s9], $0x1400, $0x38;
	[tilespmem:$0x1AB80] =	vst v63  }
0xfb: {  	_ =	swait.ge [sflag:s29], $0x1400  }
0xfc: {  	[sflag:s29] =	ssyncset.done $0x0  }
0xfd: {  	s9 =	simm.s32 $0x13880;
	[sflag:s29] =	ssyncadd.s32 $0xFFFFEC00  }
0xfe: {  	[tilespmem:s2], [sflag:$0x1] =	stream.indirect.gather [hbm4b:s21+s0], $0x80, s9, s0, $0xb8;
	[tilespmem:$0x1AB80] =	vst v63  }
0xff: {  	_ =	swait.ge [sflag:s29], $0x3E80  }
0x100: {  	[sflag:s29] =	ssyncset.done $0x0  }
0x101: {  	s10 =	simm.s32 $0x14C80;
	[sflag:s29] =	ssyncadd.s32 $0xFFFFC180  }
0x102: {  	[spmem:s1] =	stream.indirect.scatter.add.f32 [tilespmem:s2], [sflag:$0x1], $0x80, s10, s0, $0xb8;
	[tilespmem:$0x1AB80] =	vst v63  }
0x103: {  	_ =	swait.ge [sflag:s29], $0x3E80  }
0x104: {  	s6 =	simm.s32 $0x80;
	s7 =	simm.s32 $0x400;
	[sflag:s29] =	ssyncset.done $0x0  }
.LBB2_18:
0x105: {  	s8 =	sadd.s32 $0x13880, s6  }
0x106: {  	[sflag:s29] =	ssyncadd.s32 $0xFFFFC180;
	s9 =	smov.u32 s7;
	s10 =	sadd.s32 $0x200, s7  }
0x107: {  	[tilespmem:s2], [sflag:$0x1] =	stream.indirect.gather [hbm4b:s21+s0], $0x80, s8, s0, $0xb8;
	[tilespmem:$0x1AB80] =	vst v63  }
0x108: {  	p1 =	sne.s32 s7, $0x4E00;
	_ =	swait.ge [sflag:s29], $0x3E80  }
.Ltmp9:
0x109: {  	[sflag:s29] =	ssyncset.done $0x0;
	(pc) =	sbr.rel @p1 .LBB2_18-.Ltmp9, $4  }
0x10a: {  	s6 =	sadd.s32 $0x14C80, s6;
	[sflag:s29] =	ssyncadd.s32 $0xFFFFC180  }
0x10b: {  	[spmem:s1] =	stream.indirect.scatter.add.f32 [tilespmem:s2], [sflag:$0x1], $0x80, s6, s0, $0xb8;
	[tilespmem:$0x1AB80] =	vst v63  }
0x10c: {  	_ =	swait.ge [sflag:s29], $0x3E80  }
0x10d: {  	s7 =	smov.u32 s10;
	s6 =	sshra.s32 s9, $0x2;
	[sflag:s29] =	ssyncset.done $0x0  }
0x10e: {  	s7 =	sadd.s32 $0x13880, s6;
	[sflag:s29] =	ssyncadd.s32 $0xFFFFC180  }
0x10f: {  	[tilespmem:s2], [sflag:$0x1] =	stream.indirect.gather [hbm4b:s21+s0], $0x80, s7, s0, $0xb8;
	[tilespmem:$0x1AB80] =	vst v63  }
0x110: {  	_ =	swait.ge [sflag:s29], $0x3E80  }
0x111: {  	[sflag:s29] =	ssyncset.done $0x0  }
0x112: {  	s8 =	sadd.s32 $0x14C80, s6;
	[sflag:s29] =	ssyncadd.s32 $0xFFFFC180  }
0x113: {  	[spmem:s1] =	stream.indirect.scatter.add.f32 [tilespmem:s2], [sflag:$0x1], $0x80, s8, s0, $0xb8;
	[tilespmem:$0x1AB80] =	vst v63  }
0x114: {  	_ =	swait.ge [sflag:s29], $0x3E80  }
0x115: {  	[sflag:s29] =	ssyncset.done $0x0  }
0x116: {  	s9 =	simm.s32 $0x0;
	s10 =	rddreg [dreg:$0x7];
	[sflag:s29] =	ssyncadd.s32 $0xFFFFC180  }
0x117: {  	[tilespmem:s30], [sflag:$0x1] =	stream.linear.gather [hbm4b:s10+s9], $0x1400, $0x38;
	[tilespmem:$0x1AB80] =	vst v63  }
0x118: {  	_ =	swait.ge [sflag:s29], $0x1400  }
0x119: {  	[sflag:s29] =	ssyncset.done $0x0  }
0x11a: {  	s8 =	rddreg [dreg:$0x8];
	[sflag:s29] =	ssyncadd.s32 $0xFFFFEC00  }
0x11b: {  	[tilespmem:s31], [sflag:$0x1] =	stream.linear.gather [hbm4b:s8+s9], $0x1400, $0x38;
	[tilespmem:$0x1AB80] =	vst v63  }
0x11c: {  	_ =	swait.ge [sflag:s29], $0x1400  }
0x11d: {  	[sflag:s29] =	ssyncset.done $0x0  }
0x11e: {  	s9 =	simm.s32 $0x13880;
	[sflag:s29] =	ssyncadd.s32 $0xFFFFEC00  }
0x11f: {  	[tilespmem:s2], [sflag:$0x1] =	stream.indirect.gather [hbm4b:s21+s0], $0x80, s9, s0, $0xb8;
	[tilespmem:$0x1AB80] =	vst v63  }
0x120: {  	_ =	swait.ge [sflag:s29], $0x3E80  }
0x121: {  	[sflag:s29] =	ssyncset.done $0x0  }
0x122: {  	s10 =	simm.s32 $0x14C80;
	[sflag:s29] =	ssyncadd.s32 $0xFFFFC180  }
0x123: {  	[spmem:s1] =	stream.indirect.scatter.add.f32 [tilespmem:s2], [sflag:$0x1], $0x80, s10, s0, $0xb8;
	[tilespmem:$0x1AB80] =	vst v63  }
0x124: {  	_ =	swait.ge [sflag:s29], $0x3E80  }
0x125: {  	s6 =	simm.s32 $0x80;
	s7 =	simm.s32 $0x400;
	[sflag:s29] =	ssyncset.done $0x0  }
.LBB2_20:
0x126: {  	s8 =	sadd.s32 $0x13880, s6  }
0x127: {  	[sflag:s29] =	ssyncadd.s32 $0xFFFFC180;
	s9 =	smov.u32 s7;
	s10 =	sadd.s32 $0x200, s7  }
0x128: {  	[tilespmem:s2], [sflag:$0x1] =	stream.indirect.gather [hbm4b:s21+s0], $0x80, s8, s0, $0xb8;
	[tilespmem:$0x1AB80] =	vst v63  }
0x129: {  	p1 =	sne.s32 s7, $0x4E00;
	_ =	swait.ge [sflag:s29], $0x3E80  }
.Ltmp10:
0x12a: {  	[sflag:s29] =	ssyncset.done $0x0;
	(pc) =	sbr.rel @p1 .LBB2_20-.Ltmp10, $4  }
0x12b: {  	s6 =	sadd.s32 $0x14C80, s6;
	[sflag:s29] =	ssyncadd.s32 $0xFFFFC180  }
0x12c: {  	[spmem:s1] =	stream.indirect.scatter.add.f32 [tilespmem:s2], [sflag:$0x1], $0x80, s6, s0, $0xb8;
	[tilespmem:$0x1AB80] =	vst v63  }
0x12d: {  	_ =	swait.ge [sflag:s29], $0x3E80  }
0x12e: {  	s7 =	smov.u32 s10;
	s6 =	sshra.s32 s9, $0x2;
	[sflag:s29] =	ssyncset.done $0x0  }
0x12f: {  	s7 =	sadd.s32 $0x13880, s6;
	[sflag:s29] =	ssyncadd.s32 $0xFFFFC180  }
0x130: {  	[tilespmem:s2], [sflag:$0x1] =	stream.indirect.gather [hbm4b:s21+s0], $0x80, s7, s0, $0xb8;
	[tilespmem:$0x1AB80] =	vst v63  }
0x131: {  	_ =	swait.ge [sflag:s29], $0x3E80  }
0x132: {  	[sflag:s29] =	ssyncset.done $0x0  }
0x133: {  	s7 =	sadd.s32 $0x14C80, s6;
	[sflag:s29] =	ssyncadd.s32 $0xFFFFC180  }
0x134: {  	[spmem:s1] =	stream.indirect.scatter.add.f32 [tilespmem:s2], [sflag:$0x1], $0x80, s7, s0, $0xb8;
	[tilespmem:$0x1AB80] =	vst v63  }
0x135: {  	_ =	swait.ge [sflag:s29], $0x3E80  }
0x136: {  	[sflag:s29] =	ssyncset.done $0x0  }
0x137: {  	s8 =	simm.s32 $0x0;
	[sflag:s29] =	ssyncadd.s32 $0xFFFFC180  }
0x138: {  	[tilespmem:s30], [sflag:$0x1] =	stream.linear.gather [hbm4b:s11+s8], $0x1400, $0x38;
	[tilespmem:$0x1AB80] =	vst v63  }
0x139: {  	_ =	swait.ge [sflag:s29], $0x1400  }
0x13a: {  	[sflag:s29] =	ssyncset.done $0x0  }
0x13b: {  	[sflag:s29] =	ssyncadd.s32 $0xFFFFEC00  }
0x13c: {  	[tilespmem:s31], [sflag:$0x1] =	stream.linear.gather [hbm4b:s12+s8], $0x1400, $0x38;
	[tilespmem:$0x1AB80] =	vst v63  }
0x13d: {  	_ =	swait.ge [sflag:s29], $0x1400  }
0x13e: {  	[sflag:s29] =	ssyncset.done $0x0  }
0x13f: {  	s9 =	simm.s32 $0x13880;
	[sflag:s29] =	ssyncadd.s32 $0xFFFFEC00  }
0x140: {  	[tilespmem:s2], [sflag:$0x1] =	stream.indirect.gather [hbm4b:s21+s0], $0x80, s9, s0, $0xb8;
	[tilespmem:$0x1AB80] =	vst v63  }
0x141: {  	_ =	swait.ge [sflag:s29], $0x3E80  }
0x142: {  	[sflag:s29] =	ssyncset.done $0x0  }
0x143: {  	s10 =	simm.s32 $0x14C80;
	[sflag:s29] =	ssyncadd.s32 $0xFFFFC180  }
0x144: {  	[spmem:s1] =	stream.indirect.scatter.add.f32 [tilespmem:s2], [sflag:$0x1], $0x80, s10, s0, $0xb8;
	[tilespmem:$0x1AB80] =	vst v63  }
0x145: {  	_ =	swait.ge [sflag:s29], $0x3E80  }
0x146: {  	s6 =	simm.s32 $0x80;
	s7 =	simm.s32 $0x400;
	[sflag:s29] =	ssyncset.done $0x0  }
.LBB2_22:
0x147: {  	s8 =	sadd.s32 $0x13880, s6  }
0x148: {  	[sflag:s29] =	ssyncadd.s32 $0xFFFFC180;
	s9 =	smov.u32 s7;
	s10 =	sadd.s32 $0x200, s7  }
0x149: {  	[tilespmem:s2], [sflag:$0x1] =	stream.indirect.gather [hbm4b:s21+s0], $0x80, s8, s0, $0xb8;
	[tilespmem:$0x1AB80] =	vst v63  }
0x14a: {  	p1 =	sne.s32 s7, $0x4E00;
	_ =	swait.ge [sflag:s29], $0x3E80  }
.Ltmp11:
0x14b: {  	[sflag:s29] =	ssyncset.done $0x0;
	(pc) =	sbr.rel @p1 .LBB2_22-.Ltmp11, $4  }
0x14c: {  	s6 =	sadd.s32 $0x14C80, s6;
	[sflag:s29] =	ssyncadd.s32 $0xFFFFC180  }
0x14d: {  	[spmem:s1] =	stream.indirect.scatter.add.f32 [tilespmem:s2], [sflag:$0x1], $0x80, s6, s0, $0xb8;
	[tilespmem:$0x1AB80] =	vst v63  }
0x14e: {  	_ =	swait.ge [sflag:s29], $0x3E80  }
0x14f: {  	s7 =	smov.u32 s10;
	s6 =	sshra.s32 s9, $0x2;
	[sflag:s29] =	ssyncset.done $0x0  }
0x150: {  	s7 =	sadd.s32 $0x13880, s6;
	[sflag:s29] =	ssyncadd.s32 $0xFFFFC180  }
0x151: {  	[tilespmem:s2], [sflag:$0x1] =	stream.indirect.gather [hbm4b:s21+s0], $0x80, s7, s0, $0xb8;
	[tilespmem:$0x1AB80] =	vst v63  }
0x152: {  	_ =	swait.ge [sflag:s29], $0x3E80  }
0x153: {  	[sflag:s29] =	ssyncset.done $0x0  }
0x154: {  	s10 =	sadd.s32 $0x14C80, s6;
	[sflag:s29] =	ssyncadd.s32 $0xFFFFC180  }
0x155: {  	[spmem:s1] =	stream.indirect.scatter.add.f32 [tilespmem:s2], [sflag:$0x1], $0x80, s10, s0, $0xb8;
	[tilespmem:$0x1AB80] =	vst v63  }
0x156: {  	_ =	swait.ge [sflag:s29], $0x3E80  }
0x157: {  	[sflag:s29] =	ssyncset.done $0x0  }
0x158: {  	[sflag:s29] =	ssyncadd.s32 $0xFFFFC180  }
.LBB2_24:
0x159: {  	[bflag:$0x0] =	sbarrier.arrive $0xFFFF  }
0x15a: {  	[tilespmem:s28], [sflag:$0x1] =	stream.linear.gather [spmem:s23], $0xC80, $0x38;
	[tilespmem:$0x1AB80] =	vst v63  }
0x15b: {  	_ =	swait.ge [sflag:s29], $0xC80  }
0x15c: {  	[sflag:s29] =	ssyncset.done $0x0  }
0x15d: {  	s6 =	sadd.s32 $0x0, s26;
	[sflag:s29] =	ssyncadd.s32 $0xFFFFF380  }
0x15e: {  	[hbm4b:s6+s3] =	stream.linear.scatter [tilespmem:s28], [sflag:$0x1], $0xC80, $0x38;
	[tilespmem:$0x1AB80] =	vst v63  }
0x15f: {  	_ =	swait.ge [sflag:s29], $0xC80  }
0x160: {  	s7 =	smov.u32 s23;
	s6 =	simm.s32 $0x190;
	[sflag:s29] =	ssyncset.done $0x0  }
.LBB2_25:
0x161: {  	p1 =	sne.s32 s6, $0x2580;
	[sflag:s29] =	ssyncadd.s32 $0xFFFFF380;
	s7 =	sadd.s32 $0xC80, s7  }
0x162: {  	[tilespmem:s28], [sflag:$0x1] =	stream.linear.gather [spmem:s7], $0xC80, $0x38;
	[tilespmem:$0x1AB80] =	vst v63  }
0x163: {  	s8 =	smov.u32 s6;
	s6 =	sadd.s32 $0x190, s6;
	_ =	swait.ge [sflag:s29], $0xC80  }
.Ltmp12:
0x164: {  	[sflag:s29] =	ssyncset.done $0x0;
	(pc) =	sbr.rel @p1 .LBB2_25-.Ltmp12, $4  }
0x165: {  	s8 =	sadd.s32 s8, s26;
	[sflag:s29] =	ssyncadd.s32 $0xFFFFF380  }
0x166: {  	[hbm4b:s8+s3] =	stream.linear.scatter [tilespmem:s28], [sflag:$0x1], $0xC80, $0x38;
	[tilespmem:$0x1AB80] =	vst v63  }
0x167: {  	_ =	swait.ge [sflag:s29], $0xC80  }
0x168: {  	[sflag:s29] =	ssyncset.done $0x0  }
0x169: {  	s5 =	sadd.s32 $0x1, s5  }
0x16a: {  	p1 =	sne.s32 s5, s22  }
.Ltmp13:
0x16b: {  	_ = 	snop;
	(pc) =	sbr.rel @p1 .LBB2_1-.Ltmp13, $2  }
0x16c: {  	_ =	sdelay $0x2  }
0x16d: {  	[sflag:s29] =	ssyncadd.s32 $0xFFFFF380  }
0x16e: {  	_ =	sfence.sel $0x180000  }
0x16f: {  	[bflag:$0x0] =	sbarrier.arrive $0xFFFF  }
0x170: {  	_ =	strace $0x9000004A  }
0x171: {  	s0 =	stileid.u32;
	[bflag:$0x2] =	sbarrier.arrive $0xFFFF  }
0x172: {  	p0 =	sne.s32 s0, $0x0;
	s0 =	rddreg [dreg:$0x2]  }
0x173: {  	s0 =	sadd.s32 @!p0 $0x100000, s0  }
0x174: {  	[sflag:s0] =	ssyncadd.tile.s32 @!p0 $0x1;
	_ =	shalt  }
.Lfunc_end2:
_tile_overlayer_lowered:
.L_overlay_start_2:
0x175: {  	(tag) =	ssettag $0x2  }
0x176: {  	s0 =	rddreg [dreg:$0x0];
	s2 =	stileid.u32  }
0x177: {  	s1 =	rddreg [dreg:$0x1];
	p0 =	sne.s32 s2, $0x0  }
0x178: {  	s3 =	rddreg [dreg:$0x2];
	[bflag:$0x3] =	sbarrier.arrive $0xFFFF;
	s2 =	simm.s32 @!p0 $0x1C01  }
0x179: {  	[timem:s3], [sflag:s2] =	dma.local @!p0 [hbm:s0], s1  }
0x17a: {  	s0 =	simm.s32 @!p0 $0x1  }
0x17b: {  	_ =	swait.ge @!p0 [sflag:s0], s1  }
0x17c: {  	s1 =	ssub.s32 @!p0 $0x0, s1;
	[sflag:s0] =	ssyncset.done @!p0 $0x0  }
0x17d: {  	[sflag:s0] =	ssyncadd.s32 @!p0 s1  }
0x17e: {  	[bflag:$0x3] =	sbarrier.arrive $0xFFFF  }
0x17f: {  	_ =	shalt  }

// kernel: kernel.15.cloned.1.call-start
scs
__scs_entry_jumppad:
0x0: {  	(pc) =	sbr.rel $0x88, $3  }
0x1: {  	(tag) =	ssettag $0x0;
	lr =	simm.s32 $0x1  }
0x2: {  	[smem:$0x3F94] =	sst lr;
	_ =	strace $0xD0000000  }
0x3: {  	_ = 	snop  }
0x4: {  	_ = 	snop  }
0x5: {  	_ = 	snop  }
0x6: {  	_ = 	snop  }
0x7: {  	_ = 	snop  }
__scs_overlays_trampoline_lowered:
0x8: {  	[smem:$0x3FA3] =	sst s0  }
0x9: {  	[smem:$0x3FA4] =	sst s1  }
0xa: {  	[smem:$0x3FA5] =	sst s2  }
0xb: {  	[smem:$0x3FA6] =	sst s3  }
0xc: {  	[smem:$0x3FA7] =	sst s4  }
0xd: {  	[smem:$0x3FA8] =	sst s5  }
0xe: {  	[smem:$0x3FA9] =	sst s6  }
0xf: {  	[smem:$0x3FAA] =	sst s7  }
0x10: {  	[smem:$0x3FAB] =	sst s8  }
0x11: {  	[smem:$0x3FAC] =	sst s9;
	s0 =	simm.s32 @!p0 $0x0  }
0x12: {  	s1 =	sld [smem:$0x3F92];
	s0 =	simm.s32 @p0 $0x1  }
0x13: {  	[smem:$0x3FAD] =	sst s0;
	s0 =	simm.s32 @!p1 $0x0  }
0x14: {  	s2 =	sld [smem:$0x3F91];
	s0 =	simm.s32 @p1 $0x1  }
0x15: {  	[smem:$0x3FAE] =	sst s0;
	s0 =	simm.s32 @!p2 $0x0  }
0x16: {  	s3 =	sld [smem:$0x3FDB];
	s0 =	simm.s32 @p2 $0x1  }
0x17: {  	s4 =	simm.s32 $0x1BF5;
	[smem:$0x3FB0] =	sst s0  }
0x18: {  	s0 =	sld [smem:$0x3F93];
	_ =	swait.ge [sflag:s4], $0x0  }
0x19: {  	s7 =	sld [smem:$0x3F94]  }
0x1a: {  	s8 =	sadd.s32 $0xFFFFE003, lr  }
0x1b: {  	s9 =	sadd.s32 $0xFFFFFEF7, lr;
	s5 =	simm.s32 $0xFFFFFFFF;
	p2 =	slt.u32 s8, $0xFFFFF086  }
0x1c: {  	p1 =	slt.u32 s9, $0xF7A;
	s5 =	simm.s32 @!p2 $0x0  }
0x1d: {  	s5 =	simm.s32 @p1 $0x1;
	p0 =	seq.s32 s7, s2  }
0x1e: {  	s7 =	smul.u32 @!p0 $0xF7A, s2;
	p2 =	seq.s32 @!p0 s5, $0x0  }
0x1f: {  	s9 =	smul.u32 $0xF7A, s1;
	s8 =	simm.s32 @!p0 $0x1BF5;
	p2 =	por !p2, p0  }
0x20: {  	[sflag:s8] =	ssyncset.s32 @!p0 $0xFFFFF086;
	s6 =	sadd.s32 @!p0 s3, s7;
	s7 =	simm.s32 @!p0 $0x108  }
0x21: {  	s3 =	sadd.s32 s3, s9;
	s6 =	sadd.s32 @!p0 $0x88, s6;
	s7 =	simm.s32 @p2 $0x1082  }
0x22: {  	[simem:s7], [sflag:s8] =	dma.local @!p0 [hbm:s6], $0xF7A  }
0x23: {  	s9 =	sor.u32 $0xD0000000, s2;
	s6 =	simm.s32 $0x108;
	_ =	swait.ge @!p0 [sflag:s8], $0x0  }
0x24: {  	s3 =	sadd.s32 $0x88, s3;
	s6 =	simm.s32 @!p1 $0x1082;
	[sflag:s4] =	ssyncset.s32 $0xFFFFF086  }
0x25: {  	[simem:s6], [sflag:s4] =	dma.local [hbm:s3], $0xF7A  }
0x26: {  	[smem:$0x3F94] =	sst s1;
	(tag) =	ssettag s2;
	_ =	strace s9  }
0x27: {  	s1 =	sld [smem:$0x3FA4]  }
0x28: {  	s2 =	sld [smem:$0x3FA5]  }
0x29: {  	s4 =	sld [smem:$0x3FA7]  }
0x2a: {  	p0 =	seq.s32 s5, $0x0;
	s5 =	sld [smem:$0x3FA8]  }
0x2b: {  	s6 =	sld [smem:$0x3FA9]  }
0x2c: {  	s7 =	sld [smem:$0x3FAA]  }
0x2d: {  	s3 =	simm.s32 $0x108;
	s8 =	sld [smem:$0x3FAB]  }
0x2e: {  	s3 =	simm.s32 @!p0 $0x1082;
	s9 =	sld [smem:$0x3FAC]  }
0x2f: {  	lr =	sadd.s32 s0, s3;
	s0 =	sld [smem:$0x3FA3]  }
0x30: {  	s3 =	sld [smem:$0x3FA6]  }
0x31: {  	[smem:$0x3FAF] =	sst s10  }
0x32: {  	s10 =	sld [smem:$0x3FAD];
	_ =	sdelay $0x3  }
0x33: {  	p0 =	seq.s32 s10, $0x1;
	s10 =	sld [smem:$0x3FAF];
	_ =	sdelay $0x3  }
0x34: {  	[smem:$0x3FAF] =	sst s10  }
0x35: {  	s10 =	sld [smem:$0x3FAE];
	_ =	sdelay $0x3  }
0x36: {  	p1 =	seq.s32 s10, $0x1;
	s10 =	sld [smem:$0x3FAF];
	_ =	sdelay $0x3  }
0x37: {  	[smem:$0x3FAF] =	sst s10  }
0x38: {  	s10 =	sld [smem:$0x3FB0]  }
0x39: {  	_ = 	snop;
	(pc) =	sbr.ind lr, $3  }
0x3a: {  	_ = 	snop  }
0x3b: {  	_ = 	snop  }
0x3c: {  	p2 =	seq.s32 s10, $0x1;
	s10 =	sld [smem:$0x3FAF]  }
0x3d: {  	_ =	shalt  }
0x3e: {  	_ =	shalt  }
0x3f: {  	_ =	shalt  }
0x40: {  	_ =	shalt  }
0x41: {  	_ =	shalt  }
0x42: {  	_ =	shalt  }
0x43: {  	_ =	shalt  }
0x44: {  	_ =	shalt  }
0x45: {  	_ =	shalt  }
0x46: {  	_ =	shalt  }
0x47: {  	_ =	shalt  }
0x48: {  	_ =	shalt  }
0x49: {  	_ =	shalt  }
0x4a: {  	_ =	shalt  }
0x4b: {  	_ =	shalt  }
0x4c: {  	_ =	shalt  }
0x4d: {  	_ =	shalt  }
0x4e: {  	_ =	shalt  }
0x4f: {  	_ =	shalt  }
0x50: {  	_ =	shalt  }
0x51: {  	_ =	shalt  }
0x52: {  	_ =	shalt  }
0x53: {  	_ =	shalt  }
0x54: {  	_ =	shalt  }
0x55: {  	_ =	shalt  }
0x56: {  	_ =	shalt  }
0x57: {  	_ =	shalt  }
0x58: {  	_ =	shalt  }
0x59: {  	_ =	shalt  }
0x5a: {  	_ =	shalt  }
0x5b: {  	_ =	shalt  }
0x5c: {  	_ =	shalt  }
0x5d: {  	_ =	shalt  }
0x5e: {  	_ =	shalt  }
0x5f: {  	_ =	shalt  }
0x60: {  	_ =	shalt  }
0x61: {  	_ =	shalt  }
0x62: {  	_ =	shalt  }
0x63: {  	_ =	shalt  }
0x64: {  	_ =	shalt  }
0x65: {  	_ =	shalt  }
0x66: {  	_ =	shalt  }
0x67: {  	_ =	shalt  }
0x68: {  	_ =	shalt  }
0x69: {  	_ =	shalt  }
0x6a: {  	_ =	shalt  }
0x6b: {  	_ =	shalt  }
0x6c: {  	_ =	shalt  }
0x6d: {  	_ =	shalt  }
0x6e: {  	_ =	shalt  }
0x6f: {  	_ =	shalt  }
0x70: {  	_ =	shalt  }
0x71: {  	_ =	shalt  }
0x72: {  	_ =	shalt  }
0x73: {  	_ =	shalt  }
0x74: {  	_ =	shalt  }
0x75: {  	_ =	shalt  }
0x76: {  	_ =	shalt  }
0x77: {  	_ =	shalt  }
0x78: {  	_ =	shalt  }
0x79: {  	_ =	shalt  }
0x7a: {  	_ =	shalt  }
0x7b: {  	_ =	shalt  }
0x7c: {  	_ =	shalt  }
0x7d: {  	_ =	shalt  }
0x7e: {  	_ =	shalt  }
0x7f: {  	_ =	shalt  }
0x80: {  	_ =	shalt  }
0x81: {  	_ =	shalt  }
0x82: {  	_ =	shalt  }
0x83: {  	_ =	shalt  }
0x84: {  	_ =	shalt  }
0x85: {  	_ =	shalt  }
0x86: {  	_ =	shalt  }
0x87: {  	_ =	shalt  }
.Lfunc_end0:
.L_simem_size_0:
called_computation.2_lowered:
.L_overlay_start_0:
0x88: {  	s2 =	sld [smem:$0x3FD9]  }
0x89: {  	s3 =	sld [smem:$0x3FFE];
	_ =	sdelay $0x1  }
0x8a: {  	s1 =	srdreg.scid  }
0x8b: {  	s0 =	sand.u32 $0x1, s1  }
0x8c: {  	s16 =	sshll.u32 s0, $0xA;
	s2 =	sadd.s32 s3, s2  }
0x8d: {  	s2 =	sadd.s32 s2, s16  }
0x8e: {  	[smem:$0x3FBB] =	sst s2  }
0x8f: {  	_ = 	snop  }
0x90: {  	(tm) =	ssettm $0x1  }
0x91: {  	s17 =	sld [smem:$0x3FFB];
	_ =	sdelay $0x3  }
0x92: {  	_ =	strace s17  }
0x93: {  	s2 =	sld [smem:$0x3FFC];
	_ =	sdelay $0x3  }
0x94: {  	_ =	strace s2  }
0x95: {  	s2 =	sld [smem:$0x3FFD];
	_ =	sdelay $0x3  }
0x96: {  	_ =	strace s2  }
0x97: {  	_ =	strace $0x8FFFFFFF  }
0x98: {  	s18 =	sld [smem:$0x3FDB];
	_ =	sdelay $0x1  }
0x99: {  	s19 =	simm.s32 $_scs_section_size  }
0x9a: {  	s4 =	simm.s32 $_size__tile_overlayer_lowered;
	s5 =	simm.s32 $_tile_overlayer_lowered  }
0x9b: {  	s22 =	simm.s32 $0x1BFF;
	s21 =	sshll.u32 s5, $0x1;
	s2 =	sadd.s32 s19, s18  }
0x9c: {  	s6 =	simm.s32 $0x0;
	s20 =	sshll.u32 s4, $0x1;
	s4 =	sadd.s32 s21, s2  }
0x9d: {  	[timem:s6], [sflag:s22] =	dma.local [hbm:s4], s20  }
0x9e: {  	_ =	swait.ge [sflag:s22], s20  }
0x9f: {  	s3 =	ssub.s32 $0x0, s20;
	[sflag:s22] =	ssyncset.done $0x0  }
0xa0: {  	[sflag:s22] =	ssyncadd.s32 s3;
	_ =	sdelay $0x1  }
0xa1: {  	s23 =	simm.s32 $0x1B8B  }
0xa2: {  	_ =	swait.ge [sflag:s23], $0x1  }
0xa3: {  	[sflag:s23] =	ssyncset.done $0x0  }
0xa4: {  	s25 =	simm.s32 $0x1B8E;
	s24 =	sld [smem:$0x3FFE];
	[sflag:s23] =	ssyncadd.s32 $0xFFFFFFFF  }
0xa5: {  	s26 =	simm.s32 $execute0_lowered;
	[smem:$0x3FD2] =	sst s25  }
0xa6: {  	s4 =	sshll.u32 s26, $0x1;
	_ =	strace $0x8000004C;
	[dreg:$0x1] =	wrdreg $0xFFFFFFFF  }
0xa7: {  	s28 =	simm.s32 $_size_execute0_lowered;
	s2 =	sadd.s32 s2, s4;
	[dreg:$0x0] =	wrdreg $0x0  }
0xa8: {  	s4 =	sshll.u32 s28, $0x1;
	[dreg:$0x2] =	wrdreg s2  }
0xa9: {  	[dreg:$0x3] =	wrdreg s4  }
0xaa: {  	[dreg:$0x4] =	wrdreg $0xC0  }
0xab: {  	_ =	task [dreg:s6], $0x5FFFF  }
0xac: {  	[dreg:$0x1] =	wrdreg $0xFFFFFFFF  }
0xad: {  	[dreg:$0x0] =	wrdreg $0x60  }
0xae: {  	[dreg:$0x2] =	wrdreg s24  }
0xaf: {  	[dreg:$0x3] =	wrdreg $0x0  }
0xb0: {  	[dreg:$0x4] =	wrdreg $0x9  }
0xb1: {  	_ =	task.clear_ibuf [dreg:s6], $0x5FFFF;
	_ =	strace $0x9000004C  }
0xb2: {  	s29 =	simm.s32 $0x9;
	_ =	strace $0x8000004E  }
0xb3: {  	_ =	swait.ge [sflag:s29], $0x1  }
0xb4: {  	[sflag:s29] =	ssyncadd.s32 $0xFFFFFFFF  }
0xb5: {  	_ =	strace $0x9000004E  }
0xb6: {  	_ =	sfence  }
0xb7: {  	s30 =	sld [smem:$0x0];
	_ =	sdelay $0x2  }
0xb8: {  	s31 =	sshll.u32 s1, $0xD;
	s1 =	sshrl.u32 s1, $0x2  }
0xb9: {  	s3 =	sand.u32 $0x4000, s31;
	s1 =	sadd.s32 s1, s30  }
0xba: {  	s0 =	sor.u32 s3, s0;
	s1 =	sshll.u32 s1, $0x11  }
0xbb: {  	s0 =	sor.u32 s1, s0  }
0xbc: {  	s0 =	sadd.s32 $0x8F2B, s0  }
0xbd: {  	[sflag:s0] =	ssyncadd.remote.s32 $0x1  }
0xbe: {  	_ =	sfence.sel $0xFFFF  }
0xbf: {  	[dreg:$0x0] =	wrdreg $0xFFFFFFFF;
	(pc) =	sbr.abs _section_cstart, $3  }
0xc0: {  	[dreg:$0x1] =	wrdreg $0xFFFFFFFF  }
0xc1: {  	_ =	task.clear_ibuf [dreg:s6], $0x2FFFF;
	_ =	strace $0x9FFFFFFF  }
0xc2: {  	(tm) =	ssettm $0x7FFFFFFF  }
0xc3: {  	_ =	shalt  }
tec
execute0_lowered:
.L_overlay_start_1:
0x0: {  	(tag) =	ssettag $0x1  }
0x1: {  	s0 =	rddreg [dreg:$0x0]  }
0x2: {  	s1 =	rddreg [dreg:$0x1]  }
0x3: {  	s3 =	simm.s32 $0x0;
	s2 =	srdreg.scid;
	s21 =	stileid.u32  }
0x4: {  	s28 =	simm.s32 $0x19F00;
	s30 =	simm.s32 $0x13880;
	s31 =	simm.s32 $0x14C80  }
0x5: {  	[smem:$0x7FF] =	sst s3;
	s2 =	sand.u32 $0x1, s2;
	s6 =	smul.u32 $0x13880, s21  }
0x6: {  	s4 =	sadd.s32 $0x3FC00, s0;
	s7 =	sadd.s32 $0x35C00, s0;
	s9 =	smul.u32 $0x5000, s21  }
0x7: {  	s8 =	sadd.s32 $0x21C00, s0;
	s11 =	sadd.s32 $0x2BC00, s0;
	s24 =	smul.u32 $0x4E200, s21  }
0x8: {  	s12 =	sadd.s32 $0x17C00, s0;
	s25 =	smul.u32 $0x2710, s21;
	s21 =	sadd.s32 $0x66E00, s0  }
0x9: {  	s29 =	simm.s32 $0x1;
	s5 =	smul.u32 $0x138800, s2;
	_ =	strace $0x8000004D  }
0xa: {  	s10 =	ssub.s32 $0x2, s2;
	p0 =	sne.s32 s2, $0x0;
	s2 =	simm.s32 $0x16080  }
0xb: {  	s17 =	sshrl.u32 s10, $0x1;
	s14 =	sshrl.u32 s9, $0x3;
	s26 =	sshrl.u32 s24, $0x2  }
0xc: {  	s24 =	sadd.s32 s25, s21;
	s25 =	sadd.s32 s25, s4;
	s5 =	sadd.s32 s6, s5  }
0xd: {  	s6 =	ssub.s32 s10, s17;
	s9 =	sadd.s32 s11, s14;
	s16 =	sadd.s32 $0x280, s14  }
0xe: {  	s18 =	sadd.s32 s12, s14;
	s13 =	sadd.s32 s7, s14;
	[dreg:$0x3] =	wrdreg s9  }
0xf: {  	[dreg:$0x4] =	wrdreg s18;
	s19 =	sadd.s32 s11, s16;
	s18 =	sadd.s32 $0x500, s14  }
0x10: {  	s20 =	sadd.s32 s12, s16;
	s15 =	sadd.s32 s7, s16;
	[dreg:$0x5] =	wrdreg s19  }
0x11: {  	s16 =	sadd.s32 s8, s16;
	s5 =	sshrl.u32 s5, $0x3;
	[dreg:$0x6] =	wrdreg s20  }
0x12: {  	s22 =	sadd.s32 s11, s18;
	s20 =	sadd.s32 $0x780, s14;
	s23 =	sadd.s32 s12, s18  }
0x13: {  	s14 =	sadd.s32 s8, s14;
	s17 =	sadd.s32 s7, s18;
	s18 =	sadd.s32 s8, s18  }
0x14: {  	s5 =	sadd.s32 s5, s0;
	s0 =	simm.s32 $0x7D;
	[dreg:$0x7] =	wrdreg s22  }
0x15: {  	[dreg:$0x8] =	wrdreg s23;
	s11 =	sadd.s32 s11, s20;
	s12 =	sadd.s32 s12, s20  }
0x16: {  	s19 =	sadd.s32 s7, s20;
	s20 =	sadd.s32 s8, s20;
	s22 =	smax.u32 s6, $0x1  }
0x17: {  	s23 =	sadd.s32 s26, s1;
	s26 =	sadd.s32 $0x8E000, s5;
	s5 =	simm.s32 $0x0  }
.LBB2_1:
.Ltmp0:
0x18: {  	(pc) =	sbr.rel @p0 .LBB2_13-.Ltmp0, $1  }
0x19: {  	_ =	sdelay $0x3  }
0x1a: {  	s6 =	sadd.s32 $0x0, s25  }
0x1b: {  	[tilespmem:s28], [sflag:$0x1] =	stream.linear.gather [hbm4b:s6+s3], $0xC80, $0x38;
	[tilespmem:$0x1AB80] =	vst v63  }
0x1c: {  	_ =	swait.ge [sflag:s29], $0xC80  }
0x1d: {  	[sflag:s29] =	ssyncset.done $0x0  }
0x1e: {  	[sflag:s29] =	ssyncadd.s32 $0xFFFFF380  }
0x1f: {  	[spmem:s23] =	stream.linear.scatter [tilespmem:s28], [sflag:$0x1], $0xC80, $0x38;
	[tilespmem:$0x1AB80] =	vst v63  }
0x20: {  	s7 =	simm.s32 $0x190;
	_ =	swait.ge [sflag:s29], $0xC80  }
0x21: {  	s8 =	simm.s32 $0x320;
	s6 =	sadd.s32 $0xC80, s23;
	[sflag:s29] =	ssyncset.done $0x0  }
.LBB2_3:
0x22: {  	s9 =	sadd.s32 s7, s25  }
0x23: {  	[sflag:s29] =	ssyncadd.s32 $0xFFFFF380;
	s7 =	smov.u32 s8;
	s10 =	sadd.s32 $0x190, s8  }
0x24: {  	[tilespmem:s28], [sflag:$0x1] =	stream.linear.gather [hbm4b:s9+s3], $0xC80, $0x38;
	[tilespmem:$0x1AB80] =	vst v63  }
0x25: {  	p1 =	seq.s32 s8, $0x2580;
	_ =	swait.ge [sflag:s29], $0xC80  }
.Ltmp1:
0x26: {  	[sflag:s29] =	ssyncset.done $0x0;
	(pc) =	sbr.rel @!p1 .LBB2_3-.Ltmp1, $4  }
0x27: {  	[sflag:s29] =	ssyncadd.s32 $0xFFFFF380  }
0x28: {  	[spmem:s6] =	stream.linear.scatter [tilespmem:s28], [sflag:$0x1], $0xC80, $0x38;
	[tilespmem:$0x1AB80] =	vst v63  }
0x29: {  	_ =	swait.ge [sflag:s29], $0xC80  }
0x2a: {  	s8 =	smov.u32 s10;
	s6 =	sadd.s32 $0xC80, s6;
	[sflag:s29] =	ssyncset.done $0x0  }
0x2b: {  	s7 =	sadd.s32 s7, s25;
	[sflag:s29] =	ssyncadd.s32 $0xFFFFF380  }
0x2c: {  	[tilespmem:s28], [sflag:$0x1] =	stream.linear.gather [hbm4b:s7+s3], $0xC80, $0x38;
	[tilespmem:$0x1AB80] =	vst v63  }
0x2d: {  	_ =	swait.ge [sflag:s29], $0xC80  }
0x2e: {  	[sflag:s29] =	ssyncset.done $0x0  }
0x2f: {  	[sflag:s29] =	ssyncadd.s32 $0xFFFFF380  }
0x30: {  	[spmem:s6] =	stream.linear.scatter [tilespmem:s28], [sflag:$0x1], $0xC80, $0x38;
	[tilespmem:$0x1AB80] =	vst v63  }
0x31: {  	_ =	swait.ge [sflag:s29], $0xC80  }
0x32: {  	[sflag:s29] =	ssyncset.done $0x0  }
0x33: {  	[sflag:s29] =	ssyncadd.s32 $0xFFFFF380  }
0x34: {  	s8 =	simm.s32 $0x0;
	[bflag:$0x0] =	sbarrier.arrive $0xFFFF  }
0x35: {  	[tilespmem:s30], [sflag:$0x1] =	stream.linear.gather [hbm4b:s13+s8], $0x1400, $0x38;
	[tilespmem:$0x1AB80] =	vst v63  }
0x36: {  	_ =	swait.ge [sflag:s29], $0x1400  }
0x37: {  	[sflag:s29] =	ssyncset.done $0x0  }
0x38: {  	[sflag:s29] =	ssyncadd.s32 $0xFFFFEC00  }
0x39: {  	[tilespmem:s31], [sflag:$0x1] =	stream.linear.gather [hbm4b:s14+s8], $0x1400, $0x38;
	[tilespmem:$0x1AB80] =	vst v63  }
0x3a: {  	_ =	swait.ge [sflag:s29], $0x1400  }
0x3b: {  	[sflag:s29] =	ssyncset.done $0x0  }
0x3c: {  	s9 =	simm.s32 $0x13880;
	[sflag:s29] =	ssyncadd.s32 $0xFFFFEC00  }
0x3d: {  	[tilespmem:s2], [sflag:$0x1] =	stream.indirect.gather [hbm4b:s4+s0], $0x80, s9, s0, $0xb8;
	[tilespmem:$0x1AB80] =	vst v63  }
0x3e: {  	_ =	swait.ge [sflag:s29], $0x3E80  }
0x3f: {  	[sflag:s29] =	ssyncset.done $0x0  }
0x40: {  	s10 =	simm.s32 $0x14C80;
	[sflag:s29] =	ssyncadd.s32 $0xFFFFC180  }
0x41: {  	[spmem:s1] =	stream.indirect.scatter.add.f32 [tilespmem:s2], [sflag:$0x1], $0x80, s10, s0, $0xb8;
	[tilespmem:$0x1AB80] =	vst v63  }
0x42: {  	_ =	swait.ge [sflag:s29], $0x3E80  }
0x43: {  	s7 =	simm.s32 $0x400;
	s6 =	simm.s32 $0x80;
	[sflag:s29] =	ssyncset.done $0x0  }
.LBB2_5:
0x44: {  	s8 =	sadd.s32 $0x13880, s6  }
0x45: {  	[sflag:s29] =	ssyncadd.s32 $0xFFFFC180;
	s9 =	smov.u32 s7;
	s10 =	sadd.s32 $0x200, s7  }
0x46: {  	[tilespmem:s2], [sflag:$0x1] =	stream.indirect.gather [hbm4b:s4+s0], $0x80, s8, s0, $0xb8;
	[tilespmem:$0x1AB80] =	vst v63  }
0x47: {  	p1 =	sne.s32 s7, $0x4E00;
	_ =	swait.ge [sflag:s29], $0x3E80  }
.Ltmp2:
0x48: {  	[sflag:s29] =	ssyncset.done $0x0;
	(pc) =	sbr.rel @p1 .LBB2_5-.Ltmp2, $4  }
0x49: {  	s6 =	sadd.s32 $0x14C80, s6;
	[sflag:s29] =	ssyncadd.s32 $0xFFFFC180  }
0x4a: {  	[spmem:s1] =	stream.indirect.scatter.add.f32 [tilespmem:s2], [sflag:$0x1], $0x80, s6, s0, $0xb8;
	[tilespmem:$0x1AB80] =	vst v63  }
0x4b: {  	_ =	swait.ge [sflag:s29], $0x3E80  }
0x4c: {  	s7 =	smov.u32 s10;
	s6 =	sshra.s32 s9, $0x2;
	[sflag:s29] =	ssyncset.done $0x0  }
0x4d: {  	s7 =	sadd.s32 $0x13880, s6;
	[sflag:s29] =	ssyncadd.s32 $0xFFFFC180  }
0x4e: {  	[tilespmem:s2], [sflag:$0x1] =	stream.indirect.gather [hbm4b:s4+s0], $0x80, s7, s0, $0xb8;
	[tilespmem:$0x1AB80] =	vst v63  }
0x4f: {  	_ =	swait.ge [sflag:s29], $0x3E80  }
0x50: {  	[sflag:s29] =	ssyncset.done $0x0  }
0x51: {  	s7 =	sadd.s32 $0x14C80, s6;
	[sflag:s29] =	ssyncadd.s32 $0xFFFFC180  }
0x52: {  	[spmem:s1] =	stream.indirect.scatter.add.f32 [tilespmem:s2], [sflag:$0x1], $0x80, s7, s0, $0xb8;
	[tilespmem:$0x1AB80] =	vst v63  }
0x53: {  	_ =	swait.ge [sflag:s29], $0x3E80  }
0x54: {  	[sflag:s29] =	ssyncset.done $0x0  }
0x55: {  	s8 =	simm.s32 $0x0;
	[sflag:s29] =	ssyncadd.s32 $0xFFFFC180  }
0x56: {  	[tilespmem:s30], [sflag:$0x1] =	stream.linear.gather [hbm4b:s15+s8], $0x1400, $0x38;
	[tilespmem:$0x1AB80] =	vst v63  }
0x57: {  	_ =	swait.ge [sflag:s29], $0x1400  }
0x58: {  	[sflag:s29] =	ssyncset.done $0x0  }
0x59: {  	[sflag:s29] =	ssyncadd.s32 $0xFFFFEC00  }
0x5a: {  	[tilespmem:s31], [sflag:$0x1] =	stream.linear.gather [hbm4b:s16+s8], $0x1400, $0x38;
	[tilespmem:$0x1AB80] =	vst v63  }
0x5b: {  	_ =	swait.ge [sflag:s29], $0x1400  }
0x5c: {  	[sflag:s29] =	ssyncset.done $0x0  }
0x5d: {  	s9 =	simm.s32 $0x13880;
	[sflag:s29] =	ssyncadd.s32 $0xFFFFEC00  }
0x5e: {  	[tilespmem:s2], [sflag:$0x1] =	stream.indirect.gather [hbm4b:s4+s0], $0x80, s9, s0, $0xb8;
	[tilespmem:$0x1AB80] =	vst v63  }
0x5f: {  	_ =	swait.ge [sflag:s29], $0x3E80  }
0x60: {  	[sflag:s29] =	ssyncset.done $0x0  }
0x61: {  	s10 =	simm.s32 $0x14C80;
	[sflag:s29] =	ssyncadd.s32 $0xFFFFC180  }
0x62: {  	[spmem:s1] =	stream.indirect.scatter.add.f32 [tilespmem:s2], [sflag:$0x1], $0x80, s10, s0, $0xb8;
	[tilespmem:$0x1AB80] =	vst v63  }
0x63: {  	_ =	swait.ge [sflag:s29], $0x3E80  }
0x64: {  	s6 =	simm.s32 $0x80;
	s7 =	simm.s32 $0x400;
	[sflag:s29] =	ssyncset.done $0x0  }
.LBB2_7:
0x65: {  	s8 =	sadd.s32 $0x13880, s6  }
0x66: {  	[sflag:s29] =	ssyncadd.s32 $0xFFFFC180;
	s9 =	smov.u32 s7;
	s10 =	sadd.s32 $0x200, s7  }
0x67: {  	[tilespmem:s2], [sflag:$0x1] =	stream.indirect.gather [hbm4b:s4+s0], $0x80, s8, s0, $0xb8;
	[tilespmem:$0x1AB80] =	vst v63  }
0x68: {  	p1 =	sne.s32 s7, $0x4E00;
	_ =	swait.ge [sflag:s29], $0x3E80  }
.Ltmp3:
0x69: {  	[sflag:s29] =	ssyncset.done $0x0;
	(pc) =	sbr.rel @p1 .LBB2_7-.Ltmp3, $4  }
0x6a: {  	s6 =	sadd.s32 $0x14C80, s6;
	[sflag:s29] =	ssyncadd.s32 $0xFFFFC180  }
0x6b: {  	[spmem:s1] =	stream.indirect.scatter.add.f32 [tilespmem:s2], [sflag:$0x1], $0x80, s6, s0, $0xb8;
	[tilespmem:$0x1AB80] =	vst v63  }
0x6c: {  	_ =	swait.ge [sflag:s29], $0x3E80  }
0x6d: {  	s7 =	smov.u32 s10;
	s6 =	sshra.s32 s9, $0x2;
	[sflag:s29] =	ssyncset.done $0x0  }
0x6e: {  	s7 =	sadd.s32 $0x13880, s6;
	[sflag:s29] =	ssyncadd.s32 $0xFFFFC180  }
0x6f: {  	[tilespmem:s2], [sflag:$0x1] =	stream.indirect.gather [hbm4b:s4+s0], $0x80, s7, s0, $0xb8;
	[tilespmem:$0x1AB80] =	vst v63  }
0x70: {  	_ =	swait.ge [sflag:s29], $0x3E80  }
0x71: {  	[sflag:s29] =	ssyncset.done $0x0  }
0x72: {  	s7 =	sadd.s32 $0x14C80, s6;
	[sflag:s29] =	ssyncadd.s32 $0xFFFFC180  }
0x73: {  	[spmem:s1] =	stream.indirect.scatter.add.f32 [tilespmem:s2], [sflag:$0x1], $0x80, s7, s0, $0xb8;
	[tilespmem:$0x1AB80] =	vst v63  }
0x74: {  	_ =	swait.ge [sflag:s29], $0x3E80  }
0x75: {  	[sflag:s29] =	ssyncset.done $0x0  }
0x76: {  	s8 =	simm.s32 $0x0;
	[sflag:s29] =	ssyncadd.s32 $0xFFFFC180  }
0x77: {  	[tilespmem:s30], [sflag:$0x1] =	stream.linear.gather [hbm4b:s17+s8], $0x1400, $0x38;
	[tilespmem:$0x1AB80] =	vst v63  }
0x78: {  	_ =	swait.ge [sflag:s29], $0x1400  }
0x79: {  	[sflag:s29] =	ssyncset.done $0x0  }
0x7a: {  	[sflag:s29] =	ssyncadd.s32 $0xFFFFEC00  }
0x7b: {  	[tilespmem:s31], [sflag:$0x1] =	stream.linear.gather [hbm4b:s18+s8], $0x1400, $0x38;
	[tilespmem:$0x1AB80] =	vst v63  }
0x7c: {  	_ =	swait.ge [sflag:s29], $0x1400  }
0x7d: {  	[sflag:s29] =	ssyncset.done $0x0  }
0x7e: {  	s9 =	simm.s32 $0x13880;
	[sflag:s29] =	ssyncadd.s32 $0xFFFFEC00  }
0x7f: {  	[tilespmem:s2], [sflag:$0x1] =	stream.indirect.gather [hbm4b:s4+s0], $0x80, s9, s0, $0xb8;
	[tilespmem:$0x1AB80] =	vst v63  }
0x80: {  	_ =	swait.ge [sflag:s29], $0x3E80  }
0x81: {  	[sflag:s29] =	ssyncset.done $0x0  }
0x82: {  	s10 =	simm.s32 $0x14C80;
	[sflag:s29] =	ssyncadd.s32 $0xFFFFC180  }
0x83: {  	[spmem:s1] =	stream.indirect.scatter.add.f32 [tilespmem:s2], [sflag:$0x1], $0x80, s10, s0, $0xb8;
	[tilespmem:$0x1AB80] =	vst v63  }
0x84: {  	_ =	swait.ge [sflag:s29], $0x3E80  }
0x85: {  	s6 =	simm.s32 $0x80;
	s7 =	simm.s32 $0x400;
	[sflag:s29] =	ssyncset.done $0x0  }
.LBB2_9:
0x86: {  	s8 =	sadd.s32 $0x13880, s6  }
0x87: {  	[sflag:s29] =	ssyncadd.s32 $0xFFFFC180;
	s9 =	smov.u32 s7;
	s10 =	sadd.s32 $0x200, s7  }
0x88: {  	[tilespmem:s2], [sflag:$0x1] =	stream.indirect.gather [hbm4b:s4+s0], $0x80, s8, s0, $0xb8;
	[tilespmem:$0x1AB80] =	vst v63  }
0x89: {  	p1 =	sne.s32 s7, $0x4E00;
	_ =	swait.ge [sflag:s29], $0x3E80  }
.Ltmp4:
0x8a: {  	[sflag:s29] =	ssyncset.done $0x0;
	(pc) =	sbr.rel @p1 .LBB2_9-.Ltmp4, $4  }
0x8b: {  	s6 =	sadd.s32 $0x14C80, s6;
	[sflag:s29] =	ssyncadd.s32 $0xFFFFC180  }
0x8c: {  	[spmem:s1] =	stream.indirect.scatter.add.f32 [tilespmem:s2], [sflag:$0x1], $0x80, s6, s0, $0xb8;
	[tilespmem:$0x1AB80] =	vst v63  }
0x8d: {  	_ =	swait.ge [sflag:s29], $0x3E80  }
0x8e: {  	s7 =	smov.u32 s10;
	s6 =	sshra.s32 s9, $0x2;
	[sflag:s29] =	ssyncset.done $0x0  }
0x8f: {  	s7 =	sadd.s32 $0x13880, s6;
	[sflag:s29] =	ssyncadd.s32 $0xFFFFC180  }
0x90: {  	[tilespmem:s2], [sflag:$0x1] =	stream.indirect.gather [hbm4b:s4+s0], $0x80, s7, s0, $0xb8;
	[tilespmem:$0x1AB80] =	vst v63  }
0x91: {  	_ =	swait.ge [sflag:s29], $0x3E80  }
0x92: {  	[sflag:s29] =	ssyncset.done $0x0  }
0x93: {  	s7 =	sadd.s32 $0x14C80, s6;
	[sflag:s29] =	ssyncadd.s32 $0xFFFFC180  }
0x94: {  	[spmem:s1] =	stream.indirect.scatter.add.f32 [tilespmem:s2], [sflag:$0x1], $0x80, s7, s0, $0xb8;
	[tilespmem:$0x1AB80] =	vst v63  }
0x95: {  	_ =	swait.ge [sflag:s29], $0x3E80  }
0x96: {  	[sflag:s29] =	ssyncset.done $0x0  }
0x97: {  	s8 =	simm.s32 $0x0;
	[sflag:s29] =	ssyncadd.s32 $0xFFFFC180  }
0x98: {  	[tilespmem:s30], [sflag:$0x1] =	stream.linear.gather [hbm4b:s19+s8], $0x1400, $0x38;
	[tilespmem:$0x1AB80] =	vst v63  }
0x99: {  	_ =	swait.ge [sflag:s29], $0x1400  }
0x9a: {  	[sflag:s29] =	ssyncset.done $0x0  }
0x9b: {  	[sflag:s29] =	ssyncadd.s32 $0xFFFFEC00  }
0x9c: {  	[tilespmem:s31], [sflag:$0x1] =	stream.linear.gather [hbm4b:s20+s8], $0x1400, $0x38;
	[tilespmem:$0x1AB80] =	vst v63  }
0x9d: {  	_ =	swait.ge [sflag:s29], $0x1400  }
0x9e: {  	[sflag:s29] =	ssyncset.done $0x0  }
0x9f: {  	s9 =	simm.s32 $0x13880;
	[sflag:s29] =	ssyncadd.s32 $0xFFFFEC00  }
0xa0: {  	[tilespmem:s2], [sflag:$0x1] =	stream.indirect.gather [hbm4b:s4+s0], $0x80, s9, s0, $0xb8;
	[tilespmem:$0x1AB80] =	vst v63  }
0xa1: {  	_ =	swait.ge [sflag:s29], $0x3E80  }
0xa2: {  	[sflag:s29] =	ssyncset.done $0x0  }
0xa3: {  	s10 =	simm.s32 $0x14C80;
	[sflag:s29] =	ssyncadd.s32 $0xFFFFC180  }
0xa4: {  	[spmem:s1] =	stream.indirect.scatter.add.f32 [tilespmem:s2], [sflag:$0x1], $0x80, s10, s0, $0xb8;
	[tilespmem:$0x1AB80] =	vst v63  }
0xa5: {  	_ =	swait.ge [sflag:s29], $0x3E80  }
0xa6: {  	s6 =	simm.s32 $0x80;
	s7 =	simm.s32 $0x400;
	[sflag:s29] =	ssyncset.done $0x0  }
.LBB2_11:
0xa7: {  	s8 =	sadd.s32 $0x13880, s6  }
0xa8: {  	[sflag:s29] =	ssyncadd.s32 $0xFFFFC180;
	s9 =	smov.u32 s7;
	s10 =	sadd.s32 $0x200, s7  }
0xa9: {  	[tilespmem:s2], [sflag:$0x1] =	stream.indirect.gather [hbm4b:s4+s0], $0x80, s8, s0, $0xb8;
	[tilespmem:$0x1AB80] =	vst v63  }
0xaa: {  	p1 =	seq.s32 s7, $0x4E00;
	_ =	swait.ge [sflag:s29], $0x3E80  }
.Ltmp5:
0xab: {  	[sflag:s29] =	ssyncset.done $0x0;
	(pc) =	sbr.rel @!p1 .LBB2_11-.Ltmp5, $4  }
0xac: {  	s6 =	sadd.s32 $0x14C80, s6;
	[sflag:s29] =	ssyncadd.s32 $0xFFFFC180  }
0xad: {  	[spmem:s1] =	stream.indirect.scatter.add.f32 [tilespmem:s2], [sflag:$0x1], $0x80, s6, s0, $0xb8;
	[tilespmem:$0x1AB80] =	vst v63  }
0xae: {  	_ =	swait.ge [sflag:s29], $0x3E80  }
0xaf: {  	s7 =	smov.u32 s10;
	s6 =	sshra.s32 s9, $0x2;
	[sflag:s29] =	ssyncset.done $0x0  }
0xb0: {  	s7 =	sadd.s32 $0x13880, s6;
	[sflag:s29] =	ssyncadd.s32 $0xFFFFC180  }
0xb1: {  	[tilespmem:s2], [sflag:$0x1] =	stream.indirect.gather [hbm4b:s4+s0], $0x80, s7, s0, $0xb8;
	[tilespmem:$0x1AB80] =	vst v63  }
0xb2: {  	_ =	swait.ge [sflag:s29], $0x3E80  }
0xb3: {  	[sflag:s29] =	ssyncset.done $0x0  }
.Ltmp6:
0xb4: {  	s10 =	sadd.s32 $0x14C80, s6;
	[sflag:s29] =	ssyncadd.s32 $0xFFFFC180;
	(pc) =	sbr.rel .LBB2_24-.Ltmp6, $4  }
0xb5: {  	[spmem:s1] =	stream.indirect.scatter.add.f32 [tilespmem:s2], [sflag:$0x1], $0x80, s10, s0, $0xb8;
	[tilespmem:$0x1AB80] =	vst v63  }
0xb6: {  	_ =	swait.ge [sflag:s29], $0x3E80  }
0xb7: {  	[sflag:s29] =	ssyncset.done $0x0  }
0xb8: {  	[sflag:s29] =	ssyncadd.s32 $0xFFFFC180  }
.LBB2_13:
0xb9: {  	s6 =	sadd.s32 $0x0, s24  }
0xba: {  	[tilespmem:s28], [sflag:$0x1] =	stream.linear.gather [hbm4b:s6+s3], $0xC80, $0x38;
	[tilespmem:$0x1AB80] =	vst v63  }
0xbb: {  	_ =	swait.ge [sflag:s29], $0xC80  }
0xbc: {  	[sflag:s29] =	ssyncset.done $0x0  }
0xbd: {  	[sflag:s29] =	ssyncadd.s32 $0xFFFFF380  }
0xbe: {  	[spmem:s23] =	stream.linear.scatter [tilespmem:s28], [sflag:$0x1], $0xC80, $0x38;
	[tilespmem:$0x1AB80] =	vst v63  }
0xbf: {  	s7 =	simm.s32 $0x190;
	_ =	swait.ge [sflag:s29], $0xC80  }
0xc0: {  	s8 =	simm.s32 $0x320;
	s6 =	sadd.s32 $0xC80, s23;
	[sflag:s29] =	ssyncset.done $0x0  }
.LBB2_14:
0xc1: {  	s9 =	sadd.s32 s7, s24  }
0xc2: {  	[sflag:s29] =	ssyncadd.s32 $0xFFFFF380;
	s7 =	smov.u32 s8;
	s10 =	sadd.s32 $0x190, s8  }
0xc3: {  	[tilespmem:s28], [sflag:$0x1] =	stream.linear.gather [hbm4b:s9+s3], $0xC80, $0x38;
	[tilespmem:$0x1AB80] =	vst v63  }
0xc4: {  	p1 =	seq.s32 s8, $0x2580;
	_ =	swait.ge [sflag:s29], $0xC80  }
.Ltmp7:
0xc5: {  	[sflag:s29] =	ssyncset.done $0x0;
	(pc) =	sbr.rel @!p1 .LBB2_14-.Ltmp7, $4  }
0xc6: {  	[sflag:s29] =	ssyncadd.s32 $0xFFFFF380  }
0xc7: {  	[spmem:s6] =	stream.linear.scatter [tilespmem:s28], [sflag:$0x1], $0xC80, $0x38;
	[tilespmem:$0x1AB80] =	vst v63  }
0xc8: {  	_ =	swait.ge [sflag:s29], $0xC80  }
0xc9: {  	s8 =	smov.u32 s10;
	s6 =	sadd.s32 $0xC80, s6;
	[sflag:s29] =	ssyncset.done $0x0  }
0xca: {  	s7 =	sadd.s32 s7, s24;
	[sflag:s29] =	ssyncadd.s32 $0xFFFFF380  }
0xcb: {  	[tilespmem:s28], [sflag:$0x1] =	stream.linear.gather [hbm4b:s7+s3], $0xC80, $0x38;
	[tilespmem:$0x1AB80] =	vst v63  }
0xcc: {  	_ =	swait.ge [sflag:s29], $0xC80  }
0xcd: {  	[sflag:s29] =	ssyncset.done $0x0  }
0xce: {  	[sflag:s29] =	ssyncadd.s32 $0xFFFFF380  }
0xcf: {  	[spmem:s6] =	stream.linear.scatter [tilespmem:s28], [sflag:$0x1], $0xC80, $0x38;
	[tilespmem:$0x1AB80] =	vst v63  }
0xd0: {  	_ =	swait.ge [sflag:s29], $0xC80  }
0xd1: {  	[sflag:s29] =	ssyncset.done $0x0  }
0xd2: {  	[sflag:s29] =	ssyncadd.s32 $0xFFFFF380  }
0xd3: {  	[bflag:$0x0] =	sbarrier.arrive $0xFFFF  }
0xd4: {  	s9 =	simm.s32 $0x0;
	s10 =	rddreg [dreg:$0x3]  }
0xd5: {  	[tilespmem:s30], [sflag:$0x1] =	stream.linear.gather [hbm4b:s10+s9], $0x1400, $0x38;
	[tilespmem:$0x1AB80] =	vst v63  }
0xd6: {  	_ =	swait.ge [sflag:s29], $0x1400  }
0xd7: {  	[sflag:s29] =	ssyncset.done $0x0  }
0xd8: {  	s8 =	rddreg [dreg:$0x4];
	[sflag:s29] =	ssyncadd.s32 $0xFFFFEC00  }
0xd9: {  	[tilespmem:s31], [sflag:$0x1] =	stream.linear.gather [hbm4b:s8+s9], $0x1400, $0x38;
	[tilespmem:$0x1AB80] =	vst v63  }
0xda: {  	_ =	swait.ge [sflag:s29], $0x1400  }
0xdb: {  	[sflag:s29] =	ssyncset.done $0x0  }
0xdc: {  	s9 =	simm.s32 $0x13880;
	[sflag:s29] =	ssyncadd.s32 $0xFFFFEC00  }
0xdd: {  	[tilespmem:s2], [sflag:$0x1] =	stream.indirect.gather [hbm4b:s21+s0], $0x80, s9, s0, $0xb8;
	[tilespmem:$0x1AB80] =	vst v63  }
0xde: {  	_ =	swait.ge [sflag:s29], $0x3E80  }
0xdf: {  	[sflag:s29] =	ssyncset.done $0x0  }
0xe0: {  	s10 =	simm.s32 $0x14C80;
	[sflag:s29] =	ssyncadd.s32 $0xFFFFC180  }
0xe1: {  	[spmem:s1] =	stream.indirect.scatter.add.f32 [tilespmem:s2], [sflag:$0x1], $0x80, s10, s0, $0xb8;
	[tilespmem:$0x1AB80] =	vst v63  }
0xe2: {  	_ =	swait.ge [sflag:s29], $0x3E80  }
0xe3: {  	s7 =	simm.s32 $0x400;
	s6 =	simm.s32 $0x80;
	[sflag:s29] =	ssyncset.done $0x0  }
.LBB2_16:
0xe4: {  	s8 =	sadd.s32 $0x13880, s6  }
0xe5: {  	[sflag:s29] =	ssyncadd.s32 $0xFFFFC180;
	s9 =	smov.u32 s7;
	s10 =	sadd.s32 $0x200, s7  }
0xe6: {  	[tilespmem:s2], [sflag:$0x1] =	stream.indirect.gather [hbm4b:s21+s0], $0x80, s8, s0, $0xb8;
	[tilespmem:$0x1AB80] =	vst v63  }
0xe7: {  	p1 =	sne.s32 s7, $0x4E00;
	_ =	swait.ge [sflag:s29], $0x3E80  }
.Ltmp8:
0xe8: {  	[sflag:s29] =	ssyncset.done $0x0;
	(pc) =	sbr.rel @p1 .LBB2_16-.Ltmp8, $4  }
0xe9: {  	s6 =	sadd.s32 $0x14C80, s6;
	[sflag:s29] =	ssyncadd.s32 $0xFFFFC180  }
0xea: {  	[spmem:s1] =	stream.indirect.scatter.add.f32 [tilespmem:s2], [sflag:$0x1], $0x80, s6, s0, $0xb8;
	[tilespmem:$0x1AB80] =	vst v63  }
0xeb: {  	_ =	swait.ge [sflag:s29], $0x3E80  }
0xec: {  	s7 =	smov.u32 s10;
	s6 =	sshra.s32 s9, $0x2;
	[sflag:s29] =	ssyncset.done $0x0  }
0xed: {  	s7 =	sadd.s32 $0x13880, s6;
	[sflag:s29] =	ssyncadd.s32 $0xFFFFC180  }
0xee: {  	[tilespmem:s2], [sflag:$0x1] =	stream.indirect.gather [hbm4b:s21+s0], $0x80, s7, s0, $0xb8;
	[tilespmem:$0x1AB80] =	vst v63  }
0xef: {  	_ =	swait.ge [sflag:s29], $0x3E80  }
0xf0: {  	[sflag:s29] =	ssyncset.done $0x0  }
0xf1: {  	s8 =	sadd.s32 $0x14C80, s6;
	[sflag:s29] =	ssyncadd.s32 $0xFFFFC180  }
0xf2: {  	[spmem:s1] =	stream.indirect.scatter.add.f32 [tilespmem:s2], [sflag:$0x1], $0x80, s8, s0, $0xb8;
	[tilespmem:$0x1AB80] =	vst v63  }
0xf3: {  	_ =	swait.ge [sflag:s29], $0x3E80  }
0xf4: {  	[sflag:s29] =	ssyncset.done $0x0  }
0xf5: {  	s9 =	simm.s32 $0x0;
	s10 =	rddreg [dreg:$0x5];
	[sflag:s29] =	ssyncadd.s32 $0xFFFFC180  }
0xf6: {  	[tilespmem:s30], [sflag:$0x1] =	stream.linear.gather [hbm4b:s10+s9], $0x1400, $0x38;
	[tilespmem:$0x1AB80] =	vst v63  }
0xf7: {  	_ =	swait.ge [sflag:s29], $0x1400  }
0xf8: {  	[sflag:s29] =	ssyncset.done $0x0  }
0xf9: {  	s8 =	rddreg [dreg:$0x6];
	[sflag:s29] =	ssyncadd.s32 $0xFFFFEC00  }
0xfa: {  	[tilespmem:s31], [sflag:$0x1] =	stream.linear.gather [hbm4b:s8+s9], $0x1400, $0x38;
	[tilespmem:$0x1AB80] =	vst v63  }
0xfb: {  	_ =	swait.ge [sflag:s29], $0x1400  }
0xfc: {  	[sflag:s29] =	ssyncset.done $0x0  }
0xfd: {  	s9 =	simm.s32 $0x13880;
	[sflag:s29] =	ssyncadd.s32 $0xFFFFEC00  }
0xfe: {  	[tilespmem:s2], [sflag:$0x1] =	stream.indirect.gather [hbm4b:s21+s0], $0x80, s9, s0, $0xb8;
	[tilespmem:$0x1AB80] =	vst v63  }
0xff: {  	_ =	swait.ge [sflag:s29], $0x3E80  }
0x100: {  	[sflag:s29] =	ssyncset.done $0x0  }
0x101: {  	s10 =	simm.s32 $0x14C80;
	[sflag:s29] =	ssyncadd.s32 $0xFFFFC180  }
0x102: {  	[spmem:s1] =	stream.indirect.scatter.add.f32 [tilespmem:s2], [sflag:$0x1], $0x80, s10, s0, $0xb8;
	[tilespmem:$0x1AB80] =	vst v63  }
0x103: {  	_ =	swait.ge [sflag:s29], $0x3E80  }
0x104: {  	s6 =	simm.s32 $0x80;
	s7 =	simm.s32 $0x400;
	[sflag:s29] =	ssyncset.done $0x0  }
.LBB2_18:
0x105: {  	s8 =	sadd.s32 $0x13880, s6  }
0x106: {  	[sflag:s29] =	ssyncadd.s32 $0xFFFFC180;
	s9 =	smov.u32 s7;
	s10 =	sadd.s32 $0x200, s7  }
0x107: {  	[tilespmem:s2], [sflag:$0x1] =	stream.indirect.gather [hbm4b:s21+s0], $0x80, s8, s0, $0xb8;
	[tilespmem:$0x1AB80] =	vst v63  }
0x108: {  	p1 =	sne.s32 s7, $0x4E00;
	_ =	swait.ge [sflag:s29], $0x3E80  }
.Ltmp9:
0x109: {  	[sflag:s29] =	ssyncset.done $0x0;
	(pc) =	sbr.rel @p1 .LBB2_18-.Ltmp9, $4  }
0x10a: {  	s6 =	sadd.s32 $0x14C80, s6;
	[sflag:s29] =	ssyncadd.s32 $0xFFFFC180  }
0x10b: {  	[spmem:s1] =	stream.indirect.scatter.add.f32 [tilespmem:s2], [sflag:$0x1], $0x80, s6, s0, $0xb8;
	[tilespmem:$0x1AB80] =	vst v63  }
0x10c: {  	_ =	swait.ge [sflag:s29], $0x3E80  }
0x10d: {  	s7 =	smov.u32 s10;
	s6 =	sshra.s32 s9, $0x2;
	[sflag:s29] =	ssyncset.done $0x0  }
0x10e: {  	s7 =	sadd.s32 $0x13880, s6;
	[sflag:s29] =	ssyncadd.s32 $0xFFFFC180  }
0x10f: {  	[tilespmem:s2], [sflag:$0x1] =	stream.indirect.gather [hbm4b:s21+s0], $0x80, s7, s0, $0xb8;
	[tilespmem:$0x1AB80] =	vst v63  }
0x110: {  	_ =	swait.ge [sflag:s29], $0x3E80  }
0x111: {  	[sflag:s29] =	ssyncset.done $0x0  }
0x112: {  	s8 =	sadd.s32 $0x14C80, s6;
	[sflag:s29] =	ssyncadd.s32 $0xFFFFC180  }
0x113: {  	[spmem:s1] =	stream.indirect.scatter.add.f32 [tilespmem:s2], [sflag:$0x1], $0x80, s8, s0, $0xb8;
	[tilespmem:$0x1AB80] =	vst v63  }
0x114: {  	_ =	swait.ge [sflag:s29], $0x3E80  }
0x115: {  	[sflag:s29] =	ssyncset.done $0x0  }
0x116: {  	s9 =	simm.s32 $0x0;
	s10 =	rddreg [dreg:$0x7];
	[sflag:s29] =	ssyncadd.s32 $0xFFFFC180  }
0x117: {  	[tilespmem:s30], [sflag:$0x1] =	stream.linear.gather [hbm4b:s10+s9], $0x1400, $0x38;
	[tilespmem:$0x1AB80] =	vst v63  }
0x118: {  	_ =	swait.ge [sflag:s29], $0x1400  }
0x119: {  	[sflag:s29] =	ssyncset.done $0x0  }
0x11a: {  	s8 =	rddreg [dreg:$0x8];
	[sflag:s29] =	ssyncadd.s32 $0xFFFFEC00  }
0x11b: {  	[tilespmem:s31], [sflag:$0x1] =	stream.linear.gather [hbm4b:s8+s9], $0x1400, $0x38;
	[tilespmem:$0x1AB80] =	vst v63  }
0x11c: {  	_ =	swait.ge [sflag:s29], $0x1400  }
0x11d: {  	[sflag:s29] =	ssyncset.done $0x0  }
0x11e: {  	s9 =	simm.s32 $0x13880;
	[sflag:s29] =	ssyncadd.s32 $0xFFFFEC00  }
0x11f: {  	[tilespmem:s2], [sflag:$0x1] =	stream.indirect.gather [hbm4b:s21+s0], $0x80, s9, s0, $0xb8;
	[tilespmem:$0x1AB80] =	vst v63  }
0x120: {  	_ =	swait.ge [sflag:s29], $0x3E80  }
0x121: {  	[sflag:s29] =	ssyncset.done $0x0  }
0x122: {  	s10 =	simm.s32 $0x14C80;
	[sflag:s29] =	ssyncadd.s32 $0xFFFFC180  }
0x123: {  	[spmem:s1] =	stream.indirect.scatter.add.f32 [tilespmem:s2], [sflag:$0x1], $0x80, s10, s0, $0xb8;
	[tilespmem:$0x1AB80] =	vst v63  }
0x124: {  	_ =	swait.ge [sflag:s29], $0x3E80  }
0x125: {  	s6 =	simm.s32 $0x80;
	s7 =	simm.s32 $0x400;
	[sflag:s29] =	ssyncset.done $0x0  }
.LBB2_20:
0x126: {  	s8 =	sadd.s32 $0x13880, s6  }
0x127: {  	[sflag:s29] =	ssyncadd.s32 $0xFFFFC180;
	s9 =	smov.u32 s7;
	s10 =	sadd.s32 $0x200, s7  }
0x128: {  	[tilespmem:s2], [sflag:$0x1] =	stream.indirect.gather [hbm4b:s21+s0], $0x80, s8, s0, $0xb8;
	[tilespmem:$0x1AB80] =	vst v63  }
0x129: {  	p1 =	sne.s32 s7, $0x4E00;
	_ =	swait.ge [sflag:s29], $0x3E80  }
.Ltmp10:
0x12a: {  	[sflag:s29] =	ssyncset.done $0x0;
	(pc) =	sbr.rel @p1 .LBB2_20-.Ltmp10, $4  }
0x12b: {  	s6 =	sadd.s32 $0x14C80, s6;
	[sflag:s29] =	ssyncadd.s32 $0xFFFFC180  }
0x12c: {  	[spmem:s1] =	stream.indirect.scatter.add.f32 [tilespmem:s2], [sflag:$0x1], $0x80, s6, s0, $0xb8;
	[tilespmem:$0x1AB80] =	vst v63  }
0x12d: {  	_ =	swait.ge [sflag:s29], $0x3E80  }
0x12e: {  	s7 =	smov.u32 s10;
	s6 =	sshra.s32 s9, $0x2;
	[sflag:s29] =	ssyncset.done $0x0  }
0x12f: {  	s7 =	sadd.s32 $0x13880, s6;
	[sflag:s29] =	ssyncadd.s32 $0xFFFFC180  }
0x130: {  	[tilespmem:s2], [sflag:$0x1] =	stream.indirect.gather [hbm4b:s21+s0], $0x80, s7, s0, $0xb8;
	[tilespmem:$0x1AB80] =	vst v63  }
0x131: {  	_ =	swait.ge [sflag:s29], $0x3E80  }
0x132: {  	[sflag:s29] =	ssyncset.done $0x0  }
0x133: {  	s7 =	sadd.s32 $0x14C80, s6;
	[sflag:s29] =	ssyncadd.s32 $0xFFFFC180  }
0x134: {  	[spmem:s1] =	stream.indirect.scatter.add.f32 [tilespmem:s2], [sflag:$0x1], $0x80, s7, s0, $0xb8;
	[tilespmem:$0x1AB80] =	vst v63  }
0x135: {  	_ =	swait.ge [sflag:s29], $0x3E80  }
0x136: {  	[sflag:s29] =	ssyncset.done $0x0  }
0x137: {  	s8 =	simm.s32 $0x0;
	[sflag:s29] =	ssyncadd.s32 $0xFFFFC180  }
0x138: {  	[tilespmem:s30], [sflag:$0x1] =	stream.linear.gather [hbm4b:s11+s8], $0x1400, $0x38;
	[tilespmem:$0x1AB80] =	vst v63  }
0x139: {  	_ =	swait.ge [sflag:s29], $0x1400  }
0x13a: {  	[sflag:s29] =	ssyncset.done $0x0  }
0x13b: {  	[sflag:s29] =	ssyncadd.s32 $0xFFFFEC00  }
0x13c: {  	[tilespmem:s31], [sflag:$0x1] =	stream.linear.gather [hbm4b:s12+s8], $0x1400, $0x38;
	[tilespmem:$0x1AB80] =	vst v63  }
0x13d: {  	_ =	swait.ge [sflag:s29], $0x1400  }
0x13e: {  	[sflag:s29] =	ssyncset.done $0x0  }
0x13f: {  	s9 =	simm.s32 $0x13880;
	[sflag:s29] =	ssyncadd.s32 $0xFFFFEC00  }
0x140: {  	[tilespmem:s2], [sflag:$0x1] =	stream.indirect.gather [hbm4b:s21+s0], $0x80, s9, s0, $0xb8;
	[tilespmem:$0x1AB80] =	vst v63  }
0x141: {  	_ =	swait.ge [sflag:s29], $0x3E80  }
0x142: {  	[sflag:s29] =	ssyncset.done $0x0  }
0x143: {  	s10 =	simm.s32 $0x14C80;
	[sflag:s29] =	ssyncadd.s32 $0xFFFFC180  }
0x144: {  	[spmem:s1] =	stream.indirect.scatter.add.f32 [tilespmem:s2], [sflag:$0x1], $0x80, s10, s0, $0xb8;
	[tilespmem:$0x1AB80] =	vst v63  }
0x145: {  	_ =	swait.ge [sflag:s29], $0x3E80  }
0x146: {  	s6 =	simm.s32 $0x80;
	s7 =	simm.s32 $0x400;
	[sflag:s29] =	ssyncset.done $0x0  }
.LBB2_22:
0x147: {  	s8 =	sadd.s32 $0x13880, s6  }
0x148: {  	[sflag:s29] =	ssyncadd.s32 $0xFFFFC180;
	s9 =	smov.u32 s7;
	s10 =	sadd.s32 $0x200, s7  }
0x149: {  	[tilespmem:s2], [sflag:$0x1] =	stream.indirect.gather [hbm4b:s21+s0], $0x80, s8, s0, $0xb8;
	[tilespmem:$0x1AB80] =	vst v63  }
0x14a: {  	p1 =	sne.s32 s7, $0x4E00;
	_ =	swait.ge [sflag:s29], $0x3E80  }
.Ltmp11:
0x14b: {  	[sflag:s29] =	ssyncset.done $0x0;
	(pc) =	sbr.rel @p1 .LBB2_22-.Ltmp11, $4  }
0x14c: {  	s6 =	sadd.s32 $0x14C80, s6;
	[sflag:s29] =	ssyncadd.s32 $0xFFFFC180  }
0x14d: {  	[spmem:s1] =	stream.indirect.scatter.add.f32 [tilespmem:s2], [sflag:$0x1], $0x80, s6, s0, $0xb8;
	[tilespmem:$0x1AB80] =	vst v63  }
0x14e: {  	_ =	swait.ge [sflag:s29], $0x3E80  }
0x14f: {  	s7 =	smov.u32 s10;
	s6 =	sshra.s32 s9, $0x2;
	[sflag:s29] =	ssyncset.done $0x0  }
0x150: {  	s7 =	sadd.s32 $0x13880, s6;
	[sflag:s29] =	ssyncadd.s32 $0xFFFFC180  }
0x151: {  	[tilespmem:s2], [sflag:$0x1] =	stream.indirect.gather [hbm4b:s21+s0], $0x80, s7, s0, $0xb8;
	[tilespmem:$0x1AB80] =	vst v63  }
0x152: {  	_ =	swait.ge [sflag:s29], $0x3E80  }
0x153: {  	[sflag:s29] =	ssyncset.done $0x0  }
0x154: {  	s10 =	sadd.s32 $0x14C80, s6;
	[sflag:s29] =	ssyncadd.s32 $0xFFFFC180  }
0x155: {  	[spmem:s1] =	stream.indirect.scatter.add.f32 [tilespmem:s2], [sflag:$0x1], $0x80, s10, s0, $0xb8;
	[tilespmem:$0x1AB80] =	vst v63  }
0x156: {  	_ =	swait.ge [sflag:s29], $0x3E80  }
0x157: {  	[sflag:s29] =	ssyncset.done $0x0  }
0x158: {  	[sflag:s29] =	ssyncadd.s32 $0xFFFFC180  }
.LBB2_24:
0x159: {  	[bflag:$0x0] =	sbarrier.arrive $0xFFFF  }
0x15a: {  	[tilespmem:s28], [sflag:$0x1] =	stream.linear.gather [spmem:s23], $0xC80, $0x38;
	[tilespmem:$0x1AB80] =	vst v63  }
0x15b: {  	_ =	swait.ge [sflag:s29], $0xC80  }
0x15c: {  	[sflag:s29] =	ssyncset.done $0x0  }
0x15d: {  	s6 =	sadd.s32 $0x0, s26;
	[sflag:s29] =	ssyncadd.s32 $0xFFFFF380  }
0x15e: {  	[hbm4b:s6+s3] =	stream.linear.scatter [tilespmem:s28], [sflag:$0x1], $0xC80, $0x38;
	[tilespmem:$0x1AB80] =	vst v63  }
0x15f: {  	_ =	swait.ge [sflag:s29], $0xC80  }
0x160: {  	s7 =	smov.u32 s23;
	s6 =	simm.s32 $0x190;
	[sflag:s29] =	ssyncset.done $0x0  }
.LBB2_25:
0x161: {  	p1 =	sne.s32 s6, $0x2580;
	[sflag:s29] =	ssyncadd.s32 $0xFFFFF380;
	s7 =	sadd.s32 $0xC80, s7  }
0x162: {  	[tilespmem:s28], [sflag:$0x1] =	stream.linear.gather [spmem:s7], $0xC80, $0x38;
	[tilespmem:$0x1AB80] =	vst v63  }
0x163: {  	s8 =	smov.u32 s6;
	s6 =	sadd.s32 $0x190, s6;
	_ =	swait.ge [sflag:s29], $0xC80  }
.Ltmp12:
0x164: {  	[sflag:s29] =	ssyncset.done $0x0;
	(pc) =	sbr.rel @p1 .LBB2_25-.Ltmp12, $4  }
0x165: {  	s8 =	sadd.s32 s8, s26;
	[sflag:s29] =	ssyncadd.s32 $0xFFFFF380  }
0x166: {  	[hbm4b:s8+s3] =	stream.linear.scatter [tilespmem:s28], [sflag:$0x1], $0xC80, $0x38;
	[tilespmem:$0x1AB80] =	vst v63  }
0x167: {  	_ =	swait.ge [sflag:s29], $0xC80  }
0x168: {  	[sflag:s29] =	ssyncset.done $0x0  }
0x169: {  	s5 =	sadd.s32 $0x1, s5  }
0x16a: {  	p1 =	sne.s32 s5, s22  }
.Ltmp13:
0x16b: {  	_ = 	snop;
	(pc) =	sbr.rel @p1 .LBB2_1-.Ltmp13, $2  }
0x16c: {  	_ =	sdelay $0x2  }
0x16d: {  	[sflag:s29] =	ssyncadd.s32 $0xFFFFF380  }
0x16e: {  	_ =	sfence.sel $0x180000  }
0x16f: {  	[bflag:$0x0] =	sbarrier.arrive $0xFFFF  }
0x170: {  	_ =	strace $0x9000004D  }
0x171: {  	s0 =	stileid.u32;
	[bflag:$0x2] =	sbarrier.arrive $0xFFFF  }
0x172: {  	p0 =	sne.s32 s0, $0x0;
	s0 =	rddreg [dreg:$0x2]  }
0x173: {  	s0 =	sadd.s32 @!p0 $0x100000, s0  }
0x174: {  	[sflag:s0] =	ssyncadd.tile.s32 @!p0 $0x1;
	_ =	shalt  }
.Lfunc_end2:
_tile_overlayer_lowered:
.L_overlay_start_2:
0x175: {  	(tag) =	ssettag $0x2  }
0x176: {  	s0 =	rddreg [dreg:$0x0];
	s2 =	stileid.u32  }
0x177: {  	s1 =	rddreg [dreg:$0x1];
	p0 =	sne.s32 s2, $0x0  }
0x178: {  	s3 =	rddreg [dreg:$0x2];
	[bflag:$0x3] =	sbarrier.arrive $0xFFFF;
	s2 =	simm.s32 @!p0 $0x1C01  }
0x179: {  	[timem:s3], [sflag:s2] =	dma.local @!p0 [hbm:s0], s1  }
0x17a: {  	s0 =	simm.s32 @!p0 $0x1  }
0x17b: {  	_ =	swait.ge @!p0 [sflag:s0], s1  }
0x17c: {  	s1 =	ssub.s32 @!p0 $0x0, s1;
	[sflag:s0] =	ssyncset.done @!p0 $0x0  }
0x17d: {  	[sflag:s0] =	ssyncadd.s32 @!p0 s1  }
0x17e: {  	[bflag:$0x3] =	sbarrier.arrive $0xFFFF  }
0x17f: {  	_ =	shalt  }

// kernel: kernel.9.cloned.1.call-start
scs
__scs_entry_jumppad:
0x0: {  	(pc) =	sbr.rel $0x88, $3  }
0x1: {  	(tag) =	ssettag $0x0;
	lr =	simm.s32 $0x1  }
0x2: {  	[smem:$0x3F94] =	sst lr;
	_ =	strace $0xD0000000  }
0x3: {  	_ = 	snop  }
0x4: {  	_ = 	snop  }
0x5: {  	_ = 	snop  }
0x6: {  	_ = 	snop  }
0x7: {  	_ = 	snop  }
__scs_overlays_trampoline_lowered:
0x8: {  	[smem:$0x3FA3] =	sst s0  }
0x9: {  	[smem:$0x3FA4] =	sst s1  }
0xa: {  	[smem:$0x3FA5] =	sst s2  }
0xb: {  	[smem:$0x3FA6] =	sst s3  }
0xc: {  	[smem:$0x3FA7] =	sst s4  }
0xd: {  	[smem:$0x3FA8] =	sst s5  }
0xe: {  	[smem:$0x3FA9] =	sst s6  }
0xf: {  	[smem:$0x3FAA] =	sst s7  }
0x10: {  	[smem:$0x3FAB] =	sst s8  }
0x11: {  	[smem:$0x3FAC] =	sst s9;
	s0 =	simm.s32 @!p0 $0x0  }
0x12: {  	s1 =	sld [smem:$0x3F92];
	s0 =	simm.s32 @p0 $0x1  }
0x13: {  	[smem:$0x3FAD] =	sst s0;
	s0 =	simm.s32 @!p1 $0x0  }
0x14: {  	s2 =	sld [smem:$0x3F91];
	s0 =	simm.s32 @p1 $0x1  }
0x15: {  	[smem:$0x3FAE] =	sst s0;
	s0 =	simm.s32 @!p2 $0x0  }
0x16: {  	s3 =	sld [smem:$0x3FDB];
	s0 =	simm.s32 @p2 $0x1  }
0x17: {  	s4 =	simm.s32 $0x1BF5;
	[smem:$0x3FB0] =	sst s0  }
0x18: {  	s0 =	sld [smem:$0x3F93];
	_ =	swait.ge [sflag:s4], $0x0  }
0x19: {  	s7 =	sld [smem:$0x3F94]  }
0x1a: {  	s8 =	sadd.s32 $0xFFFFE003, lr  }
0x1b: {  	s9 =	sadd.s32 $0xFFFFFEF7, lr;
	s5 =	simm.s32 $0xFFFFFFFF;
	p2 =	slt.u32 s8, $0xFFFFF086  }
0x1c: {  	p1 =	slt.u32 s9, $0xF7A;
	s5 =	simm.s32 @!p2 $0x0  }
0x1d: {  	s5 =	simm.s32 @p1 $0x1;
	p0 =	seq.s32 s7, s2  }
0x1e: {  	s7 =	smul.u32 @!p0 $0xF7A, s2;
	p2 =	seq.s32 @!p0 s5, $0x0  }
0x1f: {  	s9 =	smul.u32 $0xF7A, s1;
	s8 =	simm.s32 @!p0 $0x1BF5;
	p2 =	por !p2, p0  }
0x20: {  	[sflag:s8] =	ssyncset.s32 @!p0 $0xFFFFF086;
	s6 =	sadd.s32 @!p0 s3, s7;
	s7 =	simm.s32 @!p0 $0x108  }
0x21: {  	s3 =	sadd.s32 s3, s9;
	s6 =	sadd.s32 @!p0 $0x88, s6;
	s7 =	simm.s32 @p2 $0x1082  }
0x22: {  	[simem:s7], [sflag:s8] =	dma.local @!p0 [hbm:s6], $0xF7A  }
0x23: {  	s9 =	sor.u32 $0xD0000000, s2;
	s6 =	simm.s32 $0x108;
	_ =	swait.ge @!p0 [sflag:s8], $0x0  }
0x24: {  	s3 =	sadd.s32 $0x88, s3;
	s6 =	simm.s32 @!p1 $0x1082;
	[sflag:s4] =	ssyncset.s32 $0xFFFFF086  }
0x25: {  	[simem:s6], [sflag:s4] =	dma.local [hbm:s3], $0xF7A  }
0x26: {  	[smem:$0x3F94] =	sst s1;
	(tag) =	ssettag s2;
	_ =	strace s9  }
0x27: {  	s1 =	sld [smem:$0x3FA4]  }
0x28: {  	s2 =	sld [smem:$0x3FA5]  }
0x29: {  	s4 =	sld [smem:$0x3FA7]  }
0x2a: {  	p0 =	seq.s32 s5, $0x0;
	s5 =	sld [smem:$0x3FA8]  }
0x2b: {  	s6 =	sld [smem:$0x3FA9]  }
0x2c: {  	s7 =	sld [smem:$0x3FAA]  }
0x2d: {  	s3 =	simm.s32 $0x108;
	s8 =	sld [smem:$0x3FAB]  }
0x2e: {  	s3 =	simm.s32 @!p0 $0x1082;
	s9 =	sld [smem:$0x3FAC]  }
0x2f: {  	lr =	sadd.s32 s0, s3;
	s0 =	sld [smem:$0x3FA3]  }
0x30: {  	s3 =	sld [smem:$0x3FA6]  }
0x31: {  	[smem:$0x3FAF] =	sst s10  }
0x32: {  	s10 =	sld [smem:$0x3FAD];
	_ =	sdelay $0x3  }
0x33: {  	p0 =	seq.s32 s10, $0x1;
	s10 =	sld [smem:$0x3FAF];
	_ =	sdelay $0x3  }
0x34: {  	[smem:$0x3FAF] =	sst s10  }
0x35: {  	s10 =	sld [smem:$0x3FAE];
	_ =	sdelay $0x3  }
0x36: {  	p1 =	seq.s32 s10, $0x1;
	s10 =	sld [smem:$0x3FAF];
	_ =	sdelay $0x3  }
0x37: {  	[smem:$0x3FAF] =	sst s10  }
0x38: {  	s10 =	sld [smem:$0x3FB0]  }
0x39: {  	_ = 	snop;
	(pc) =	sbr.ind lr, $3  }
0x3a: {  	_ = 	snop  }
0x3b: {  	_ = 	snop  }
0x3c: {  	p2 =	seq.s32 s10, $0x1;
	s10 =	sld [smem:$0x3FAF]  }
0x3d: {  	_ =	shalt  }
0x3e: {  	_ =	shalt  }
0x3f: {  	_ =	shalt  }
0x40: {  	_ =	shalt  }
0x41: {  	_ =	shalt  }
0x42: {  	_ =	shalt  }
0x43: {  	_ =	shalt  }
0x44: {  	_ =	shalt  }
0x45: {  	_ =	shalt  }
0x46: {  	_ =	shalt  }
0x47: {  	_ =	shalt  }
0x48: {  	_ =	shalt  }
0x49: {  	_ =	shalt  }
0x4a: {  	_ =	shalt  }
0x4b: {  	_ =	shalt  }
0x4c: {  	_ =	shalt  }
0x4d: {  	_ =	shalt  }
0x4e: {  	_ =	shalt  }
0x4f: {  	_ =	shalt  }
0x50: {  	_ =	shalt  }
0x51: {  	_ =	shalt  }
0x52: {  	_ =	shalt  }
0x53: {  	_ =	shalt  }
0x54: {  	_ =	shalt  }
0x55: {  	_ =	shalt  }
0x56: {  	_ =	shalt  }
0x57: {  	_ =	shalt  }
0x58: {  	_ =	shalt  }
0x59: {  	_ =	shalt  }
0x5a: {  	_ =	shalt  }
0x5b: {  	_ =	shalt  }
0x5c: {  	_ =	shalt  }
0x5d: {  	_ =	shalt  }
0x5e: {  	_ =	shalt  }
0x5f: {  	_ =	shalt  }
0x60: {  	_ =	shalt  }
0x61: {  	_ =	shalt  }
0x62: {  	_ =	shalt  }
0x63: {  	_ =	shalt  }
0x64: {  	_ =	shalt  }
0x65: {  	_ =	shalt  }
0x66: {  	_ =	shalt  }
0x67: {  	_ =	shalt  }
0x68: {  	_ =	shalt  }
0x69: {  	_ =	shalt  }
0x6a: {  	_ =	shalt  }
0x6b: {  	_ =	shalt  }
0x6c: {  	_ =	shalt  }
0x6d: {  	_ =	shalt  }
0x6e: {  	_ =	shalt  }
0x6f: {  	_ =	shalt  }
0x70: {  	_ =	shalt  }
0x71: {  	_ =	shalt  }
0x72: {  	_ =	shalt  }
0x73: {  	_ =	shalt  }
0x74: {  	_ =	shalt  }
0x75: {  	_ =	shalt  }
0x76: {  	_ =	shalt  }
0x77: {  	_ =	shalt  }
0x78: {  	_ =	shalt  }
0x79: {  	_ =	shalt  }
0x7a: {  	_ =	shalt  }
0x7b: {  	_ =	shalt  }
0x7c: {  	_ =	shalt  }
0x7d: {  	_ =	shalt  }
0x7e: {  	_ =	shalt  }
0x7f: {  	_ =	shalt  }
0x80: {  	_ =	shalt  }
0x81: {  	_ =	shalt  }
0x82: {  	_ =	shalt  }
0x83: {  	_ =	shalt  }
0x84: {  	_ =	shalt  }
0x85: {  	_ =	shalt  }
0x86: {  	_ =	shalt  }
0x87: {  	_ =	shalt  }
.Lfunc_end0:
.L_simem_size_0:
called_computation_lowered:
.L_overlay_start_0:
0x88: {  	s2 =	sld [smem:$0x3FD9]  }
0x89: {  	s3 =	sld [smem:$0x3FFE];
	_ =	sdelay $0x1  }
0x8a: {  	s1 =	srdreg.scid  }
0x8b: {  	s0 =	sand.u32 $0x1, s1  }
0x8c: {  	s17 =	sshll.u32 s0, $0xA;
	s2 =	sadd.s32 s3, s2  }
0x8d: {  	s2 =	sadd.s32 s2, s17  }
0x8e: {  	[smem:$0x3FBB] =	sst s2  }
0x8f: {  	_ = 	snop  }
0x90: {  	s2 =	sld [smem:$0x3FD0];
	(tm) =	ssettm $0x1  }
0x91: {  	s18 =	sld [smem:$0x3FFB];
	_ =	sdelay $0x3  }
0x92: {  	_ =	strace s18  }
0x93: {  	s3 =	sld [smem:$0x3FFC];
	_ =	sdelay $0x3  }
0x94: {  	_ =	strace s3  }
0x95: {  	s3 =	sld [smem:$0x3FFD];
	_ =	sdelay $0x3  }
0x96: {  	_ =	strace s3  }
0x97: {  	_ =	strace $0x8FFFFFFF  }
0x98: {  	s19 =	sld [smem:$0x3FDB];
	_ =	sdelay $0x1  }
0x99: {  	s4 =	simm.s32 $_scs_section_size  }
0x9a: {  	s5 =	simm.s32 $_size__tile_overlayer_lowered;
	s6 =	simm.s32 $_tile_overlayer_lowered  }
0x9b: {  	s22 =	simm.s32 $0x1BFF;
	s21 =	sshll.u32 s6, $0x1;
	s3 =	sadd.s32 s4, s19  }
0x9c: {  	s7 =	simm.s32 $0x0;
	s20 =	sshll.u32 s5, $0x1;
	s5 =	sadd.s32 s21, s3  }
0x9d: {  	[timem:s7], [sflag:s22] =	dma.local [hbm:s5], s20  }
0x9e: {  	_ =	swait.ge [sflag:s22], s20  }
0x9f: {  	s4 =	ssub.s32 $0x0, s20;
	[sflag:s22] =	ssyncset.done $0x0  }
0xa0: {  	[sflag:s22] =	ssyncadd.s32 s4;
	_ =	sdelay $0x1  }
0xa1: {  	s23 =	simm.s32 $0x1B8B  }
0xa2: {  	_ =	swait.ge [sflag:s23], $0x1  }
0xa3: {  	[sflag:s23] =	ssyncset.done $0x0  }
0xa4: {  	s25 =	simm.s32 $0x1B8E;
	s24 =	sld [smem:$0x3FFE];
	[sflag:s23] =	ssyncadd.s32 $0xFFFFFFFF  }
0xa5: {  	s26 =	simm.s32 $execute0_lowered;
	[smem:$0x3FD2] =	sst s25  }
0xa6: {  	s5 =	sshll.u32 s26, $0x1;
	_ =	strace $0x80000046;
	[dreg:$0x1] =	wrdreg $0xFFFFFFFF  }
0xa7: {  	s28 =	simm.s32 $_size_execute0_lowered;
	s3 =	sadd.s32 s3, s5;
	[dreg:$0x0] =	wrdreg $0x0  }
0xa8: {  	s5 =	sshll.u32 s28, $0x1;
	[dreg:$0x2] =	wrdreg s3  }
0xa9: {  	[dreg:$0x3] =	wrdreg s5  }
0xaa: {  	[dreg:$0x4] =	wrdreg $0xC0  }
0xab: {  	_ =	task [dreg:s7], $0x5FFFF  }
0xac: {  	[dreg:$0x1] =	wrdreg $0xFFFFFFFF  }
0xad: {  	[dreg:$0x0] =	wrdreg $0x60  }
0xae: {  	[dreg:$0x2] =	wrdreg s2  }
0xaf: {  	[dreg:$0x3] =	wrdreg s24  }
0xb0: {  	[dreg:$0x4] =	wrdreg $0x0  }
0xb1: {  	[dreg:$0x5] =	wrdreg $0x9  }
0xb2: {  	_ =	task.clear_ibuf [dreg:s7], $0x6FFFF;
	_ =	strace $0x90000046  }
0xb3: {  	s29 =	simm.s32 $0x9;
	_ =	strace $0x80000048  }
0xb4: {  	_ =	swait.ge [sflag:s29], $0x1  }
0xb5: {  	[sflag:s29] =	ssyncadd.s32 $0xFFFFFFFF  }
0xb6: {  	_ =	strace $0x90000048  }
0xb7: {  	_ =	sfence  }
0xb8: {  	s30 =	sld [smem:$0x0];
	_ =	sdelay $0x2  }
0xb9: {  	s31 =	sshll.u32 s1, $0xD;
	s1 =	sshrl.u32 s1, $0x2  }
0xba: {  	s3 =	sand.u32 $0x4000, s31;
	s1 =	sadd.s32 s1, s30  }
0xbb: {  	s0 =	sor.u32 s3, s0;
	s1 =	sshll.u32 s1, $0x11  }
0xbc: {  	s0 =	sor.u32 s1, s0  }
0xbd: {  	s0 =	sadd.s32 $0x8F2B, s0  }
0xbe: {  	[sflag:s0] =	ssyncadd.remote.s32 $0x1  }
0xbf: {  	_ =	sfence.sel $0xFFFF  }
0xc0: {  	[dreg:$0x0] =	wrdreg $0xFFFFFFFF;
	(pc) =	sbr.abs _section_cstart, $3  }
0xc1: {  	[dreg:$0x1] =	wrdreg $0xFFFFFFFF  }
0xc2: {  	_ =	task.clear_ibuf [dreg:s7], $0x2FFFF;
	_ =	strace $0x9FFFFFFF  }
0xc3: {  	(tm) =	ssettm $0x7FFFFFFF  }
tec
execute0_lowered:
.L_overlay_start_1:
0x0: {  	(tag) =	ssettag $0x1  }
0x1: {  	s9 =	rddreg [dreg:$0x0]  }
0x2: {  	s6 =	rddreg [dreg:$0x1]  }
0x3: {  	s1 =	srdreg.scid;
	s0 =	stileid.u32  }
0x4: {  	s2 =	rddreg [dreg:$0x2];
	s3 =	simm.s32 $0x0;
	s14 =	simm.s32 $0x7D  }
0x5: {  	s7 =	sand.u32 $0x1, s1;
	s8 =	smul.u32 $0x2800, s0;
	s1 =	rddreg [dreg:$0x3]  }
0x6: {  	s15 =	simm.s32 $0x0;
	[smem:$0x7FF] =	sst s3;
	s13 =	smul.u32 $0xA00, s0  }
0x7: {  	s10 =	sadd.s32 $0x3400, s6;
	s4 =	smul.u32 $0x28000, s7;
	s31 =	ssub.s32 $0x2, s7  }
0x8: {  	_ =	strace $0x80000047;
	p0 =	seq.s32 s7, $0x1;
	s12 =	sshrl.u32 s31, $0x1  }
0x9: {  	s9 =	smov.u32 @p0 s10;
	s10 =	simm.s32 $0x7800;
	s5 =	sadd.s32 s8, s4  }
0xa: {  	s4 =	sadd.s32 $0xDA00, s6;
	s12 =	ssub.s32 s31, s12;
	s9 =	sadd.s32 s9, s13  }
0xb: {  	s13 =	simm.s32 $0x2800;
	s11 =	sshrl.u32 s5, $0x3;
	s5 =	sadd.s32 $0xD400, s6  }
0xc: {  	s11 =	sadd.s32 s11, s6;
	s6 =	sadd.s32 s8, s2;
	s8 =	smax.u32 s12, $0x1  }
0xd: {  	s12 =	simm.s32 $0x7FD0;
	s7 =	sadd.s32 $0xDC00, s11;
	s11 =	simm.s32 $0x1  }
.LBB2_1:
0xe: {  	[tilespmem:s10], [sflag:$0x1] =	stream.linear.gather [hbm4b:s4+s3], $0x7D0, $0x38;
	[tilespmem:$0xA7D0] =	vst v63  }
0xf: {  	_ =	swait.ge [sflag:s11], $0x7D0  }
0x10: {  	[sflag:s11] =	ssyncset.done $0x0  }
0x11: {  	[sflag:s11] =	ssyncadd.s32 $0xFFFFF830  }
0x12: {  	[tilespmem:s12], [sflag:$0x1] =	stream.linear.gather [hbm4b:s5+s3], $0x2800, $0x38;
	[tilespmem:$0xA7D0] =	vst v63  }
0x13: {  	_ =	swait.ge [sflag:s11], $0x2800  }
0x14: {  	[sflag:s11] =	ssyncset.done $0x0  }
0x15: {  	[sflag:s11] =	ssyncadd.s32 $0xFFFFD800  }
0x16: {  	[spmem:s6] =	stream.linear.scatter [tilespmem:s12], [sflag:$0x1], $0x2800, $0x38;
	[tilespmem:$0xA7D0] =	vst v63  }
0x17: {  	_ =	swait.ge [sflag:s11], $0x2800  }
0x18: {  	[sflag:s11] =	ssyncset.done $0x0  }
0x19: {  	[sflag:s11] =	ssyncadd.s32 $0xFFFFD800  }
0x1a: {  	[tilespmem:s13], [sflag:$0x1] =	stream.linear.gather [hbm4b:s9+s3], $0x5000, $0x38;
	[tilespmem:$0xA7D0] =	vst v63  }
0x1b: {  	_ =	swait.ge [sflag:s11], $0x5000  }
0x1c: {  	[sflag:s11] =	ssyncset.done $0x0  }
0x1d: {  	[sflag:s11] =	ssyncadd.s32 $0xFFFFB000  }
0x1e: {  	s16 =	simm.s32 $0x2800;
	[bflag:$0x0] =	sbarrier.arrive $0xFFFF  }
0x1f: {  	[spmem:s2] =	stream.indirect.scatter.add.f32 [tilespmem:s10], [sflag:$0x1], $0x10, s16, s14, $0xb8;
	[tilespmem:$0xA7D0] =	vst v63  }
0x20: {  	s16 =	simm.s32 $0x200;
	_ =	swait.ge [sflag:s11], $0x7D0  }
.LBB2_2:
0x21: {  	s17 =	sshra.s32 s16, $0x2;
	[sflag:s11] =	ssyncset.done $0x0;
	p0 =	sne.s32 s16, $0x13E00  }
.Ltmp0:
0x22: {  	s17 =	sadd.s32 $0x2800, s17;
	[sflag:s11] =	ssyncadd.s32 $0xFFFFF830;
	(pc) =	sbr.rel @p0 .LBB2_2-.Ltmp0, $3  }
0x23: {  	[spmem:s2] =	stream.indirect.scatter.add.f32 [tilespmem:s10], [sflag:$0x1], $0x10, s17, s14, $0xb8;
	[tilespmem:$0xA7D0] =	vst v63  }
0x24: {  	s16 =	sadd.s32 $0x200, s16;
	_ =	sdelay $0x1  }
0x25: {  	_ =	swait.ge [sflag:s11], $0x7D0  }
0x26: {  	[sflag:s11] =	ssyncset.done $0x0  }
0x27: {  	[sflag:s11] =	ssyncadd.s32 $0xFFFFF830  }
0x28: {  	[bflag:$0x0] =	sbarrier.arrive $0xFFFF  }
0x29: {  	[tilespmem:s12], [sflag:$0x1] =	stream.linear.gather [spmem:s6], $0x2800, $0x38;
	[tilespmem:$0xA7D0] =	vst v63  }
0x2a: {  	s15 =	sadd.s32 $0x1, s15;
	_ =	swait.ge [sflag:s11], $0x2800  }
0x2b: {  	p0 =	sne.s32 s15, s8;
	[sflag:s11] =	ssyncset.done $0x0  }
.Ltmp1:
0x2c: {  	[sflag:s11] =	ssyncadd.s32 $0xFFFFD800;
	(pc) =	sbr.rel @p0 .LBB2_1-.Ltmp1, $4  }
0x2d: {  	[hbm4b:s7+s3] =	stream.linear.scatter [tilespmem:s12], [sflag:$0x1], $0x2800, $0x38;
	[tilespmem:$0xA7D0] =	vst v63  }
0x2e: {  	_ =	swait.ge [sflag:s11], $0x2800  }
0x2f: {  	[sflag:s11] =	ssyncset.done $0x0  }
0x30: {  	[sflag:s11] =	ssyncadd.s32 $0xFFFFD800  }
0x31: {  	_ =	sfence.sel $0x180000  }
0x32: {  	[bflag:$0x0] =	sbarrier.arrive $0xFFFF  }
0x33: {  	p0 =	sne.s32 s0, $0x0;
	_ =	strace $0x90000047  }
0x34: {  	s0 =	sadd.s32 @!p0 $0x100000, s1;
	[bflag:$0x2] =	sbarrier.arrive $0xFFFF  }
0x35: {  	[sflag:s0] =	ssyncadd.tile.s32 @!p0 $0x1;
	_ =	shalt  }
.Lfunc_end2:
_tile_overlayer_lowered:
.L_overlay_start_2:
0x36: {  	(tag) =	ssettag $0x2  }
0x37: {  	s0 =	rddreg [dreg:$0x0];
	s2 =	stileid.u32  }
0x38: {  	s1 =	rddreg [dreg:$0x1];
	p0 =	sne.s32 s2, $0x0  }
0x39: {  	s3 =	rddreg [dreg:$0x2];
	[bflag:$0x3] =	sbarrier.arrive $0xFFFF;
	s2 =	simm.s32 @!p0 $0x1C01  }
0x3a: {  	[timem:s3], [sflag:s2] =	dma.local @!p0 [hbm:s0], s1  }
0x3b: {  	s0 =	simm.s32 @!p0 $0x1  }
0x3c: {  	_ =	swait.ge @!p0 [sflag:s0], s1  }
0x3d: {  	s1 =	ssub.s32 @!p0 $0x0, s1;
	[sflag:s0] =	ssyncset.done @!p0 $0x0  }
0x3e: {  	[sflag:s0] =	ssyncadd.s32 @!p0 s1  }
0x3f: {  	[bflag:$0x3] =	sbarrier.arrive $0xFFFF  }
0x40: {  	_ =	shalt  }

</sc_bundles>
